<compile_context>
chip_gen: v7x
topology: tpu7x:2x2x1
jax: 0.10.2.dev20260603
libtpu: 0.0.44.dev20260713+nightly
codegen_flags: <defaults>
</compile_context>

<pallas_src>
import functools

import jax
import jax.numpy as jnp
from jax import lax
from jax.experimental import pallas as pl
from jax.experimental.pallas import tpu as pltpu
from jax.experimental.pallas import tpu_sc as plsc

HID = 128
HALF = 64
N_NODES = 10000
N_HEDGES = 20000
NNZ = 320000
NC = 2
NS = 16

CREAL = 125
CS = 128
NCHUNK = 160
NB = 10
NBLK = NCHUNK // NB
PAIRS_PER_TILE = NNZ // NS
EPAD = 20480
VPAD = 10240
ROWS_E_TILE = EPAD // NS
ROWS_V_TILE = VPAD // NS
E_TRASH = 20400
VC_PAD = 10300
V_TRASH = 10200

_MESH = plsc.VectorSubcoreMesh(core_axis_name="c", subcore_axis_name="s")
_SC_PARAMS = pltpu.CompilerParams(use_tc_tiling_on_sc=False)


@functools.partial(
    pl.kernel,
    out_type=(
        jax.ShapeDtypeStruct((NC, EPAD, HALF), jnp.float32),
        jax.ShapeDtypeStruct((EPAD, 16), jnp.float32),
        jax.ShapeDtypeStruct((VPAD, 16), jnp.float32),
    ),
    mesh=_MESH,
    compiler_params=_SC_PARAMS,
    scratch_types=(
        pltpu.VMEM((2, NB, CS), jnp.int32),
        pltpu.VMEM((2, NB, CS), jnp.int32),
        pltpu.VMEM((2, NB, CS), jnp.int32),
        pltpu.VMEM((2, CS, HALF), jnp.float32),
        pltpu.VMEM((CS, 16), jnp.float32),
        pltpu.VMEM_SHARED((EPAD, HALF), jnp.float32),
        pltpu.VMEM_SHARED((EPAD, 16), jnp.float32),
        pltpu.SemaphoreType.DMA,
        pltpu.SemaphoreType.DMA,
        pltpu.SemaphoreType.DMA,
        pltpu.SemaphoreType.DMA,
    ),
)
def _sc_pass1(xcat, vg4, vga4, vc4, et4, z64, z16, ones_h,
              s_out, ce_out, cv_out,
              gblk, eblk, cblk, rows, ones_v,
              acc_s, cnt, gsem, ssem, csem, isem):
    c = lax.axis_index("c")
    s = lax.axis_index("s")
    pltpu.sync_copy(ones_h, ones_v)
    pltpu.sync_copy(z64, acc_s.at[pl.ds(s * ROWS_E_TILE, ROWS_E_TILE)])
    pltpu.sync_copy(z16, cnt.at[pl.ds(s * ROWS_E_TILE, ROWS_E_TILE)])
    pltpu.sync_copy(et4.at[s, 0], eblk.at[0])
    pltpu.sync_copy(vc4.at[s, 0], cblk.at[0])

    @pl.when(c == 0)
    def _():
        pltpu.sync_copy(vg4.at[s, 0], gblk.at[0])

    @pl.when(c == 1)
    def _():
        pltpu.sync_copy(vga4.at[s, 0], gblk.at[0])

    plsc.subcore_barrier()
    pltpu.async_copy(xcat.at[gblk.at[0, 0]], rows.at[0], gsem)

    def pair(it, carry):
        for p in (0, 1):
            g = it * 2 + p
            blk = g // NB
            slot = lax.rem(blk, 2)
            row = lax.rem(g, NB)

            @pl.when(g >= 1)
            def _():
                pltpu.make_async_copy(xcat.at[pl.ds(0, CS)], rows.at[1 - p], ssem).wait()
                pltpu.make_async_copy(z16.at[pl.ds(0, CS)], ones_v, csem).wait()

            @pl.when((lax.rem(g, NB) == 0) & (blk + 1 < NBLK))
            def _():
                nslot = lax.rem(blk + 1, 2)
                pltpu.async_copy(et4.at[s, blk + 1], eblk.at[nslot], isem)
                pltpu.async_copy(vc4.at[s, blk + 1], cblk.at[nslot], isem)

                @pl.when(c == 0)
                def _():
                    pltpu.async_copy(vg4.at[s, blk + 1], gblk.at[nslot], isem)

                @pl.when(c == 1)
                def _():
                    pltpu.async_copy(vga4.at[s, blk + 1], gblk.at[nslot], isem)

            pltpu.make_async_copy(xcat.at[pl.ds(0, CS)], rows.at[p], gsem).wait()

            g1 = g + 1

            @pl.when(g1 < NCHUNK)
            def _():
                s1 = lax.rem(g1 // NB, 2)
                r1 = lax.rem(g1, NB)

                @pl.when(lax.rem(g1, NB) == 0)
                def _():
                    for _u in range(3):
                        pltpu.make_async_copy(et4.at[s, 0], eblk.at[0], isem).wait()

                pltpu.async_copy(xcat.at[gblk.at[s1, r1]], rows.at[1 - p], gsem)

            pltpu.async_copy(rows.at[p], acc_s.at[eblk.at[slot, row]], ssem, add=True)

            @pl.when(c == 0)
            def _():
                pltpu.async_copy(ones_v, cnt.at[eblk.at[slot, row]], csem, add=True)

            @pl.when(c == 1)
            def _():
                pltpu.async_copy(ones_v, cnt.at[cblk.at[slot, row]], csem, add=True)

        return carry

    lax.fori_loop(0, NCHUNK // 2, pair, 0)
    pltpu.make_async_copy(xcat.at[pl.ds(0, CS)], rows.at[1], ssem).wait()
    pltpu.make_async_copy(z16.at[pl.ds(0, CS)], ones_v, csem).wait()
    plsc.subcore_barrier()

    pltpu.sync_copy(acc_s.at[pl.ds(s * ROWS_E_TILE, ROWS_E_TILE)],
                    s_out.at[c].at[pl.ds(s * ROWS_E_TILE, ROWS_E_TILE)])

    @pl.when(c == 0)
    def _():
        pltpu.sync_copy(cnt.at[pl.ds(s * ROWS_E_TILE, ROWS_E_TILE)],
                        ce_out.at[pl.ds(s * ROWS_E_TILE, ROWS_E_TILE)])

    @pl.when(c == 1)
    def _():
        pltpu.sync_copy(cnt.at[pl.ds(N_NODES + s * ROWS_V_TILE, ROWS_V_TILE)],
                        cv_out.at[pl.ds(s * ROWS_V_TILE, ROWS_V_TILE)])


@functools.partial(
    pl.kernel,
    out_type=jax.ShapeDtypeStruct((NC, VPAD, HALF), jnp.float32),
    mesh=_MESH,
    compiler_params=_SC_PARAMS,
    scratch_types=(
        pltpu.VMEM((2, NB, CS), jnp.int32),
        pltpu.VMEM((2, NB, CS), jnp.int32),
        pltpu.VMEM((2, CS, HALF), jnp.float32),
        pltpu.VMEM_SHARED((VPAD, HALF), jnp.float32),
        pltpu.SemaphoreType.DMA,
        pltpu.SemaphoreType.DMA,
        pltpu.SemaphoreType.DMA,
    ),
)
def _sc_pass2(ecat, ep4, epa4, vt4, z64,
              v_out,
              gblk, vblk, rows, acc_v, gsem, ssem, isem):
    c = lax.axis_index("c")
    s = lax.axis_index("s")
    pltpu.sync_copy(z64.at[pl.ds(0, ROWS_V_TILE)],
                    acc_v.at[pl.ds(s * ROWS_V_TILE, ROWS_V_TILE)])
    pltpu.sync_copy(vt4.at[s, 0], vblk.at[0])

    @pl.when(c == 0)
    def _():
        pltpu.sync_copy(ep4.at[s, 0], gblk.at[0])

    @pl.when(c == 1)
    def _():
        pltpu.sync_copy(epa4.at[s, 0], gblk.at[0])

    plsc.subcore_barrier()
    pltpu.async_copy(ecat.at[gblk.at[0, 0]], rows.at[0], gsem)

    def pair(it, carry):
        for p in (0, 1):
            g = it * 2 + p
            blk = g // NB
            slot = lax.rem(blk, 2)
            row = lax.rem(g, NB)

            @pl.when(g >= 1)
            def _():
                pltpu.make_async_copy(ecat.at[pl.ds(0, CS)], rows.at[1 - p], ssem).wait()

            @pl.when((lax.rem(g, NB) == 0) & (blk + 1 < NBLK))
            def _():
                nslot = lax.rem(blk + 1, 2)
                pltpu.async_copy(vt4.at[s, blk + 1], vblk.at[nslot], isem)

                @pl.when(c == 0)
                def _():
                    pltpu.async_copy(ep4.at[s, blk + 1], gblk.at[nslot], isem)

                @pl.when(c == 1)
                def _():
                    pltpu.async_copy(epa4.at[s, blk + 1], gblk.at[nslot], isem)

            pltpu.make_async_copy(ecat.at[pl.ds(0, CS)], rows.at[p], gsem).wait()

            g1 = g + 1

            @pl.when(g1 < NCHUNK)
            def _():
                s1 = lax.rem(g1 // NB, 2)
                r1 = lax.rem(g1, NB)

                @pl.when(lax.rem(g1, NB) == 0)
                def _():
                    for _u in range(2):
                        pltpu.make_async_copy(vt4.at[s, 0], vblk.at[0], isem).wait()

                pltpu.async_copy(ecat.at[gblk.at[s1, r1]], rows.at[1 - p], gsem)

            pltpu.async_copy(rows.at[p], acc_v.at[vblk.at[slot, row]], ssem, add=True)
        return carry

    lax.fori_loop(0, NCHUNK // 2, pair, 0)
    pltpu.make_async_copy(ecat.at[pl.ds(0, CS)], rows.at[1], ssem).wait()
    plsc.subcore_barrier()

    pltpu.sync_copy(acc_v.at[pl.ds(s * ROWS_V_TILE, ROWS_V_TILE)],
                    v_out.at[c].at[pl.ds(s * ROWS_V_TILE, ROWS_V_TILE)])


BR1 = 2000
BR2 = 2000


def _tc1_body(s_ref, cnt_ref, e_ref, w1a, w1b, b1, w2a, w2b, b2,
              enew_ref, esplit_ref):
    cnt = cnt_ref[:, 0:1]
    inv = 1.0 / jnp.maximum(cnt, 1.0)
    g = jnp.concatenate([s_ref[0], s_ref[1]], axis=1) * inv
    me = (jnp.dot(g, w1a[...], preferred_element_type=jnp.float32)
          + jnp.dot(e_ref[...], w1b[...], preferred_element_type=jnp.float32)
          + b1[...])
    me = jnp.where(cnt > 0.0, me, 0.0)
    en = (jnp.dot(e_ref[...], w2a[...], preferred_element_type=jnp.float32)
          + jnp.dot(me, w2b[...], preferred_element_type=jnp.float32)
          + b2[...])
    enew_ref[...] = en
    esplit_ref[0] = en[:, :HALF]
    esplit_ref[1] = en[:, HALF:]


_tc1 = pl.pallas_call(
    _tc1_body,
    grid=(N_HEDGES // BR1,),
    in_specs=[
        pl.BlockSpec((NC, BR1, HALF), lambda i: (0, i, 0)),
        pl.BlockSpec((BR1, 16), lambda i: (i, 0)),
        pl.BlockSpec((BR1, HID), lambda i: (i, 0)),
        pl.BlockSpec((HID, HID), lambda i: (0, 0)),
        pl.BlockSpec((HID, HID), lambda i: (0, 0)),
        pl.BlockSpec((1, HID), lambda i: (0, 0)),
        pl.BlockSpec((HID, HID), lambda i: (0, 0)),
        pl.BlockSpec((HID, HID), lambda i: (0, 0)),
        pl.BlockSpec((1, HID), lambda i: (0, 0)),
    ],
    out_specs=[
        pl.BlockSpec((BR1, HID), lambda i: (i, 0)),
        pl.BlockSpec((NC, BR1, HALF), lambda i: (0, i, 0)),
    ],
    out_shape=[
        jax.ShapeDtypeStruct((N_HEDGES, HID), jnp.float32),
        jax.ShapeDtypeStruct((NC, N_HEDGES, HALF), jnp.float32),
    ],
)


def _tc2_body(v_ref, cnt_ref, x_ref, w3a, w3b, b3, w4a, w4b, b4, xnew_ref):
    cnt = cnt_ref[:, 0:1]
    inv = 1.0 / jnp.maximum(cnt, 1.0)
    h = jnp.concatenate([v_ref[0], v_ref[1]], axis=1) * inv
    mv = (jnp.dot(x_ref[...], w3a[...], preferred_element_type=jnp.float32)
          + jnp.dot(h, w3b[...], preferred_element_type=jnp.float32)
          + b3[...])
    mv = jnp.where(cnt > 0.0, mv, 0.0)
    xnew_ref[...] = (jnp.dot(x_ref[...], w4a[...], preferred_element_type=jnp.float32)
                     + jnp.dot(mv, w4b[...], preferred_element_type=jnp.float32)
                     + b4[...])


_tc2 = pl.pallas_call(
    _tc2_body,
    grid=(N_NODES // BR2,),
    in_specs=[
        pl.BlockSpec((NC, BR2, HALF), lambda i: (0, i, 0)),
        pl.BlockSpec((BR2, 16), lambda i: (i, 0)),
        pl.BlockSpec((BR2, HID), lambda i: (i, 0)),
        pl.BlockSpec((HID, HID), lambda i: (0, 0)),
        pl.BlockSpec((HID, HID), lambda i: (0, 0)),
        pl.BlockSpec((1, HID), lambda i: (0, 0)),
        pl.BlockSpec((HID, HID), lambda i: (0, 0)),
        pl.BlockSpec((HID, HID), lambda i: (0, 0)),
        pl.BlockSpec((1, HID), lambda i: (0, 0)),
    ],
    out_specs=pl.BlockSpec((BR2, HID), lambda i: (i, 0)),
    out_shape=jax.ShapeDtypeStruct((N_NODES, HID), jnp.float32),
)


def kernel(X, E, vertex, edges, W1, b1, W2, b2, W3, b3, W4, b4):
    xcat = jnp.concatenate([X[:, :HALF], X[:, HALF:]], axis=0)
    v3 = vertex.reshape(NS, NCHUNK, CREAL)
    e3 = edges.reshape(NS, NCHUNK, CREAL)
    padw = ((0, 0), (0, 0), (0, CS - CREAL))
    shp4 = (NS, NBLK, NB, CS)
    vg4 = jnp.pad(v3, padw).reshape(shp4)
    vga4 = vg4 + N_NODES
    vc4 = (jnp.pad(v3, padw, constant_values=VC_PAD) + N_NODES).reshape(shp4)
    et4 = jnp.pad(e3, padw, constant_values=E_TRASH).reshape(shp4)
    ep4 = jnp.pad(e3, padw).reshape(shp4)
    epa4 = ep4 + N_HEDGES
    vt4 = jnp.pad(v3, padw, constant_values=V_TRASH).reshape(shp4)
    z64 = jnp.zeros((ROWS_E_TILE, HALF), jnp.float32)
    z16 = jnp.zeros((ROWS_E_TILE, 16), jnp.float32)
    ones_h = jnp.ones((CS, 16), jnp.float32)

    s_acc, cnt_e, cnt_v = _sc_pass1(xcat, vg4, vga4, vc4, et4,
                                    z64, z16, ones_h)

    e_new, e_split = _tc1(
        s_acc, cnt_e, E,
        W1[:HID], W1[HID:], b1.reshape(1, HID),
        W2[:HID], W2[HID:], b2.reshape(1, HID),
    )

    ecat = e_split.reshape(NC * N_HEDGES, HALF)
    v_acc = _sc_pass2(ecat, ep4, epa4, vt4, z64)

    x_new = _tc2(
        v_acc, cnt_v, X,
        W3[:HID], W3[HID:], b3.reshape(1, HID),
        W4[:HID], W4[HID:], b4.reshape(1, HID),
    )
    return x_new, e_new

# --- scband reference (transcript-rebuilt; emitter-appended) ---
"""Pipeline reference for scband-mhnnconv-40458591928748 (READ-ONLY COPY).

The authoritative reference and input builder live on the scoring server;
editing this copy changes nothing except your own understanding.
"""

import jax, jax.numpy as jnp
import numpy as np

HID = 128
N_NODES = 10000
N_HEDGES = 20000
NNZ = 320000


def _linear_params(key, fan_in, fan_out):
    k1, k2 = jax.random.split(key)
    bound = 1.0 / np.sqrt(fan_in)
    W = jax.random.uniform(k1, (fan_in, fan_out), jnp.float32, -bound, bound)
    b = jax.random.uniform(k2, (fan_out,), jnp.float32, -bound, bound)
    return W, b


def setup_inputs(seed: int = 0):
    key = jax.random.key(seed)
    ks = jax.random.split(key, 8)
    X = jax.random.normal(ks[0], (N_NODES, HID), jnp.float32)
    E = jax.random.normal(ks[1], (N_HEDGES, HID), jnp.float32)
    vertex = jax.random.randint(ks[2], (NNZ,), 0, N_NODES, jnp.int32)
    edges = jax.random.randint(ks[3], (NNZ,), 0, N_HEDGES, jnp.int32)
    W1, b1 = _linear_params(ks[4], 2 * HID, HID)
    W2, b2 = _linear_params(ks[5], 2 * HID, HID)
    W3, b3 = _linear_params(ks[6], 2 * HID, HID)
    W4, b4 = _linear_params(ks[7], 2 * HID, HID)
    return {"X": X, "E": E, "vertex": vertex, "edges": edges,
            "W1": W1, "b1": b1, "W2": W2, "b2": b2,
            "W3": W3, "b3": b3, "W4": W4, "b4": b4}


def _scatter_mean(vals, idx, num_segments):
    s = jax.ops.segment_sum(vals, idx, num_segments=num_segments)
    cnt = jax.ops.segment_sum(jnp.ones((vals.shape[0], 1), vals.dtype), idx,
                              num_segments=num_segments)
    return s / jnp.maximum(cnt, 1.0)


def reference(X, E, vertex, edges, W1, b1, W2, b2, W3, b3, W4, b4):
    # W1: vertex->edge messages (MLP with 1 layer == single Linear)
    Mve = jnp.concatenate([jnp.take(X, vertex, axis=0),
                           jnp.take(E, edges, axis=0)], axis=-1) @ W1 + b1
    Me = _scatter_mean(Mve, edges, N_HEDGES)
    # W2: hyperedge update
    E_new = jnp.concatenate([E, Me], axis=-1) @ W2 + b2
    # W3: edge->vertex messages
    Mev = jnp.concatenate([jnp.take(X, vertex, axis=0),
                           jnp.take(E_new, edges, axis=0)], axis=-1) @ W3 + b3
    Mv = _scatter_mean(Mev, vertex, N_NODES)
    # W4: node update
    X_new = jnp.concatenate([X, Mv], axis=-1) @ W4 + b4
    return (X_new, E_new)

if __name__ == "__main__":
    import jax
    _d = setup_inputs()
    print(jax.jit(kernel)(*tuple(_d.values())))

</pallas_src>

<mosaic_0001>
#map = affine_map<(d0, d1) -> (0, 0)>
#map1 = affine_map<(d0, d1) -> (0, 0, 0, 0)>
#map2 = affine_map<(d0, d1) -> (0, 0, 0)>
module attributes {stable_mosaic.version = 14 : i64} {
  func.func @_sc_pass1(%arg0: i32, %arg1: i32, %arg2: memref<20000x64xf32, #tpu.memory_space<hbm>>, %arg3: memref<16x16x10x128xi32, #tpu.memory_space<hbm>>, %arg4: memref<16x16x10x128xi32, #tpu.memory_space<hbm>>, %arg5: memref<16x16x10x128xi32, #tpu.memory_space<hbm>>, %arg6: memref<16x16x10x128xi32, #tpu.memory_space<hbm>>, %arg7: memref<1280x64xf32, #tpu.memory_space<hbm>>, %arg8: memref<1280x16xf32, #tpu.memory_space<hbm>>, %arg9: memref<128x16xf32, #tpu.memory_space<hbm>>, %arg10: memref<2x20480x64xf32, #tpu.memory_space<hbm>>, %arg11: memref<20480x16xf32, #tpu.memory_space<hbm>>, %arg12: memref<10240x16xf32, #tpu.memory_space<hbm>>, %arg13: memref<2x10x128xi32, #tpu.memory_space<vmem>>, %arg14: memref<2x10x128xi32, #tpu.memory_space<vmem>>, %arg15: memref<2x10x128xi32, #tpu.memory_space<vmem>>, %arg16: memref<2x128x64xf32, #tpu.memory_space<vmem>>, %arg17: memref<128x16xf32, #tpu.memory_space<vmem>>, %arg18: memref<20480x64xf32, #tpu.memory_space<vmem_shared>>, %arg19: memref<20480x16xf32, #tpu.memory_space<vmem_shared>>, %arg20: memref<!tpu.dma_semaphore, #tpu.memory_space<semaphore_mem>>, %arg21: memref<!tpu.dma_semaphore, #tpu.memory_space<semaphore_mem>>, %arg22: memref<!tpu.dma_semaphore, #tpu.memory_space<semaphore_mem>>, %arg23: memref<!tpu.dma_semaphore, #tpu.memory_space<semaphore_mem>>) attributes {dimension_semantics = [#tpu.dimension_semantics<core_parallel>, #tpu.dimension_semantics<subcore_parallel>], iteration_bounds = array<i64: 2, 16>, scalar_prefetch = 0 : i64, scratch_operands = 11 : i64, tpu.core_type = #tpu.core_type<sc_vector_subcore>, window_params = [{transform_indices = #map}, {transform_indices = #map1}, {transform_indices = #map1}, {transform_indices = #map1}, {transform_indices = #map1}, {transform_indices = #map}, {transform_indices = #map}, {transform_indices = #map}, {transform_indices = #map2}, {transform_indices = #map}, {transform_indices = #map}]} {
    "tpu.region"() ({
      %run_scoped3A_65 = tpu.sem_alloc : memref<!tpu.dma_semaphore, #tpu.memory_space<semaphore_mem>>
      tpu.enqueue_dma source(%arg9 : memref<128x16xf32, #tpu.memory_space<hbm>>) target(%arg17 : memref<128x16xf32, #tpu.memory_space<vmem>>) target_semaphore(%run_scoped3A_65 : memref<!tpu.dma_semaphore, #tpu.memory_space<semaphore_mem>>)
      tpu.wait_dma2 semaphore(%run_scoped3A_65 : memref<!tpu.dma_semaphore, #tpu.memory_space<semaphore_mem>>) src(%arg9 : memref<128x16xf32, #tpu.memory_space<hbm>>) dst(%arg17 : memref<128x16xf32, #tpu.memory_space<vmem>>)
      tpu.yield
    }) : () -> ()
    %mul3A = arith.constant 1280 : i32
    %mul3A_0 = arith.muli %arg1, %mul3A : i32
    "tpu.region"() ({
      %run_scoped3A_65 = tpu.sem_alloc : memref<!tpu.dma_semaphore, #tpu.memory_space<semaphore_mem>>
      %dma_start3A_66 = arith.constant 0 : i32
      %dma_start3A_67 = tpu.memref_slice %arg18[%mul3A_0, %dma_start3A_66] : memref<20480x64xf32, #tpu.memory_space<vmem_shared>> -> memref<1280x64xf32, #tpu.memory_space<vmem_shared>>
      tpu.enqueue_dma source(%arg7 : memref<1280x64xf32, #tpu.memory_space<hbm>>) target(%dma_start3A_67 : memref<1280x64xf32, #tpu.memory_space<vmem_shared>>) target_semaphore(%run_scoped3A_65 : memref<!tpu.dma_semaphore, #tpu.memory_space<semaphore_mem>>)
      %dma_wait3A_68 = arith.constant 0 : i32
      %dma_wait3A_69 = tpu.memref_slice %arg18[%mul3A_0, %dma_wait3A_68] : memref<20480x64xf32, #tpu.memory_space<vmem_shared>> -> memref<1280x64xf32, #tpu.memory_space<vmem_shared>>
      tpu.wait_dma2 semaphore(%run_scoped3A_65 : memref<!tpu.dma_semaphore, #tpu.memory_space<semaphore_mem>>) src(%arg7 : memref<1280x64xf32, #tpu.memory_space<hbm>>) dst(%dma_wait3A_69 : memref<1280x64xf32, #tpu.memory_space<vmem_shared>>)
      tpu.yield
    }) : () -> ()
    %mul3A_1 = arith.constant 1280 : i32
    %mul3A_2 = arith.muli %arg1, %mul3A_1 : i32
    "tpu.region"() ({
      %run_scoped3A_65 = tpu.sem_alloc : memref<!tpu.dma_semaphore, #tpu.memory_space<semaphore_mem>>
      %dma_start3A_66 = arith.constant 0 : i32
      %dma_start3A_67 = tpu.memref_slice %arg19[%mul3A_2, %dma_start3A_66] : memref<20480x16xf32, #tpu.memory_space<vmem_shared>> -> memref<1280x16xf32, #tpu.memory_space<vmem_shared>>
      tpu.enqueue_dma source(%arg8 : memref<1280x16xf32, #tpu.memory_space<hbm>>) target(%dma_start3A_67 : memref<1280x16xf32, #tpu.memory_space<vmem_shared>>) target_semaphore(%run_scoped3A_65 : memref<!tpu.dma_semaphore, #tpu.memory_space<semaphore_mem>>)
      %dma_wait3A_68 = arith.constant 0 : i32
      %dma_wait3A_69 = tpu.memref_slice %arg19[%mul3A_2, %dma_wait3A_68] : memref<20480x16xf32, #tpu.memory_space<vmem_shared>> -> memref<1280x16xf32, #tpu.memory_space<vmem_shared>>
      tpu.wait_dma2 semaphore(%run_scoped3A_65 : memref<!tpu.dma_semaphore, #tpu.memory_space<semaphore_mem>>) src(%arg8 : memref<1280x16xf32, #tpu.memory_space<hbm>>) dst(%dma_wait3A_69 : memref<1280x16xf32, #tpu.memory_space<vmem_shared>>)
      tpu.yield
    }) : () -> ()
    %run_scoped3A = arith.constant 0 : i32
    %run_scoped3A_3 = arith.constant 0 : i32
    "tpu.region"() ({
      %run_scoped3A_65 = tpu.sem_alloc : memref<!tpu.dma_semaphore, #tpu.memory_space<semaphore_mem>>
      %dma_start3A_66 = arith.constant 0 : i32
      %dma_start3A_67 = arith.constant 0 : i32
      %dma_start3A_68 = tpu.memref_slice %arg14[%run_scoped3A_3, %dma_start3A_66, %dma_start3A_67] : memref<2x10x128xi32, #tpu.memory_space<vmem>> -> memref<1x10x128xi32, #tpu.memory_space<vmem>>
      %dma_start3A_69 = tpu.memref_squeeze %dma_start3A_68 : memref<1x10x128xi32, #tpu.memory_space<vmem>> -> memref<10x128xi32, #tpu.memory_space<vmem>>
      %dma_start3A_70 = arith.constant 0 : i32
      %dma_start3A_71 = arith.constant 0 : i32
      %dma_start3A_72 = tpu.memref_slice %arg6[%arg1, %run_scoped3A, %dma_start3A_70, %dma_start3A_71] : memref<16x16x10x128xi32, #tpu.memory_space<hbm>> -> memref<1x1x10x128xi32, #tpu.memory_space<hbm>>
      %dma_start3A_73 = tpu.memref_squeeze %dma_start3A_72 : memref<1x1x10x128xi32, #tpu.memory_space<hbm>> -> memref<10x128xi32, #tpu.memory_space<hbm>>
      %dma_start3A_74 = arith.constant 0 : i32
      %dma_start3A_75 = arith.constant 0 : i32
      %dma_start3A_76 = tpu.memref_slice %arg14[%run_scoped3A_3, %dma_start3A_74, %dma_start3A_75] : memref<2x10x128xi32, #tpu.memory_space<vmem>> -> memref<1x10x128xi32, #tpu.memory_space<vmem>>
      %dma_start3A_77 = tpu.memref_squeeze %dma_start3A_76 : memref<1x10x128xi32, #tpu.memory_space<vmem>> -> memref<10x128xi32, #tpu.memory_space<vmem>>
      %dma_start3A_78 = arith.constant 0 : i32
      %dma_start3A_79 = arith.constant 0 : i32
      %dma_start3A_80 = tpu.memref_slice %arg6[%arg1, %run_scoped3A, %dma_start3A_78, %dma_start3A_79] : memref<16x16x10x128xi32, #tpu.memory_space<hbm>> -> memref<1x1x10x128xi32, #tpu.memory_space<hbm>>
      %dma_start3A_81 = tpu.memref_squeeze %dma_start3A_80 : memref<1x1x10x128xi32, #tpu.memory_space<hbm>> -> memref<10x128xi32, #tpu.memory_space<hbm>>
      tpu.enqueue_dma source(%dma_start3A_81 : memref<10x128xi32, #tpu.memory_space<hbm>>) target(%dma_start3A_77 : memref<10x128xi32, #tpu.memory_space<vmem>>) target_semaphore(%run_scoped3A_65 : memref<!tpu.dma_semaphore, #tpu.memory_space<semaphore_mem>>)
      %dma_wait3A_82 = arith.constant 0 : i32
      %dma_wait3A_83 = arith.constant 0 : i32
      %dma_wait3A_84 = tpu.memref_slice %arg14[%run_scoped3A_3, %dma_wait3A_82, %dma_wait3A_83] : memref<2x10x128xi32, #tpu.memory_space<vmem>> -> memref<1x10x128xi32, #tpu.memory_space<vmem>>
      %dma_wait3A_85 = tpu.memref_squeeze %dma_wait3A_84 : memref<1x10x128xi32, #tpu.memory_space<vmem>> -> memref<10x128xi32, #tpu.memory_space<vmem>>
      %dma_wait3A_86 = arith.constant 0 : i32
      %dma_wait3A_87 = arith.constant 0 : i32
      %dma_wait3A_88 = tpu.memref_slice %arg6[%arg1, %run_scoped3A, %dma_wait3A_86, %dma_wait3A_87] : memref<16x16x10x128xi32, #tpu.memory_space<hbm>> -> memref<1x1x10x128xi32, #tpu.memory_space<hbm>>
      %dma_wait3A_89 = tpu.memref_squeeze %dma_wait3A_88 : memref<1x1x10x128xi32, #tpu.memory_space<hbm>> -> memref<10x128xi32, #tpu.memory_space<hbm>>
      %dma_wait3A_90 = arith.constant 0 : i32
      %dma_wait3A_91 = arith.constant 0 : i32
      %dma_wait3A_92 = tpu.memref_slice %arg14[%run_scoped3A_3, %dma_wait3A_90, %dma_wait3A_91] : memref<2x10x128xi32, #tpu.memory_space<vmem>> -> memref<1x10x128xi32, #tpu.memory_space<vmem>>
      %dma_wait3A_93 = tpu.memref_squeeze %dma_wait3A_92 : memref<1x10x128xi32, #tpu.memory_space<vmem>> -> memref<10x128xi32, #tpu.memory_space<vmem>>
      %dma_wait3A_94 = arith.constant 0 : i32
      %dma_wait3A_95 = arith.constant 0 : i32
      %dma_wait3A_96 = tpu.memref_slice %arg6[%arg1, %run_scoped3A, %dma_wait3A_94, %dma_wait3A_95] : memref<16x16x10x128xi32, #tpu.memory_space<hbm>> -> memref<1x1x10x128xi32, #tpu.memory_space<hbm>>
      %dma_wait3A_97 = tpu.memref_squeeze %dma_wait3A_96 : memref<1x1x10x128xi32, #tpu.memory_space<hbm>> -> memref<10x128xi32, #tpu.memory_space<hbm>>
      tpu.wait_dma2 semaphore(%run_scoped3A_65 : memref<!tpu.dma_semaphore, #tpu.memory_space<semaphore_mem>>) src(%dma_wait3A_97 : memref<10x128xi32, #tpu.memory_space<hbm>>) dst(%dma_wait3A_93 : memref<10x128xi32, #tpu.memory_space<vmem>>)
      tpu.yield
    }) : () -> ()
    %run_scoped3A_4 = arith.constant 0 : i32
    %run_scoped3A_5 = arith.constant 0 : i32
    "tpu.region"() ({
      %run_scoped3A_65 = tpu.sem_alloc : memref<!tpu.dma_semaphore, #tpu.memory_space<semaphore_mem>>
      %dma_start3A_66 = arith.constant 0 : i32
      %dma_start3A_67 = arith.constant 0 : i32
      %dma_start3A_68 = tpu.memref_slice %arg15[%run_scoped3A_5, %dma_start3A_66, %dma_start3A_67] : memref<2x10x128xi32, #tpu.memory_space<vmem>> -> memref<1x10x128xi32, #tpu.memory_space<vmem>>
      %dma_start3A_69 = tpu.memref_squeeze %dma_start3A_68 : memref<1x10x128xi32, #tpu.memory_space<vmem>> -> memref<10x128xi32, #tpu.memory_space<vmem>>
      %dma_start3A_70 = arith.constant 0 : i32
      %dma_start3A_71 = arith.constant 0 : i32
      %dma_start3A_72 = tpu.memref_slice %arg5[%arg1, %run_scoped3A_4, %dma_start3A_70, %dma_start3A_71] : memref<16x16x10x128xi32, #tpu.memory_space<hbm>> -> memref<1x1x10x128xi32, #tpu.memory_space<hbm>>
      %dma_start3A_73 = tpu.memref_squeeze %dma_start3A_72 : memref<1x1x10x128xi32, #tpu.memory_space<hbm>> -> memref<10x128xi32, #tpu.memory_space<hbm>>
      %dma_start3A_74 = arith.constant 0 : i32
      %dma_start3A_75 = arith.constant 0 : i32
      %dma_start3A_76 = tpu.memref_slice %arg15[%run_scoped3A_5, %dma_start3A_74, %dma_start3A_75] : memref<2x10x128xi32, #tpu.memory_space<vmem>> -> memref<1x10x128xi32, #tpu.memory_space<vmem>>
      %dma_start3A_77 = tpu.memref_squeeze %dma_start3A_76 : memref<1x10x128xi32, #tpu.memory_space<vmem>> -> memref<10x128xi32, #tpu.memory_space<vmem>>
      %dma_start3A_78 = arith.constant 0 : i32
      %dma_start3A_79 = arith.constant 0 : i32
      %dma_start3A_80 = tpu.memref_slice %arg5[%arg1, %run_scoped3A_4, %dma_start3A_78, %dma_start3A_79] : memref<16x16x10x128xi32, #tpu.memory_space<hbm>> -> memref<1x1x10x128xi32, #tpu.memory_space<hbm>>
      %dma_start3A_81 = tpu.memref_squeeze %dma_start3A_80 : memref<1x1x10x128xi32, #tpu.memory_space<hbm>> -> memref<10x128xi32, #tpu.memory_space<hbm>>
      tpu.enqueue_dma source(%dma_start3A_81 : memref<10x128xi32, #tpu.memory_space<hbm>>) target(%dma_start3A_77 : memref<10x128xi32, #tpu.memory_space<vmem>>) target_semaphore(%run_scoped3A_65 : memref<!tpu.dma_semaphore, #tpu.memory_space<semaphore_mem>>)
      %dma_wait3A_82 = arith.constant 0 : i32
      %dma_wait3A_83 = arith.constant 0 : i32
      %dma_wait3A_84 = tpu.memref_slice %arg15[%run_scoped3A_5, %dma_wait3A_82, %dma_wait3A_83] : memref<2x10x128xi32, #tpu.memory_space<vmem>> -> memref<1x10x128xi32, #tpu.memory_space<vmem>>
      %dma_wait3A_85 = tpu.memref_squeeze %dma_wait3A_84 : memref<1x10x128xi32, #tpu.memory_space<vmem>> -> memref<10x128xi32, #tpu.memory_space<vmem>>
      %dma_wait3A_86 = arith.constant 0 : i32
      %dma_wait3A_87 = arith.constant 0 : i32
      %dma_wait3A_88 = tpu.memref_slice %arg5[%arg1, %run_scoped3A_4, %dma_wait3A_86, %dma_wait3A_87] : memref<16x16x10x128xi32, #tpu.memory_space<hbm>> -> memref<1x1x10x128xi32, #tpu.memory_space<hbm>>
      %dma_wait3A_89 = tpu.memref_squeeze %dma_wait3A_88 : memref<1x1x10x128xi32, #tpu.memory_space<hbm>> -> memref<10x128xi32, #tpu.memory_space<hbm>>
      %dma_wait3A_90 = arith.constant 0 : i32
      %dma_wait3A_91 = arith.constant 0 : i32
      %dma_wait3A_92 = tpu.memref_slice %arg15[%run_scoped3A_5, %dma_wait3A_90, %dma_wait3A_91] : memref<2x10x128xi32, #tpu.memory_space<vmem>> -> memref<1x10x128xi32, #tpu.memory_space<vmem>>
      %dma_wait3A_93 = tpu.memref_squeeze %dma_wait3A_92 : memref<1x10x128xi32, #tpu.memory_space<vmem>> -> memref<10x128xi32, #tpu.memory_space<vmem>>
      %dma_wait3A_94 = arith.constant 0 : i32
      %dma_wait3A_95 = arith.constant 0 : i32
      %dma_wait3A_96 = tpu.memref_slice %arg5[%arg1, %run_scoped3A_4, %dma_wait3A_94, %dma_wait3A_95] : memref<16x16x10x128xi32, #tpu.memory_space<hbm>> -> memref<1x1x10x128xi32, #tpu.memory_space<hbm>>
      %dma_wait3A_97 = tpu.memref_squeeze %dma_wait3A_96 : memref<1x1x10x128xi32, #tpu.memory_space<hbm>> -> memref<10x128xi32, #tpu.memory_space<hbm>>
      tpu.wait_dma2 semaphore(%run_scoped3A_65 : memref<!tpu.dma_semaphore, #tpu.memory_space<semaphore_mem>>) src(%dma_wait3A_97 : memref<10x128xi32, #tpu.memory_space<hbm>>) dst(%dma_wait3A_93 : memref<10x128xi32, #tpu.memory_space<vmem>>)
      tpu.yield
    }) : () -> ()
    %eq3A = arith.constant 0 : i32
    %eq3A_6 = arith.cmpi eq, %arg0, %eq3A : i32
    %convert_element_type3A = arith.extui %eq3A_6 : i1 to i32
    %cond3A = arith.constant 0 : i32
    %cond3A_7 = arith.cmpi ne, %convert_element_type3A, %cond3A : i32
    scf.if %cond3A_7 {
      %run_scoped3A_65 = arith.constant 0 : i32
      %run_scoped3A_66 = arith.constant 0 : i32
      "tpu.region"() ({
        %run_scoped3A_67 = tpu.sem_alloc : memref<!tpu.dma_semaphore, #tpu.memory_space<semaphore_mem>>
        %dma_start3A_68 = arith.constant 0 : i32
        %dma_start3A_69 = arith.constant 0 : i32
        %dma_start3A_70 = tpu.memref_slice %arg13[%run_scoped3A_66, %dma_start3A_68, %dma_start3A_69] : memref<2x10x128xi32, #tpu.memory_space<vmem>> -> memref<1x10x128xi32, #tpu.memory_space<vmem>>
        %dma_start3A_71 = tpu.memref_squeeze %dma_start3A_70 : memref<1x10x128xi32, #tpu.memory_space<vmem>> -> memref<10x128xi32, #tpu.memory_space<vmem>>
        %dma_start3A_72 = arith.constant 0 : i32
        %dma_start3A_73 = arith.constant 0 : i32
        %dma_start3A_74 = tpu.memref_slice %arg3[%arg1, %run_scoped3A_65, %dma_start3A_72, %dma_start3A_73] : memref<16x16x10x128xi32, #tpu.memory_space<hbm>> -> memref<1x1x10x128xi32, #tpu.memory_space<hbm>>
        %dma_start3A_75 = tpu.memref_squeeze %dma_start3A_74 : memref<1x1x10x128xi32, #tpu.memory_space<hbm>> -> memref<10x128xi32, #tpu.memory_space<hbm>>
        %dma_start3A_76 = arith.constant 0 : i32
        %dma_start3A_77 = arith.constant 0 : i32
        %dma_start3A_78 = tpu.memref_slice %arg13[%run_scoped3A_66, %dma_start3A_76, %dma_start3A_77] : memref<2x10x128xi32, #tpu.memory_space<vmem>> -> memref<1x10x128xi32, #tpu.memory_space<vmem>>
        %dma_start3A_79 = tpu.memref_squeeze %dma_start3A_78 : memref<1x10x128xi32, #tpu.memory_space<vmem>> -> memref<10x128xi32, #tpu.memory_space<vmem>>
        %dma_start3A_80 = arith.constant 0 : i32
        %dma_start3A_81 = arith.constant 0 : i32
        %dma_start3A_82 = tpu.memref_slice %arg3[%arg1, %run_scoped3A_65, %dma_start3A_80, %dma_start3A_81] : memref<16x16x10x128xi32, #tpu.memory_space<hbm>> -> memref<1x1x10x128xi32, #tpu.memory_space<hbm>>
        %dma_start3A_83 = tpu.memref_squeeze %dma_start3A_82 : memref<1x1x10x128xi32, #tpu.memory_space<hbm>> -> memref<10x128xi32, #tpu.memory_space<hbm>>
        tpu.enqueue_dma source(%dma_start3A_83 : memref<10x128xi32, #tpu.memory_space<hbm>>) target(%dma_start3A_79 : memref<10x128xi32, #tpu.memory_space<vmem>>) target_semaphore(%run_scoped3A_67 : memref<!tpu.dma_semaphore, #tpu.memory_space<semaphore_mem>>)
        %dma_wait3A_84 = arith.constant 0 : i32
        %dma_wait3A_85 = arith.constant 0 : i32
        %dma_wait3A_86 = tpu.memref_slice %arg13[%run_scoped3A_66, %dma_wait3A_84, %dma_wait3A_85] : memref<2x10x128xi32, #tpu.memory_space<vmem>> -> memref<1x10x128xi32, #tpu.memory_space<vmem>>
        %dma_wait3A_87 = tpu.memref_squeeze %dma_wait3A_86 : memref<1x10x128xi32, #tpu.memory_space<vmem>> -> memref<10x128xi32, #tpu.memory_space<vmem>>
        %dma_wait3A_88 = arith.constant 0 : i32
        %dma_wait3A_89 = arith.constant 0 : i32
        %dma_wait3A_90 = tpu.memref_slice %arg3[%arg1, %run_scoped3A_65, %dma_wait3A_88, %dma_wait3A_89] : memref<16x16x10x128xi32, #tpu.memory_space<hbm>> -> memref<1x1x10x128xi32, #tpu.memory_space<hbm>>
        %dma_wait3A_91 = tpu.memref_squeeze %dma_wait3A_90 : memref<1x1x10x128xi32, #tpu.memory_space<hbm>> -> memref<10x128xi32, #tpu.memory_space<hbm>>
        %dma_wait3A_92 = arith.constant 0 : i32
        %dma_wait3A_93 = arith.constant 0 : i32
        %dma_wait3A_94 = tpu.memref_slice %arg13[%run_scoped3A_66, %dma_wait3A_92, %dma_wait3A_93] : memref<2x10x128xi32, #tpu.memory_space<vmem>> -> memref<1x10x128xi32, #tpu.memory_space<vmem>>
        %dma_wait3A_95 = tpu.memref_squeeze %dma_wait3A_94 : memref<1x10x128xi32, #tpu.memory_space<vmem>> -> memref<10x128xi32, #tpu.memory_space<vmem>>
        %dma_wait3A_96 = arith.constant 0 : i32
        %dma_wait3A_97 = arith.constant 0 : i32
        %dma_wait3A_98 = tpu.memref_slice %arg3[%arg1, %run_scoped3A_65, %dma_wait3A_96, %dma_wait3A_97] : memref<16x16x10x128xi32, #tpu.memory_space<hbm>> -> memref<1x1x10x128xi32, #tpu.memory_space<hbm>>
        %dma_wait3A_99 = tpu.memref_squeeze %dma_wait3A_98 : memref<1x1x10x128xi32, #tpu.memory_space<hbm>> -> memref<10x128xi32, #tpu.memory_space<hbm>>
        tpu.wait_dma2 semaphore(%run_scoped3A_67 : memref<!tpu.dma_semaphore, #tpu.memory_space<semaphore_mem>>) src(%dma_wait3A_99 : memref<10x128xi32, #tpu.memory_space<hbm>>) dst(%dma_wait3A_95 : memref<10x128xi32, #tpu.memory_space<vmem>>)
        tpu.yield
      }) : () -> ()
    } else {
    }
    %eq3A_8 = arith.constant 1 : i32
    %eq3A_9 = arith.cmpi eq, %arg0, %eq3A_8 : i32
    %convert_element_type3A_10 = arith.extui %eq3A_9 : i1 to i32
    %cond3A_11 = arith.constant 0 : i32
    %cond3A_12 = arith.cmpi ne, %convert_element_type3A_10, %cond3A_11 : i32
    scf.if %cond3A_12 {
      %run_scoped3A_65 = arith.constant 0 : i32
      %run_scoped3A_66 = arith.constant 0 : i32
      "tpu.region"() ({
        %run_scoped3A_67 = tpu.sem_alloc : memref<!tpu.dma_semaphore, #tpu.memory_space<semaphore_mem>>
        %dma_start3A_68 = arith.constant 0 : i32
        %dma_start3A_69 = arith.constant 0 : i32
        %dma_start3A_70 = tpu.memref_slice %arg13[%run_scoped3A_66, %dma_start3A_68, %dma_start3A_69] : memref<2x10x128xi32, #tpu.memory_space<vmem>> -> memref<1x10x128xi32, #tpu.memory_space<vmem>>
        %dma_start3A_71 = tpu.memref_squeeze %dma_start3A_70 : memref<1x10x128xi32, #tpu.memory_space<vmem>> -> memref<10x128xi32, #tpu.memory_space<vmem>>
        %dma_start3A_72 = arith.constant 0 : i32
        %dma_start3A_73 = arith.constant 0 : i32
        %dma_start3A_74 = tpu.memref_slice %arg4[%arg1, %run_scoped3A_65, %dma_start3A_72, %dma_start3A_73] : memref<16x16x10x128xi32, #tpu.memory_space<hbm>> -> memref<1x1x10x128xi32, #tpu.memory_space<hbm>>
        %dma_start3A_75 = tpu.memref_squeeze %dma_start3A_74 : memref<1x1x10x128xi32, #tpu.memory_space<hbm>> -> memref<10x128xi32, #tpu.memory_space<hbm>>
        %dma_start3A_76 = arith.constant 0 : i32
        %dma_start3A_77 = arith.constant 0 : i32
        %dma_start3A_78 = tpu.memref_slice %arg13[%run_scoped3A_66, %dma_start3A_76, %dma_start3A_77] : memref<2x10x128xi32, #tpu.memory_space<vmem>> -> memref<1x10x128xi32, #tpu.memory_space<vmem>>
        %dma_start3A_79 = tpu.memref_squeeze %dma_start3A_78 : memref<1x10x128xi32, #tpu.memory_space<vmem>> -> memref<10x128xi32, #tpu.memory_space<vmem>>
        %dma_start3A_80 = arith.constant 0 : i32
        %dma_start3A_81 = arith.constant 0 : i32
        %dma_start3A_82 = tpu.memref_slice %arg4[%arg1, %run_scoped3A_65, %dma_start3A_80, %dma_start3A_81] : memref<16x16x10x128xi32, #tpu.memory_space<hbm>> -> memref<1x1x10x128xi32, #tpu.memory_space<hbm>>
        %dma_start3A_83 = tpu.memref_squeeze %dma_start3A_82 : memref<1x1x10x128xi32, #tpu.memory_space<hbm>> -> memref<10x128xi32, #tpu.memory_space<hbm>>
        tpu.enqueue_dma source(%dma_start3A_83 : memref<10x128xi32, #tpu.memory_space<hbm>>) target(%dma_start3A_79 : memref<10x128xi32, #tpu.memory_space<vmem>>) target_semaphore(%run_scoped3A_67 : memref<!tpu.dma_semaphore, #tpu.memory_space<semaphore_mem>>)
        %dma_wait3A_84 = arith.constant 0 : i32
        %dma_wait3A_85 = arith.constant 0 : i32
        %dma_wait3A_86 = tpu.memref_slice %arg13[%run_scoped3A_66, %dma_wait3A_84, %dma_wait3A_85] : memref<2x10x128xi32, #tpu.memory_space<vmem>> -> memref<1x10x128xi32, #tpu.memory_space<vmem>>
        %dma_wait3A_87 = tpu.memref_squeeze %dma_wait3A_86 : memref<1x10x128xi32, #tpu.memory_space<vmem>> -> memref<10x128xi32, #tpu.memory_space<vmem>>
        %dma_wait3A_88 = arith.constant 0 : i32
        %dma_wait3A_89 = arith.constant 0 : i32
        %dma_wait3A_90 = tpu.memref_slice %arg4[%arg1, %run_scoped3A_65, %dma_wait3A_88, %dma_wait3A_89] : memref<16x16x10x128xi32, #tpu.memory_space<hbm>> -> memref<1x1x10x128xi32, #tpu.memory_space<hbm>>
        %dma_wait3A_91 = tpu.memref_squeeze %dma_wait3A_90 : memref<1x1x10x128xi32, #tpu.memory_space<hbm>> -> memref<10x128xi32, #tpu.memory_space<hbm>>
        %dma_wait3A_92 = arith.constant 0 : i32
        %dma_wait3A_93 = arith.constant 0 : i32
        %dma_wait3A_94 = tpu.memref_slice %arg13[%run_scoped3A_66, %dma_wait3A_92, %dma_wait3A_93] : memref<2x10x128xi32, #tpu.memory_space<vmem>> -> memref<1x10x128xi32, #tpu.memory_space<vmem>>
        %dma_wait3A_95 = tpu.memref_squeeze %dma_wait3A_94 : memref<1x10x128xi32, #tpu.memory_space<vmem>> -> memref<10x128xi32, #tpu.memory_space<vmem>>
        %dma_wait3A_96 = arith.constant 0 : i32
        %dma_wait3A_97 = arith.constant 0 : i32
        %dma_wait3A_98 = tpu.memref_slice %arg4[%arg1, %run_scoped3A_65, %dma_wait3A_96, %dma_wait3A_97] : memref<16x16x10x128xi32, #tpu.memory_space<hbm>> -> memref<1x1x10x128xi32, #tpu.memory_space<hbm>>
        %dma_wait3A_99 = tpu.memref_squeeze %dma_wait3A_98 : memref<1x1x10x128xi32, #tpu.memory_space<hbm>> -> memref<10x128xi32, #tpu.memory_space<hbm>>
        tpu.wait_dma2 semaphore(%run_scoped3A_67 : memref<!tpu.dma_semaphore, #tpu.memory_space<semaphore_mem>>) src(%dma_wait3A_99 : memref<10x128xi32, #tpu.memory_space<hbm>>) dst(%dma_wait3A_95 : memref<10x128xi32, #tpu.memory_space<vmem>>)
        tpu.yield
      }) : () -> ()
    } else {
    }
    %barrier3A = arith.constant 0 : index
    tpu.barrier barrier_id(%barrier3A)
    %dma_start3A = arith.constant 0 : i32
    %dma_start3A_13 = arith.constant 0 : i32
    %dma_start3A_14 = arith.constant 0 : i32
    %dma_start3A_15 = arith.constant 0 : i32
    %dma_start3A_16 = arith.constant 0 : i32
    %dma_start3A_17 = tpu.memref_slice %arg16[%dma_start3A_14, %dma_start3A_15, %dma_start3A_16] : memref<2x128x64xf32, #tpu.memory_space<vmem>> -> memref<1x128x64xf32, #tpu.memory_space<vmem>>
    %dma_start3A_18 = tpu.memref_squeeze %dma_start3A_17 : memref<1x128x64xf32, #tpu.memory_space<vmem>> -> memref<128x64xf32, #tpu.memory_space<vmem>>
    %dma_start3A_19 = arith.constant 0 : i32
    %dma_start3A_20 = tpu.memref_slice %arg13[%dma_start3A, %dma_start3A_13, %dma_start3A_19] : memref<2x10x128xi32, #tpu.memory_space<vmem>> -> memref<1x1x128xi32, #tpu.memory_space<vmem>>
    %dma_start3A_21 = tpu.memref_squeeze %dma_start3A_20 : memref<1x1x128xi32, #tpu.memory_space<vmem>> -> memref<128xi32, #tpu.memory_space<vmem>>
    %dma_start3A_22 = arith.constant 0 : i32
    %dma_start3A_23 = arith.constant 0 : i32
    %dma_start3A_24 = tpu.memref_slice %arg2[%dma_start3A_22, %dma_start3A_23] : memref<20000x64xf32, #tpu.memory_space<hbm>> -> memref<20000x64xf32, #tpu.memory_space<hbm>>
    tpu.enqueue_indirect_dma source(%dma_start3A_24 : memref<20000x64xf32, #tpu.memory_space<hbm>>) target(%dma_start3A_18 : memref<128x64xf32, #tpu.memory_space<vmem>>) offsets(%dma_start3A_21 : memref<128xi32, #tpu.memory_space<vmem>>) semaphore(%arg20 : memref<!tpu.dma_semaphore, #tpu.memory_space<semaphore_mem>>)
    %scan3A = arith.constant 0 : i32
    %scan3A_25 = arith.constant 0 : i32
    %scan3A_26 = arith.constant 80 : i32
    %scan3A_27 = arith.addi %scan3A_25, %scan3A_26 : i32
    %scan3A_28 = arith.constant 1 : i32
    scf.for %scan3A_65 = %scan3A_25 to %scan3A_27 step %scan3A_28  : i32 {
      %mul3A_66 = arith.constant 2 : i32
      %mul3A_67 = arith.muli %scan3A_65, %mul3A_66 : i32
      %add3A = arith.constant 0 : i32
      %add3A_68 = arith.addi %mul3A_67, %add3A : i32
      %jit3A = arith.constant 10 : i32
      %div3A = arith.divsi %add3A_68, %jit3A : i32
      %sign3A = arith.constant 0 : i32
      %sign3A_69 = arith.cmpi sgt, %add3A_68, %sign3A : i32
      %sign3A_70 = arith.extui %sign3A_69 : i1 to i32
      %sign3A_71 = arith.constant 0 : i32
      %sign3A_72 = arith.cmpi slt, %add3A_68, %sign3A_71 : i32
      %sign3A_73 = arith.extui %sign3A_72 : i1 to i32
      %sign3A_74 = arith.subi %sign3A_70, %sign3A_73 : i32
      %sign3A_75 = arith.constant 0 : i32
      %sign3A_76 = arith.cmpi sgt, %jit3A, %sign3A_75 : i32
      %sign3A_77 = arith.extui %sign3A_76 : i1 to i32
      %sign3A_78 = arith.constant 0 : i32
      %sign3A_79 = arith.cmpi slt, %jit3A, %sign3A_78 : i32
      %sign3A_80 = arith.extui %sign3A_79 : i1 to i32
      %sign3A_81 = arith.subi %sign3A_77, %sign3A_80 : i32
      %ne3A = arith.cmpi ne, %sign3A_74, %sign3A_81 : i32
      %rem3A = arith.remsi %add3A_68, %jit3A : i32
      %ne3A_82 = arith.constant 0 : i32
      %ne3A_83 = arith.cmpi ne, %rem3A, %ne3A_82 : i32
      %and3A = arith.andi %ne3A, %ne3A_83 : i1
      %sub3A = arith.constant 1 : i32
      %sub3A_84 = arith.subi %div3A, %sub3A : i32
      %select_n3A = arith.select %and3A, %sub3A_84, %div3A : i32
      %rem3A_85 = arith.constant 2 : i32
      %rem3A_86 = arith.remsi %select_n3A, %rem3A_85 : i32
      %rem3A_87 = arith.constant 10 : i32
      %rem3A_88 = arith.remsi %add3A_68, %rem3A_87 : i32
      %ge3A = arith.constant 1 : i32
      %ge3A_89 = arith.cmpi sge, %add3A_68, %ge3A : i32
      %convert_element_type3A_90 = arith.extui %ge3A_89 : i1 to i32
      %cond3A_91 = arith.constant 0 : i32
      %cond3A_92 = arith.cmpi ne, %convert_element_type3A_90, %cond3A_91 : i32
      scf.if %cond3A_92 {
        %dma_wait3A_239 = arith.constant 1 : i32
        %dma_wait3A_240 = arith.constant 0 : i32
        %dma_wait3A_241 = arith.constant 0 : i32
        %dma_wait3A_242 = tpu.memref_slice %arg16[%dma_wait3A_239, %dma_wait3A_240, %dma_wait3A_241] : memref<2x128x64xf32, #tpu.memory_space<vmem>> -> memref<1x128x64xf32, #tpu.memory_space<vmem>>
        %dma_wait3A_243 = tpu.memref_squeeze %dma_wait3A_242 : memref<1x128x64xf32, #tpu.memory_space<vmem>> -> memref<128x64xf32, #tpu.memory_space<vmem>>
        %dma_wait3A_244 = arith.constant 0 : i32
        %dma_wait3A_245 = arith.constant 0 : i32
        %dma_wait3A_246 = tpu.memref_slice %arg2[%dma_wait3A_244, %dma_wait3A_245] : memref<20000x64xf32, #tpu.memory_space<hbm>> -> memref<128x64xf32, #tpu.memory_space<hbm>>
        %dma_wait3A_247 = arith.constant 0 : i32
        %dma_wait3A_248 = arith.constant 0 : i32
        %dma_wait3A_249 = tpu.memref_slice %arg16[%dma_wait3A_239, %dma_wait3A_247, %dma_wait3A_248] : memref<2x128x64xf32, #tpu.memory_space<vmem>> -> memref<1x128x64xf32, #tpu.memory_space<vmem>>
        %dma_wait3A_250 = tpu.memref_squeeze %dma_wait3A_249 : memref<1x128x64xf32, #tpu.memory_space<vmem>> -> memref<128x64xf32, #tpu.memory_space<vmem>>
        %dma_wait3A_251 = arith.constant 0 : i32
        %dma_wait3A_252 = arith.constant 0 : i32
        %dma_wait3A_253 = tpu.memref_slice %arg2[%dma_wait3A_251, %dma_wait3A_252] : memref<20000x64xf32, #tpu.memory_space<hbm>> -> memref<128x64xf32, #tpu.memory_space<hbm>>
        tpu.wait_dma2 semaphore(%arg21 : memref<!tpu.dma_semaphore, #tpu.memory_space<semaphore_mem>>) src(%dma_wait3A_253 : memref<128x64xf32, #tpu.memory_space<hbm>>) dst(%dma_wait3A_250 : memref<128x64xf32, #tpu.memory_space<vmem>>)
        %dma_wait3A_254 = arith.constant 0 : i32
        %dma_wait3A_255 = arith.constant 0 : i32
        %dma_wait3A_256 = tpu.memref_slice %arg8[%dma_wait3A_254, %dma_wait3A_255] : memref<1280x16xf32, #tpu.memory_space<hbm>> -> memref<128x16xf32, #tpu.memory_space<hbm>>
        %dma_wait3A_257 = arith.constant 0 : i32
        %dma_wait3A_258 = arith.constant 0 : i32
        %dma_wait3A_259 = tpu.memref_slice %arg8[%dma_wait3A_257, %dma_wait3A_258] : memref<1280x16xf32, #tpu.memory_space<hbm>> -> memref<128x16xf32, #tpu.memory_space<hbm>>
        tpu.wait_dma2 semaphore(%arg22 : memref<!tpu.dma_semaphore, #tpu.memory_space<semaphore_mem>>) src(%dma_wait3A_259 : memref<128x16xf32, #tpu.memory_space<hbm>>) dst(%arg17 : memref<128x16xf32, #tpu.memory_space<vmem>>)
      } else {
      }
      %rem3A_93 = arith.constant 10 : i32
      %rem3A_94 = arith.remsi %add3A_68, %rem3A_93 : i32
      %eq3A_95 = arith.constant 0 : i32
      %eq3A_96 = arith.cmpi eq, %rem3A_94, %eq3A_95 : i32
      %add3A_97 = arith.constant 1 : i32
      %add3A_98 = arith.addi %select_n3A, %add3A_97 : i32
      %lt3A = arith.constant 16 : i32
      %lt3A_99 = arith.cmpi slt, %add3A_98, %lt3A : i32
      %and3A_100 = arith.andi %eq3A_96, %lt3A_99 : i1
      %convert_element_type3A_101 = arith.extui %and3A_100 : i1 to i32
      %cond3A_102 = arith.constant 0 : i32
      %cond3A_103 = arith.cmpi ne, %convert_element_type3A_101, %cond3A_102 : i32
      scf.if %cond3A_103 {
        %add3A_239 = arith.constant 1 : i32
        %add3A_240 = arith.addi %select_n3A, %add3A_239 : i32
        %rem3A_241 = arith.constant 2 : i32
        %rem3A_242 = arith.remsi %add3A_240, %rem3A_241 : i32
        %add3A_243 = arith.constant 1 : i32
        %add3A_244 = arith.addi %select_n3A, %add3A_243 : i32
        %dma_start3A_245 = arith.constant 0 : i32
        %dma_start3A_246 = arith.constant 0 : i32
        %dma_start3A_247 = tpu.memref_slice %arg14[%rem3A_242, %dma_start3A_245, %dma_start3A_246] : memref<2x10x128xi32, #tpu.memory_space<vmem>> -> memref<1x10x128xi32, #tpu.memory_space<vmem>>
        %dma_start3A_248 = tpu.memref_squeeze %dma_start3A_247 : memref<1x10x128xi32, #tpu.memory_space<vmem>> -> memref<10x128xi32, #tpu.memory_space<vmem>>
        %dma_start3A_249 = arith.constant 0 : i32
        %dma_start3A_250 = arith.constant 0 : i32
        %dma_start3A_251 = tpu.memref_slice %arg6[%arg1, %add3A_244, %dma_start3A_249, %dma_start3A_250] : memref<16x16x10x128xi32, #tpu.memory_space<hbm>> -> memref<1x1x10x128xi32, #tpu.memory_space<hbm>>
        %dma_start3A_252 = tpu.memref_squeeze %dma_start3A_251 : memref<1x1x10x128xi32, #tpu.memory_space<hbm>> -> memref<10x128xi32, #tpu.memory_space<hbm>>
        %dma_start3A_253 = arith.constant 0 : i32
        %dma_start3A_254 = arith.constant 0 : i32
        %dma_start3A_255 = tpu.memref_slice %arg14[%rem3A_242, %dma_start3A_253, %dma_start3A_254] : memref<2x10x128xi32, #tpu.memory_space<vmem>> -> memref<1x10x128xi32, #tpu.memory_space<vmem>>
        %dma_start3A_256 = tpu.memref_squeeze %dma_start3A_255 : memref<1x10x128xi32, #tpu.memory_space<vmem>> -> memref<10x128xi32, #tpu.memory_space<vmem>>
        %dma_start3A_257 = arith.constant 0 : i32
        %dma_start3A_258 = arith.constant 0 : i32
        %dma_start3A_259 = tpu.memref_slice %arg6[%arg1, %add3A_244, %dma_start3A_257, %dma_start3A_258] : memref<16x16x10x128xi32, #tpu.memory_space<hbm>> -> memref<1x1x10x128xi32, #tpu.memory_space<hbm>>
        %dma_start3A_260 = tpu.memref_squeeze %dma_start3A_259 : memref<1x1x10x128xi32, #tpu.memory_space<hbm>> -> memref<10x128xi32, #tpu.memory_space<hbm>>
        tpu.enqueue_dma source(%dma_start3A_260 : memref<10x128xi32, #tpu.memory_space<hbm>>) target(%dma_start3A_256 : memref<10x128xi32, #tpu.memory_space<vmem>>) target_semaphore(%arg23 : memref<!tpu.dma_semaphore, #tpu.memory_space<semaphore_mem>>)
        %add3A_261 = arith.constant 1 : i32
        %add3A_262 = arith.addi %select_n3A, %add3A_261 : i32
        %dma_start3A_263 = arith.constant 0 : i32
        %dma_start3A_264 = arith.constant 0 : i32
        %dma_start3A_265 = tpu.memref_slice %arg15[%rem3A_242, %dma_start3A_263, %dma_start3A_264] : memref<2x10x128xi32, #tpu.memory_space<vmem>> -> memref<1x10x128xi32, #tpu.memory_space<vmem>>
        %dma_start3A_266 = tpu.memref_squeeze %dma_start3A_265 : memref<1x10x128xi32, #tpu.memory_space<vmem>> -> memref<10x128xi32, #tpu.memory_space<vmem>>
        %dma_start3A_267 = arith.constant 0 : i32
        %dma_start3A_268 = arith.constant 0 : i32
        %dma_start3A_269 = tpu.memref_slice %arg5[%arg1, %add3A_262, %dma_start3A_267, %dma_start3A_268] : memref<16x16x10x128xi32, #tpu.memory_space<hbm>> -> memref<1x1x10x128xi32, #tpu.memory_space<hbm>>
        %dma_start3A_270 = tpu.memref_squeeze %dma_start3A_269 : memref<1x1x10x128xi32, #tpu.memory_space<hbm>> -> memref<10x128xi32, #tpu.memory_space<hbm>>
        %dma_start3A_271 = arith.constant 0 : i32
        %dma_start3A_272 = arith.constant 0 : i32
        %dma_start3A_273 = tpu.memref_slice %arg15[%rem3A_242, %dma_start3A_271, %dma_start3A_272] : memref<2x10x128xi32, #tpu.memory_space<vmem>> -> memref<1x10x128xi32, #tpu.memory_space<vmem>>
        %dma_start3A_274 = tpu.memref_squeeze %dma_start3A_273 : memref<1x10x128xi32, #tpu.memory_space<vmem>> -> memref<10x128xi32, #tpu.memory_space<vmem>>
        %dma_start3A_275 = arith.constant 0 : i32
        %dma_start3A_276 = arith.constant 0 : i32
        %dma_start3A_277 = tpu.memref_slice %arg5[%arg1, %add3A_262, %dma_start3A_275, %dma_start3A_276] : memref<16x16x10x128xi32, #tpu.memory_space<hbm>> -> memref<1x1x10x128xi32, #tpu.memory_space<hbm>>
        %dma_start3A_278 = tpu.memref_squeeze %dma_start3A_277 : memref<1x1x10x128xi32, #tpu.memory_space<hbm>> -> memref<10x128xi32, #tpu.memory_space<hbm>>
        tpu.enqueue_dma source(%dma_start3A_278 : memref<10x128xi32, #tpu.memory_space<hbm>>) target(%dma_start3A_274 : memref<10x128xi32, #tpu.memory_space<vmem>>) target_semaphore(%arg23 : memref<!tpu.dma_semaphore, #tpu.memory_space<semaphore_mem>>)
        %eq3A_279 = arith.constant 0 : i32
        %eq3A_280 = arith.cmpi eq, %arg0, %eq3A_279 : i32
        %convert_element_type3A_281 = arith.extui %eq3A_280 : i1 to i32
        %cond3A_282 = arith.constant 0 : i32
        %cond3A_283 = arith.cmpi ne, %convert_element_type3A_281, %cond3A_282 : i32
        scf.if %cond3A_283 {
          %add3A_289 = arith.constant 1 : i32
          %add3A_290 = arith.addi %select_n3A, %add3A_289 : i32
          %dma_start3A_291 = arith.constant 0 : i32
          %dma_start3A_292 = arith.constant 0 : i32
          %dma_start3A_293 = tpu.memref_slice %arg13[%rem3A_242, %dma_start3A_291, %dma_start3A_292] : memref<2x10x128xi32, #tpu.memory_space<vmem>> -> memref<1x10x128xi32, #tpu.memory_space<vmem>>
          %dma_start3A_294 = tpu.memref_squeeze %dma_start3A_293 : memref<1x10x128xi32, #tpu.memory_space<vmem>> -> memref<10x128xi32, #tpu.memory_space<vmem>>
          %dma_start3A_295 = arith.constant 0 : i32
          %dma_start3A_296 = arith.constant 0 : i32
          %dma_start3A_297 = tpu.memref_slice %arg3[%arg1, %add3A_290, %dma_start3A_295, %dma_start3A_296] : memref<16x16x10x128xi32, #tpu.memory_space<hbm>> -> memref<1x1x10x128xi32, #tpu.memory_space<hbm>>
          %dma_start3A_298 = tpu.memref_squeeze %dma_start3A_297 : memref<1x1x10x128xi32, #tpu.memory_space<hbm>> -> memref<10x128xi32, #tpu.memory_space<hbm>>
          %dma_start3A_299 = arith.constant 0 : i32
          %dma_start3A_300 = arith.constant 0 : i32
          %dma_start3A_301 = tpu.memref_slice %arg13[%rem3A_242, %dma_start3A_299, %dma_start3A_300] : memref<2x10x128xi32, #tpu.memory_space<vmem>> -> memref<1x10x128xi32, #tpu.memory_space<vmem>>
          %dma_start3A_302 = tpu.memref_squeeze %dma_start3A_301 : memref<1x10x128xi32, #tpu.memory_space<vmem>> -> memref<10x128xi32, #tpu.memory_space<vmem>>
          %dma_start3A_303 = arith.constant 0 : i32
          %dma_start3A_304 = arith.constant 0 : i32
          %dma_start3A_305 = tpu.memref_slice %arg3[%arg1, %add3A_290, %dma_start3A_303, %dma_start3A_304] : memref<16x16x10x128xi32, #tpu.memory_space<hbm>> -> memref<1x1x10x128xi32, #tpu.memory_space<hbm>>
          %dma_start3A_306 = tpu.memref_squeeze %dma_start3A_305 : memref<1x1x10x128xi32, #tpu.memory_space<hbm>> -> memref<10x128xi32, #tpu.memory_space<hbm>>
          tpu.enqueue_dma source(%dma_start3A_306 : memref<10x128xi32, #tpu.memory_space<hbm>>) target(%dma_start3A_302 : memref<10x128xi32, #tpu.memory_space<vmem>>) target_semaphore(%arg23 : memref<!tpu.dma_semaphore, #tpu.memory_space<semaphore_mem>>)
        } else {
        }
        %eq3A_284 = arith.constant 1 : i32
        %eq3A_285 = arith.cmpi eq, %arg0, %eq3A_284 : i32
        %convert_element_type3A_286 = arith.extui %eq3A_285 : i1 to i32
        %cond3A_287 = arith.constant 0 : i32
        %cond3A_288 = arith.cmpi ne, %convert_element_type3A_286, %cond3A_287 : i32
        scf.if %cond3A_288 {
          %add3A_289 = arith.constant 1 : i32
          %add3A_290 = arith.addi %select_n3A, %add3A_289 : i32
          %dma_start3A_291 = arith.constant 0 : i32
          %dma_start3A_292 = arith.constant 0 : i32
          %dma_start3A_293 = tpu.memref_slice %arg13[%rem3A_242, %dma_start3A_291, %dma_start3A_292] : memref<2x10x128xi32, #tpu.memory_space<vmem>> -> memref<1x10x128xi32, #tpu.memory_space<vmem>>
          %dma_start3A_294 = tpu.memref_squeeze %dma_start3A_293 : memref<1x10x128xi32, #tpu.memory_space<vmem>> -> memref<10x128xi32, #tpu.memory_space<vmem>>
          %dma_start3A_295 = arith.constant 0 : i32
          %dma_start3A_296 = arith.constant 0 : i32
          %dma_start3A_297 = tpu.memref_slice %arg4[%arg1, %add3A_290, %dma_start3A_295, %dma_start3A_296] : memref<16x16x10x128xi32, #tpu.memory_space<hbm>> -> memref<1x1x10x128xi32, #tpu.memory_space<hbm>>
          %dma_start3A_298 = tpu.memref_squeeze %dma_start3A_297 : memref<1x1x10x128xi32, #tpu.memory_space<hbm>> -> memref<10x128xi32, #tpu.memory_space<hbm>>
          %dma_start3A_299 = arith.constant 0 : i32
          %dma_start3A_300 = arith.constant 0 : i32
          %dma_start3A_301 = tpu.memref_slice %arg13[%rem3A_242, %dma_start3A_299, %dma_start3A_300] : memref<2x10x128xi32, #tpu.memory_space<vmem>> -> memref<1x10x128xi32, #tpu.memory_space<vmem>>
          %dma_start3A_302 = tpu.memref_squeeze %dma_start3A_301 : memref<1x10x128xi32, #tpu.memory_space<vmem>> -> memref<10x128xi32, #tpu.memory_space<vmem>>
          %dma_start3A_303 = arith.constant 0 : i32
          %dma_start3A_304 = arith.constant 0 : i32
          %dma_start3A_305 = tpu.memref_slice %arg4[%arg1, %add3A_290, %dma_start3A_303, %dma_start3A_304] : memref<16x16x10x128xi32, #tpu.memory_space<hbm>> -> memref<1x1x10x128xi32, #tpu.memory_space<hbm>>
          %dma_start3A_306 = tpu.memref_squeeze %dma_start3A_305 : memref<1x1x10x128xi32, #tpu.memory_space<hbm>> -> memref<10x128xi32, #tpu.memory_space<hbm>>
          tpu.enqueue_dma source(%dma_start3A_306 : memref<10x128xi32, #tpu.memory_space<hbm>>) target(%dma_start3A_302 : memref<10x128xi32, #tpu.memory_space<vmem>>) target_semaphore(%arg23 : memref<!tpu.dma_semaphore, #tpu.memory_space<semaphore_mem>>)
        } else {
        }
      } else {
      }
      %dma_wait3A_104 = arith.constant 0 : i32
      %dma_wait3A_105 = arith.constant 0 : i32
      %dma_wait3A_106 = arith.constant 0 : i32
      %dma_wait3A_107 = tpu.memref_slice %arg16[%dma_wait3A_104, %dma_wait3A_105, %dma_wait3A_106] : memref<2x128x64xf32, #tpu.memory_space<vmem>> -> memref<1x128x64xf32, #tpu.memory_space<vmem>>
      %dma_wait3A_108 = tpu.memref_squeeze %dma_wait3A_107 : memref<1x128x64xf32, #tpu.memory_space<vmem>> -> memref<128x64xf32, #tpu.memory_space<vmem>>
      %dma_wait3A_109 = arith.constant 0 : i32
      %dma_wait3A_110 = arith.constant 0 : i32
      %dma_wait3A_111 = tpu.memref_slice %arg2[%dma_wait3A_109, %dma_wait3A_110] : memref<20000x64xf32, #tpu.memory_space<hbm>> -> memref<128x64xf32, #tpu.memory_space<hbm>>
      %dma_wait3A_112 = arith.constant 0 : i32
      %dma_wait3A_113 = arith.constant 0 : i32
      %dma_wait3A_114 = tpu.memref_slice %arg16[%dma_wait3A_104, %dma_wait3A_112, %dma_wait3A_113] : memref<2x128x64xf32, #tpu.memory_space<vmem>> -> memref<1x128x64xf32, #tpu.memory_space<vmem>>
      %dma_wait3A_115 = tpu.memref_squeeze %dma_wait3A_114 : memref<1x128x64xf32, #tpu.memory_space<vmem>> -> memref<128x64xf32, #tpu.memory_space<vmem>>
      %dma_wait3A_116 = arith.constant 0 : i32
      %dma_wait3A_117 = arith.constant 0 : i32
      %dma_wait3A_118 = tpu.memref_slice %arg2[%dma_wait3A_116, %dma_wait3A_117] : memref<20000x64xf32, #tpu.memory_space<hbm>> -> memref<128x64xf32, #tpu.memory_space<hbm>>
      tpu.wait_dma2 semaphore(%arg20 : memref<!tpu.dma_semaphore, #tpu.memory_space<semaphore_mem>>) src(%dma_wait3A_118 : memref<128x64xf32, #tpu.memory_space<hbm>>) dst(%dma_wait3A_115 : memref<128x64xf32, #tpu.memory_space<vmem>>)
      %add3A_119 = arith.constant 1 : i32
      %add3A_120 = arith.addi %add3A_68, %add3A_119 : i32
      %lt3A_121 = arith.constant 160 : i32
      %lt3A_122 = arith.cmpi slt, %add3A_120, %lt3A_121 : i32
      %convert_element_type3A_123 = arith.extui %lt3A_122 : i1 to i32
      %cond3A_124 = arith.constant 0 : i32
      %cond3A_125 = arith.cmpi ne, %convert_element_type3A_123, %cond3A_124 : i32
      scf.if %cond3A_125 {
        %jit3A_239 = arith.constant 10 : i32
        %div3A_240 = arith.divsi %add3A_120, %jit3A_239 : i32
        %sign3A_241 = arith.constant 0 : i32
        %sign3A_242 = arith.cmpi sgt, %add3A_120, %sign3A_241 : i32
        %sign3A_243 = arith.extui %sign3A_242 : i1 to i32
        %sign3A_244 = arith.constant 0 : i32
        %sign3A_245 = arith.cmpi slt, %add3A_120, %sign3A_244 : i32
        %sign3A_246 = arith.extui %sign3A_245 : i1 to i32
        %sign3A_247 = arith.subi %sign3A_243, %sign3A_246 : i32
        %sign3A_248 = arith.constant 0 : i32
        %sign3A_249 = arith.cmpi sgt, %jit3A_239, %sign3A_248 : i32
        %sign3A_250 = arith.extui %sign3A_249 : i1 to i32
        %sign3A_251 = arith.constant 0 : i32
        %sign3A_252 = arith.cmpi slt, %jit3A_239, %sign3A_251 : i32
        %sign3A_253 = arith.extui %sign3A_252 : i1 to i32
        %sign3A_254 = arith.subi %sign3A_250, %sign3A_253 : i32
        %ne3A_255 = arith.cmpi ne, %sign3A_247, %sign3A_254 : i32
        %rem3A_256 = arith.remsi %add3A_120, %jit3A_239 : i32
        %ne3A_257 = arith.constant 0 : i32
        %ne3A_258 = arith.cmpi ne, %rem3A_256, %ne3A_257 : i32
        %and3A_259 = arith.andi %ne3A_255, %ne3A_258 : i1
        %sub3A_260 = arith.constant 1 : i32
        %sub3A_261 = arith.subi %div3A_240, %sub3A_260 : i32
        %select_n3A_262 = arith.select %and3A_259, %sub3A_261, %div3A_240 : i32
        %rem3A_263 = arith.constant 2 : i32
        %rem3A_264 = arith.remsi %select_n3A_262, %rem3A_263 : i32
        %rem3A_265 = arith.constant 10 : i32
        %rem3A_266 = arith.remsi %add3A_120, %rem3A_265 : i32
        %rem3A_267 = arith.constant 10 : i32
        %rem3A_268 = arith.remsi %add3A_120, %rem3A_267 : i32
        %eq3A_269 = arith.constant 0 : i32
        %eq3A_270 = arith.cmpi eq, %rem3A_268, %eq3A_269 : i32
        %convert_element_type3A_271 = arith.extui %eq3A_270 : i1 to i32
        %cond3A_272 = arith.constant 0 : i32
        %cond3A_273 = arith.cmpi ne, %convert_element_type3A_271, %cond3A_272 : i32
        scf.if %cond3A_273 {
          %dma_wait3A_285 = arith.constant 0 : i32
          %dma_wait3A_286 = arith.constant 0 : i32
          %dma_wait3A_287 = arith.constant 0 : i32
          %dma_wait3A_288 = arith.constant 0 : i32
          %dma_wait3A_289 = tpu.memref_slice %arg14[%dma_wait3A_286, %dma_wait3A_287, %dma_wait3A_288] : memref<2x10x128xi32, #tpu.memory_space<vmem>> -> memref<1x10x128xi32, #tpu.memory_space<vmem>>
          %dma_wait3A_290 = tpu.memref_squeeze %dma_wait3A_289 : memref<1x10x128xi32, #tpu.memory_space<vmem>> -> memref<10x128xi32, #tpu.memory_space<vmem>>
          %dma_wait3A_291 = arith.constant 0 : i32
          %dma_wait3A_292 = arith.constant 0 : i32
          %dma_wait3A_293 = tpu.memref_slice %arg6[%arg1, %dma_wait3A_285, %dma_wait3A_291, %dma_wait3A_292] : memref<16x16x10x128xi32, #tpu.memory_space<hbm>> -> memref<1x1x10x128xi32, #tpu.memory_space<hbm>>
          %dma_wait3A_294 = tpu.memref_squeeze %dma_wait3A_293 : memref<1x1x10x128xi32, #tpu.memory_space<hbm>> -> memref<10x128xi32, #tpu.memory_space<hbm>>
          %dma_wait3A_295 = arith.constant 0 : i32
          %dma_wait3A_296 = arith.constant 0 : i32
          %dma_wait3A_297 = tpu.memref_slice %arg14[%dma_wait3A_286, %dma_wait3A_295, %dma_wait3A_296] : memref<2x10x128xi32, #tpu.memory_space<vmem>> -> memref<1x10x128xi32, #tpu.memory_space<vmem>>
          %dma_wait3A_298 = tpu.memref_squeeze %dma_wait3A_297 : memref<1x10x128xi32, #tpu.memory_space<vmem>> -> memref<10x128xi32, #tpu.memory_space<vmem>>
          %dma_wait3A_299 = arith.constant 0 : i32
          %dma_wait3A_300 = arith.constant 0 : i32
          %dma_wait3A_301 = tpu.memref_slice %arg6[%arg1, %dma_wait3A_285, %dma_wait3A_299, %dma_wait3A_300] : memref<16x16x10x128xi32, #tpu.memory_space<hbm>> -> memref<1x1x10x128xi32, #tpu.memory_space<hbm>>
          %dma_wait3A_302 = tpu.memref_squeeze %dma_wait3A_301 : memref<1x1x10x128xi32, #tpu.memory_space<hbm>> -> memref<10x128xi32, #tpu.memory_space<hbm>>
          tpu.wait_dma2 semaphore(%arg23 : memref<!tpu.dma_semaphore, #tpu.memory_space<semaphore_mem>>) src(%dma_wait3A_302 : memref<10x128xi32, #tpu.memory_space<hbm>>) dst(%dma_wait3A_298 : memref<10x128xi32, #tpu.memory_space<vmem>>)
          %dma_wait3A_303 = arith.constant 0 : i32
          %dma_wait3A_304 = arith.constant 0 : i32
          %dma_wait3A_305 = arith.constant 0 : i32
          %dma_wait3A_306 = arith.constant 0 : i32
          %dma_wait3A_307 = tpu.memref_slice %arg14[%dma_wait3A_304, %dma_wait3A_305, %dma_wait3A_306] : memref<2x10x128xi32, #tpu.memory_space<vmem>> -> memref<1x10x128xi32, #tpu.memory_space<vmem>>
          %dma_wait3A_308 = tpu.memref_squeeze %dma_wait3A_307 : memref<1x10x128xi32, #tpu.memory_space<vmem>> -> memref<10x128xi32, #tpu.memory_space<vmem>>
          %dma_wait3A_309 = arith.constant 0 : i32
          %dma_wait3A_310 = arith.constant 0 : i32
          %dma_wait3A_311 = tpu.memref_slice %arg6[%arg1, %dma_wait3A_303, %dma_wait3A_309, %dma_wait3A_310] : memref<16x16x10x128xi32, #tpu.memory_space<hbm>> -> memref<1x1x10x128xi32, #tpu.memory_space<hbm>>
          %dma_wait3A_312 = tpu.memref_squeeze %dma_wait3A_311 : memref<1x1x10x128xi32, #tpu.memory_space<hbm>> -> memref<10x128xi32, #tpu.memory_space<hbm>>
          %dma_wait3A_313 = arith.constant 0 : i32
          %dma_wait3A_314 = arith.constant 0 : i32
          %dma_wait3A_315 = tpu.memref_slice %arg14[%dma_wait3A_304, %dma_wait3A_313, %dma_wait3A_314] : memref<2x10x128xi32, #tpu.memory_space<vmem>> -> memref<1x10x128xi32, #tpu.memory_space<vmem>>
          %dma_wait3A_316 = tpu.memref_squeeze %dma_wait3A_315 : memref<1x10x128xi32, #tpu.memory_space<vmem>> -> memref<10x128xi32, #tpu.memory_space<vmem>>
          %dma_wait3A_317 = arith.constant 0 : i32
          %dma_wait3A_318 = arith.constant 0 : i32
          %dma_wait3A_319 = tpu.memref_slice %arg6[%arg1, %dma_wait3A_303, %dma_wait3A_317, %dma_wait3A_318] : memref<16x16x10x128xi32, #tpu.memory_space<hbm>> -> memref<1x1x10x128xi32, #tpu.memory_space<hbm>>
          %dma_wait3A_320 = tpu.memref_squeeze %dma_wait3A_319 : memref<1x1x10x128xi32, #tpu.memory_space<hbm>> -> memref<10x128xi32, #tpu.memory_space<hbm>>
          tpu.wait_dma2 semaphore(%arg23 : memref<!tpu.dma_semaphore, #tpu.memory_space<semaphore_mem>>) src(%dma_wait3A_320 : memref<10x128xi32, #tpu.memory_space<hbm>>) dst(%dma_wait3A_316 : memref<10x128xi32, #tpu.memory_space<vmem>>)
          %dma_wait3A_321 = arith.constant 0 : i32
          %dma_wait3A_322 = arith.constant 0 : i32
          %dma_wait3A_323 = arith.constant 0 : i32
          %dma_wait3A_324 = arith.constant 0 : i32
          %dma_wait3A_325 = tpu.memref_slice %arg14[%dma_wait3A_322, %dma_wait3A_323, %dma_wait3A_324] : memref<2x10x128xi32, #tpu.memory_space<vmem>> -> memref<1x10x128xi32, #tpu.memory_space<vmem>>
          %dma_wait3A_326 = tpu.memref_squeeze %dma_wait3A_325 : memref<1x10x128xi32, #tpu.memory_space<vmem>> -> memref<10x128xi32, #tpu.memory_space<vmem>>
          %dma_wait3A_327 = arith.constant 0 : i32
          %dma_wait3A_328 = arith.constant 0 : i32
          %dma_wait3A_329 = tpu.memref_slice %arg6[%arg1, %dma_wait3A_321, %dma_wait3A_327, %dma_wait3A_328] : memref<16x16x10x128xi32, #tpu.memory_space<hbm>> -> memref<1x1x10x128xi32, #tpu.memory_space<hbm>>
          %dma_wait3A_330 = tpu.memref_squeeze %dma_wait3A_329 : memref<1x1x10x128xi32, #tpu.memory_space<hbm>> -> memref<10x128xi32, #tpu.memory_space<hbm>>
          %dma_wait3A_331 = arith.constant 0 : i32
          %dma_wait3A_332 = arith.constant 0 : i32
          %dma_wait3A_333 = tpu.memref_slice %arg14[%dma_wait3A_322, %dma_wait3A_331, %dma_wait3A_332] : memref<2x10x128xi32, #tpu.memory_space<vmem>> -> memref<1x10x128xi32, #tpu.memory_space<vmem>>
          %dma_wait3A_334 = tpu.memref_squeeze %dma_wait3A_333 : memref<1x10x128xi32, #tpu.memory_space<vmem>> -> memref<10x128xi32, #tpu.memory_space<vmem>>
          %dma_wait3A_335 = arith.constant 0 : i32
          %dma_wait3A_336 = arith.constant 0 : i32
          %dma_wait3A_337 = tpu.memref_slice %arg6[%arg1, %dma_wait3A_321, %dma_wait3A_335, %dma_wait3A_336] : memref<16x16x10x128xi32, #tpu.memory_space<hbm>> -> memref<1x1x10x128xi32, #tpu.memory_space<hbm>>
          %dma_wait3A_338 = tpu.memref_squeeze %dma_wait3A_337 : memref<1x1x10x128xi32, #tpu.memory_space<hbm>> -> memref<10x128xi32, #tpu.memory_space<hbm>>
          tpu.wait_dma2 semaphore(%arg23 : memref<!tpu.dma_semaphore, #tpu.memory_space<semaphore_mem>>) src(%dma_wait3A_338 : memref<10x128xi32, #tpu.memory_space<hbm>>) dst(%dma_wait3A_334 : memref<10x128xi32, #tpu.memory_space<vmem>>)
        } else {
        }
        %dma_start3A_274 = arith.constant 1 : i32
        %dma_start3A_275 = arith.constant 0 : i32
        %dma_start3A_276 = arith.constant 0 : i32
        %dma_start3A_277 = tpu.memref_slice %arg16[%dma_start3A_274, %dma_start3A_275, %dma_start3A_276] : memref<2x128x64xf32, #tpu.memory_space<vmem>> -> memref<1x128x64xf32, #tpu.memory_space<vmem>>
        %dma_start3A_278 = tpu.memref_squeeze %dma_start3A_277 : memref<1x128x64xf32, #tpu.memory_space<vmem>> -> memref<128x64xf32, #tpu.memory_space<vmem>>
        %dma_start3A_279 = arith.constant 0 : i32
        %dma_start3A_280 = tpu.memref_slice %arg13[%rem3A_264, %rem3A_266, %dma_start3A_279] : memref<2x10x128xi32, #tpu.memory_space<vmem>> -> memref<1x1x128xi32, #tpu.memory_space<vmem>>
        %dma_start3A_281 = tpu.memref_squeeze %dma_start3A_280 : memref<1x1x128xi32, #tpu.memory_space<vmem>> -> memref<128xi32, #tpu.memory_space<vmem>>
        %dma_start3A_282 = arith.constant 0 : i32
        %dma_start3A_283 = arith.constant 0 : i32
        %dma_start3A_284 = tpu.memref_slice %arg2[%dma_start3A_282, %dma_start3A_283] : memref<20000x64xf32, #tpu.memory_space<hbm>> -> memref<20000x64xf32, #tpu.memory_space<hbm>>
        tpu.enqueue_indirect_dma source(%dma_start3A_284 : memref<20000x64xf32, #tpu.memory_space<hbm>>) target(%dma_start3A_278 : memref<128x64xf32, #tpu.memory_space<vmem>>) offsets(%dma_start3A_281 : memref<128xi32, #tpu.memory_space<vmem>>) semaphore(%arg20 : memref<!tpu.dma_semaphore, #tpu.memory_space<semaphore_mem>>)
      } else {
      }
      %dma_start3A_126 = arith.constant 0 : i32
      %dma_start3A_127 = arith.constant 0 : i32
      %dma_start3A_128 = arith.constant 0 : i32
      %dma_start3A_129 = tpu.memref_slice %arg16[%dma_start3A_126, %dma_start3A_127, %dma_start3A_128] : memref<2x128x64xf32, #tpu.memory_space<vmem>> -> memref<1x128x64xf32, #tpu.memory_space<vmem>>
      %dma_start3A_130 = tpu.memref_squeeze %dma_start3A_129 : memref<1x128x64xf32, #tpu.memory_space<vmem>> -> memref<128x64xf32, #tpu.memory_space<vmem>>
      %dma_start3A_131 = arith.constant 0 : i32
      %dma_start3A_132 = tpu.memref_slice %arg14[%rem3A_86, %rem3A_88, %dma_start3A_131] : memref<2x10x128xi32, #tpu.memory_space<vmem>> -> memref<1x1x128xi32, #tpu.memory_space<vmem>>
      %dma_start3A_133 = tpu.memref_squeeze %dma_start3A_132 : memref<1x1x128xi32, #tpu.memory_space<vmem>> -> memref<128xi32, #tpu.memory_space<vmem>>
      %dma_start3A_134 = arith.constant 0 : i32
      %dma_start3A_135 = arith.constant 0 : i32
      %dma_start3A_136 = tpu.memref_slice %arg18[%dma_start3A_134, %dma_start3A_135] : memref<20480x64xf32, #tpu.memory_space<vmem_shared>> -> memref<20480x64xf32, #tpu.memory_space<vmem_shared>>
      tpu.enqueue_indirect_dma source(%dma_start3A_130 : memref<128x64xf32, #tpu.memory_space<vmem>>) target(%dma_start3A_136 : memref<20480x64xf32, #tpu.memory_space<vmem_shared>>) offsets(%dma_start3A_133 : memref<128xi32, #tpu.memory_space<vmem>>) semaphore(%arg21 : memref<!tpu.dma_semaphore, #tpu.memory_space<semaphore_mem>>) {add = true}
      %eq3A_137 = arith.constant 0 : i32
      %eq3A_138 = arith.cmpi eq, %arg0, %eq3A_137 : i32
      %convert_element_type3A_139 = arith.extui %eq3A_138 : i1 to i32
      %cond3A_140 = arith.constant 0 : i32
      %cond3A_141 = arith.cmpi ne, %convert_element_type3A_139, %cond3A_140 : i32
      scf.if %cond3A_141 {
        %dma_start3A_239 = arith.constant 0 : i32
        %dma_start3A_240 = tpu.memref_slice %arg14[%rem3A_86, %rem3A_88, %dma_start3A_239] : memref<2x10x128xi32, #tpu.memory_space<vmem>> -> memref<1x1x128xi32, #tpu.memory_space<vmem>>
        %dma_start3A_241 = tpu.memref_squeeze %dma_start3A_240 : memref<1x1x128xi32, #tpu.memory_space<vmem>> -> memref<128xi32, #tpu.memory_space<vmem>>
        %dma_start3A_242 = arith.constant 0 : i32
        %dma_start3A_243 = arith.constant 0 : i32
        %dma_start3A_244 = tpu.memref_slice %arg19[%dma_start3A_242, %dma_start3A_243] : memref<20480x16xf32, #tpu.memory_space<vmem_shared>> -> memref<20480x16xf32, #tpu.memory_space<vmem_shared>>
        tpu.enqueue_indirect_dma source(%arg17 : memref<128x16xf32, #tpu.memory_space<vmem>>) target(%dma_start3A_244 : memref<20480x16xf32, #tpu.memory_space<vmem_shared>>) offsets(%dma_start3A_241 : memref<128xi32, #tpu.memory_space<vmem>>) semaphore(%arg22 : memref<!tpu.dma_semaphore, #tpu.memory_space<semaphore_mem>>) {add = true}
      } else {
      }
      %eq3A_142 = arith.constant 1 : i32
      %eq3A_143 = arith.cmpi eq, %arg0, %eq3A_142 : i32
      %convert_element_type3A_144 = arith.extui %eq3A_143 : i1 to i32
      %cond3A_145 = arith.constant 0 : i32
      %cond3A_146 = arith.cmpi ne, %convert_element_type3A_144, %cond3A_145 : i32
      scf.if %cond3A_146 {
        %dma_start3A_239 = arith.constant 0 : i32
        %dma_start3A_240 = tpu.memref_slice %arg15[%rem3A_86, %rem3A_88, %dma_start3A_239] : memref<2x10x128xi32, #tpu.memory_space<vmem>> -> memref<1x1x128xi32, #tpu.memory_space<vmem>>
        %dma_start3A_241 = tpu.memref_squeeze %dma_start3A_240 : memref<1x1x128xi32, #tpu.memory_space<vmem>> -> memref<128xi32, #tpu.memory_space<vmem>>
        %dma_start3A_242 = arith.constant 0 : i32
        %dma_start3A_243 = arith.constant 0 : i32
        %dma_start3A_244 = tpu.memref_slice %arg19[%dma_start3A_242, %dma_start3A_243] : memref<20480x16xf32, #tpu.memory_space<vmem_shared>> -> memref<20480x16xf32, #tpu.memory_space<vmem_shared>>
        tpu.enqueue_indirect_dma source(%arg17 : memref<128x16xf32, #tpu.memory_space<vmem>>) target(%dma_start3A_244 : memref<20480x16xf32, #tpu.memory_space<vmem_shared>>) offsets(%dma_start3A_241 : memref<128xi32, #tpu.memory_space<vmem>>) semaphore(%arg22 : memref<!tpu.dma_semaphore, #tpu.memory_space<semaphore_mem>>) {add = true}
      } else {
      }
      %mul3A_147 = arith.constant 2 : i32
      %mul3A_148 = arith.muli %scan3A_65, %mul3A_147 : i32
      %add3A_149 = arith.constant 1 : i32
      %add3A_150 = arith.addi %mul3A_148, %add3A_149 : i32
      %jit3A_151 = arith.constant 10 : i32
      %div3A_152 = arith.divsi %add3A_150, %jit3A_151 : i32
      %sign3A_153 = arith.constant 0 : i32
      %sign3A_154 = arith.cmpi sgt, %add3A_150, %sign3A_153 : i32
      %sign3A_155 = arith.extui %sign3A_154 : i1 to i32
      %sign3A_156 = arith.constant 0 : i32
      %sign3A_157 = arith.cmpi slt, %add3A_150, %sign3A_156 : i32
      %sign3A_158 = arith.extui %sign3A_157 : i1 to i32
      %sign3A_159 = arith.subi %sign3A_155, %sign3A_158 : i32
      %sign3A_160 = arith.constant 0 : i32
      %sign3A_161 = arith.cmpi sgt, %jit3A_151, %sign3A_160 : i32
      %sign3A_162 = arith.extui %sign3A_161 : i1 to i32
      %sign3A_163 = arith.constant 0 : i32
      %sign3A_164 = arith.cmpi slt, %jit3A_151, %sign3A_163 : i32
      %sign3A_165 = arith.extui %sign3A_164 : i1 to i32
      %sign3A_166 = arith.subi %sign3A_162, %sign3A_165 : i32
      %ne3A_167 = arith.cmpi ne, %sign3A_159, %sign3A_166 : i32
      %rem3A_168 = arith.remsi %add3A_150, %jit3A_151 : i32
      %ne3A_169 = arith.constant 0 : i32
      %ne3A_170 = arith.cmpi ne, %rem3A_168, %ne3A_169 : i32
      %and3A_171 = arith.andi %ne3A_167, %ne3A_170 : i1
      %sub3A_172 = arith.constant 1 : i32
      %sub3A_173 = arith.subi %div3A_152, %sub3A_172 : i32
      %select_n3A_174 = arith.select %and3A_171, %sub3A_173, %div3A_152 : i32
      %rem3A_175 = arith.constant 2 : i32
      %rem3A_176 = arith.remsi %select_n3A_174, %rem3A_175 : i32
      %rem3A_177 = arith.constant 10 : i32
      %rem3A_178 = arith.remsi %add3A_150, %rem3A_177 : i32
      %ge3A_179 = arith.constant 1 : i32
      %ge3A_180 = arith.cmpi sge, %add3A_150, %ge3A_179 : i32
      %convert_element_type3A_181 = arith.extui %ge3A_180 : i1 to i32
      %cond3A_182 = arith.constant 0 : i32
      %cond3A_183 = arith.cmpi ne, %convert_element_type3A_181, %cond3A_182 : i32
      scf.if %cond3A_183 {
        %dma_wait3A_239 = arith.constant 0 : i32
        %dma_wait3A_240 = arith.constant 0 : i32
        %dma_wait3A_241 = arith.constant 0 : i32
        %dma_wait3A_242 = tpu.memref_slice %arg16[%dma_wait3A_239, %dma_wait3A_240, %dma_wait3A_241] : memref<2x128x64xf32, #tpu.memory_space<vmem>> -> memref<1x128x64xf32, #tpu.memory_space<vmem>>
        %dma_wait3A_243 = tpu.memref_squeeze %dma_wait3A_242 : memref<1x128x64xf32, #tpu.memory_space<vmem>> -> memref<128x64xf32, #tpu.memory_space<vmem>>
        %dma_wait3A_244 = arith.constant 0 : i32
        %dma_wait3A_245 = arith.constant 0 : i32
        %dma_wait3A_246 = tpu.memref_slice %arg2[%dma_wait3A_244, %dma_wait3A_245] : memref<20000x64xf32, #tpu.memory_space<hbm>> -> memref<128x64xf32, #tpu.memory_space<hbm>>
        %dma_wait3A_247 = arith.constant 0 : i32
        %dma_wait3A_248 = arith.constant 0 : i32
        %dma_wait3A_249 = tpu.memref_slice %arg16[%dma_wait3A_239, %dma_wait3A_247, %dma_wait3A_248] : memref<2x128x64xf32, #tpu.memory_space<vmem>> -> memref<1x128x64xf32, #tpu.memory_space<vmem>>
        %dma_wait3A_250 = tpu.memref_squeeze %dma_wait3A_249 : memref<1x128x64xf32, #tpu.memory_space<vmem>> -> memref<128x64xf32, #tpu.memory_space<vmem>>
        %dma_wait3A_251 = arith.constant 0 : i32
        %dma_wait3A_252 = arith.constant 0 : i32
        %dma_wait3A_253 = tpu.memref_slice %arg2[%dma_wait3A_251, %dma_wait3A_252] : memref<20000x64xf32, #tpu.memory_space<hbm>> -> memref<128x64xf32, #tpu.memory_space<hbm>>
        tpu.wait_dma2 semaphore(%arg21 : memref<!tpu.dma_semaphore, #tpu.memory_space<semaphore_mem>>) src(%dma_wait3A_253 : memref<128x64xf32, #tpu.memory_space<hbm>>) dst(%dma_wait3A_250 : memref<128x64xf32, #tpu.memory_space<vmem>>)
        %dma_wait3A_254 = arith.constant 0 : i32
        %dma_wait3A_255 = arith.constant 0 : i32
        %dma_wait3A_256 = tpu.memref_slice %arg8[%dma_wait3A_254, %dma_wait3A_255] : memref<1280x16xf32, #tpu.memory_space<hbm>> -> memref<128x16xf32, #tpu.memory_space<hbm>>
        %dma_wait3A_257 = arith.constant 0 : i32
        %dma_wait3A_258 = arith.constant 0 : i32
        %dma_wait3A_259 = tpu.memref_slice %arg8[%dma_wait3A_257, %dma_wait3A_258] : memref<1280x16xf32, #tpu.memory_space<hbm>> -> memref<128x16xf32, #tpu.memory_space<hbm>>
        tpu.wait_dma2 semaphore(%arg22 : memref<!tpu.dma_semaphore, #tpu.memory_space<semaphore_mem>>) src(%dma_wait3A_259 : memref<128x16xf32, #tpu.memory_space<hbm>>) dst(%arg17 : memref<128x16xf32, #tpu.memory_space<vmem>>)
      } else {
      }
      %rem3A_184 = arith.constant 10 : i32
      %rem3A_185 = arith.remsi %add3A_150, %rem3A_184 : i32
      %eq3A_186 = arith.constant 0 : i32
      %eq3A_187 = arith.cmpi eq, %rem3A_185, %eq3A_186 : i32
      %add3A_188 = arith.constant 1 : i32
      %add3A_189 = arith.addi %select_n3A_174, %add3A_188 : i32
      %lt3A_190 = arith.constant 16 : i32
      %lt3A_191 = arith.cmpi slt, %add3A_189, %lt3A_190 : i32
      %and3A_192 = arith.andi %eq3A_187, %lt3A_191 : i1
      %convert_element_type3A_193 = arith.extui %and3A_192 : i1 to i32
      %cond3A_194 = arith.constant 0 : i32
      %cond3A_195 = arith.cmpi ne, %convert_element_type3A_193, %cond3A_194 : i32
      scf.if %cond3A_195 {
        %add3A_239 = arith.constant 1 : i32
        %add3A_240 = arith.addi %select_n3A_174, %add3A_239 : i32
        %rem3A_241 = arith.constant 2 : i32
        %rem3A_242 = arith.remsi %add3A_240, %rem3A_241 : i32
        %add3A_243 = arith.constant 1 : i32
        %add3A_244 = arith.addi %select_n3A_174, %add3A_243 : i32
        %dma_start3A_245 = arith.constant 0 : i32
        %dma_start3A_246 = arith.constant 0 : i32
        %dma_start3A_247 = tpu.memref_slice %arg14[%rem3A_242, %dma_start3A_245, %dma_start3A_246] : memref<2x10x128xi32, #tpu.memory_space<vmem>> -> memref<1x10x128xi32, #tpu.memory_space<vmem>>
        %dma_start3A_248 = tpu.memref_squeeze %dma_start3A_247 : memref<1x10x128xi32, #tpu.memory_space<vmem>> -> memref<10x128xi32, #tpu.memory_space<vmem>>
        %dma_start3A_249 = arith.constant 0 : i32
        %dma_start3A_250 = arith.constant 0 : i32
        %dma_start3A_251 = tpu.memref_slice %arg6[%arg1, %add3A_244, %dma_start3A_249, %dma_start3A_250] : memref<16x16x10x128xi32, #tpu.memory_space<hbm>> -> memref<1x1x10x128xi32, #tpu.memory_space<hbm>>
        %dma_start3A_252 = tpu.memref_squeeze %dma_start3A_251 : memref<1x1x10x128xi32, #tpu.memory_space<hbm>> -> memref<10x128xi32, #tpu.memory_space<hbm>>
        %dma_start3A_253 = arith.constant 0 : i32
        %dma_start3A_254 = arith.constant 0 : i32
        %dma_start3A_255 = tpu.memref_slice %arg14[%rem3A_242, %dma_start3A_253, %dma_start3A_254] : memref<2x10x128xi32, #tpu.memory_space<vmem>> -> memref<1x10x128xi32, #tpu.memory_space<vmem>>
        %dma_start3A_256 = tpu.memref_squeeze %dma_start3A_255 : memref<1x10x128xi32, #tpu.memory_space<vmem>> -> memref<10x128xi32, #tpu.memory_space<vmem>>
        %dma_start3A_257 = arith.constant 0 : i32
        %dma_start3A_258 = arith.constant 0 : i32
        %dma_start3A_259 = tpu.memref_slice %arg6[%arg1, %add3A_244, %dma_start3A_257, %dma_start3A_258] : memref<16x16x10x128xi32, #tpu.memory_space<hbm>> -> memref<1x1x10x128xi32, #tpu.memory_space<hbm>>
        %dma_start3A_260 = tpu.memref_squeeze %dma_start3A_259 : memref<1x1x10x128xi32, #tpu.memory_space<hbm>> -> memref<10x128xi32, #tpu.memory_space<hbm>>
        tpu.enqueue_dma source(%dma_start3A_260 : memref<10x128xi32, #tpu.memory_space<hbm>>) target(%dma_start3A_256 : memref<10x128xi32, #tpu.memory_space<vmem>>) target_semaphore(%arg23 : memref<!tpu.dma_semaphore, #tpu.memory_space<semaphore_mem>>)
        %add3A_261 = arith.constant 1 : i32
        %add3A_262 = arith.addi %select_n3A_174, %add3A_261 : i32
        %dma_start3A_263 = arith.constant 0 : i32
        %dma_start3A_264 = arith.constant 0 : i32
        %dma_start3A_265 = tpu.memref_slice %arg15[%rem3A_242, %dma_start3A_263, %dma_start3A_264] : memref<2x10x128xi32, #tpu.memory_space<vmem>> -> memref<1x10x128xi32, #tpu.memory_space<vmem>>
        %dma_start3A_266 = tpu.memref_squeeze %dma_start3A_265 : memref<1x10x128xi32, #tpu.memory_space<vmem>> -> memref<10x128xi32, #tpu.memory_space<vmem>>
        %dma_start3A_267 = arith.constant 0 : i32
        %dma_start3A_268 = arith.constant 0 : i32
        %dma_start3A_269 = tpu.memref_slice %arg5[%arg1, %add3A_262, %dma_start3A_267, %dma_start3A_268] : memref<16x16x10x128xi32, #tpu.memory_space<hbm>> -> memref<1x1x10x128xi32, #tpu.memory_space<hbm>>
        %dma_start3A_270 = tpu.memref_squeeze %dma_start3A_269 : memref<1x1x10x128xi32, #tpu.memory_space<hbm>> -> memref<10x128xi32, #tpu.memory_space<hbm>>
        %dma_start3A_271 = arith.constant 0 : i32
        %dma_start3A_272 = arith.constant 0 : i32
        %dma_start3A_273 = tpu.memref_slice %arg15[%rem3A_242, %dma_start3A_271, %dma_start3A_272] : memref<2x10x128xi32, #tpu.memory_space<vmem>> -> memref<1x10x128xi32, #tpu.memory_space<vmem>>
        %dma_start3A_274 = tpu.memref_squeeze %dma_start3A_273 : memref<1x10x128xi32, #tpu.memory_space<vmem>> -> memref<10x128xi32, #tpu.memory_space<vmem>>
        %dma_start3A_275 = arith.constant 0 : i32
        %dma_start3A_276 = arith.constant 0 : i32
        %dma_start3A_277 = tpu.memref_slice %arg5[%arg1, %add3A_262, %dma_start3A_275, %dma_start3A_276] : memref<16x16x10x128xi32, #tpu.memory_space<hbm>> -> memref<1x1x10x128xi32, #tpu.memory_space<hbm>>
        %dma_start3A_278 = tpu.memref_squeeze %dma_start3A_277 : memref<1x1x10x128xi32, #tpu.memory_space<hbm>> -> memref<10x128xi32, #tpu.memory_space<hbm>>
        tpu.enqueue_dma source(%dma_start3A_278 : memref<10x128xi32, #tpu.memory_space<hbm>>) target(%dma_start3A_274 : memref<10x128xi32, #tpu.memory_space<vmem>>) target_semaphore(%arg23 : memref<!tpu.dma_semaphore, #tpu.memory_space<semaphore_mem>>)
        %eq3A_279 = arith.constant 0 : i32
        %eq3A_280 = arith.cmpi eq, %arg0, %eq3A_279 : i32
        %convert_element_type3A_281 = arith.extui %eq3A_280 : i1 to i32
        %cond3A_282 = arith.constant 0 : i32
        %cond3A_283 = arith.cmpi ne, %convert_element_type3A_281, %cond3A_282 : i32
        scf.if %cond3A_283 {
          %add3A_289 = arith.constant 1 : i32
          %add3A_290 = arith.addi %select_n3A_174, %add3A_289 : i32
          %dma_start3A_291 = arith.constant 0 : i32
          %dma_start3A_292 = arith.constant 0 : i32
          %dma_start3A_293 = tpu.memref_slice %arg13[%rem3A_242, %dma_start3A_291, %dma_start3A_292] : memref<2x10x128xi32, #tpu.memory_space<vmem>> -> memref<1x10x128xi32, #tpu.memory_space<vmem>>
          %dma_start3A_294 = tpu.memref_squeeze %dma_start3A_293 : memref<1x10x128xi32, #tpu.memory_space<vmem>> -> memref<10x128xi32, #tpu.memory_space<vmem>>
          %dma_start3A_295 = arith.constant 0 : i32
          %dma_start3A_296 = arith.constant 0 : i32
          %dma_start3A_297 = tpu.memref_slice %arg3[%arg1, %add3A_290, %dma_start3A_295, %dma_start3A_296] : memref<16x16x10x128xi32, #tpu.memory_space<hbm>> -> memref<1x1x10x128xi32, #tpu.memory_space<hbm>>
          %dma_start3A_298 = tpu.memref_squeeze %dma_start3A_297 : memref<1x1x10x128xi32, #tpu.memory_space<hbm>> -> memref<10x128xi32, #tpu.memory_space<hbm>>
          %dma_start3A_299 = arith.constant 0 : i32
          %dma_start3A_300 = arith.constant 0 : i32
          %dma_start3A_301 = tpu.memref_slice %arg13[%rem3A_242, %dma_start3A_299, %dma_start3A_300] : memref<2x10x128xi32, #tpu.memory_space<vmem>> -> memref<1x10x128xi32, #tpu.memory_space<vmem>>
          %dma_start3A_302 = tpu.memref_squeeze %dma_start3A_301 : memref<1x10x128xi32, #tpu.memory_space<vmem>> -> memref<10x128xi32, #tpu.memory_space<vmem>>
          %dma_start3A_303 = arith.constant 0 : i32
          %dma_start3A_304 = arith.constant 0 : i32
          %dma_start3A_305 = tpu.memref_slice %arg3[%arg1, %add3A_290, %dma_start3A_303, %dma_start3A_304] : memref<16x16x10x128xi32, #tpu.memory_space<hbm>> -> memref<1x1x10x128xi32, #tpu.memory_space<hbm>>
          %dma_start3A_306 = tpu.memref_squeeze %dma_start3A_305 : memref<1x1x10x128xi32, #tpu.memory_space<hbm>> -> memref<10x128xi32, #tpu.memory_space<hbm>>
          tpu.enqueue_dma source(%dma_start3A_306 : memref<10x128xi32, #tpu.memory_space<hbm>>) target(%dma_start3A_302 : memref<10x128xi32, #tpu.memory_space<vmem>>) target_semaphore(%arg23 : memref<!tpu.dma_semaphore, #tpu.memory_space<semaphore_mem>>)
        } else {
        }
        %eq3A_284 = arith.constant 1 : i32
        %eq3A_285 = arith.cmpi eq, %arg0, %eq3A_284 : i32
        %convert_element_type3A_286 = arith.extui %eq3A_285 : i1 to i32
        %cond3A_287 = arith.constant 0 : i32
        %cond3A_288 = arith.cmpi ne, %convert_element_type3A_286, %cond3A_287 : i32
        scf.if %cond3A_288 {
          %add3A_289 = arith.constant 1 : i32
          %add3A_290 = arith.addi %select_n3A_174, %add3A_289 : i32
          %dma_start3A_291 = arith.constant 0 : i32
          %dma_start3A_292 = arith.constant 0 : i32
          %dma_start3A_293 = tpu.memref_slice %arg13[%rem3A_242, %dma_start3A_291, %dma_start3A_292] : memref<2x10x128xi32, #tpu.memory_space<vmem>> -> memref<1x10x128xi32, #tpu.memory_space<vmem>>
          %dma_start3A_294 = tpu.memref_squeeze %dma_start3A_293 : memref<1x10x128xi32, #tpu.memory_space<vmem>> -> memref<10x128xi32, #tpu.memory_space<vmem>>
          %dma_start3A_295 = arith.constant 0 : i32
          %dma_start3A_296 = arith.constant 0 : i32
          %dma_start3A_297 = tpu.memref_slice %arg4[%arg1, %add3A_290, %dma_start3A_295, %dma_start3A_296] : memref<16x16x10x128xi32, #tpu.memory_space<hbm>> -> memref<1x1x10x128xi32, #tpu.memory_space<hbm>>
          %dma_start3A_298 = tpu.memref_squeeze %dma_start3A_297 : memref<1x1x10x128xi32, #tpu.memory_space<hbm>> -> memref<10x128xi32, #tpu.memory_space<hbm>>
          %dma_start3A_299 = arith.constant 0 : i32
          %dma_start3A_300 = arith.constant 0 : i32
          %dma_start3A_301 = tpu.memref_slice %arg13[%rem3A_242, %dma_start3A_299, %dma_start3A_300] : memref<2x10x128xi32, #tpu.memory_space<vmem>> -> memref<1x10x128xi32, #tpu.memory_space<vmem>>
          %dma_start3A_302 = tpu.memref_squeeze %dma_start3A_301 : memref<1x10x128xi32, #tpu.memory_space<vmem>> -> memref<10x128xi32, #tpu.memory_space<vmem>>
          %dma_start3A_303 = arith.constant 0 : i32
          %dma_start3A_304 = arith.constant 0 : i32
          %dma_start3A_305 = tpu.memref_slice %arg4[%arg1, %add3A_290, %dma_start3A_303, %dma_start3A_304] : memref<16x16x10x128xi32, #tpu.memory_space<hbm>> -> memref<1x1x10x128xi32, #tpu.memory_space<hbm>>
          %dma_start3A_306 = tpu.memref_squeeze %dma_start3A_305 : memref<1x1x10x128xi32, #tpu.memory_space<hbm>> -> memref<10x128xi32, #tpu.memory_space<hbm>>
          tpu.enqueue_dma source(%dma_start3A_306 : memref<10x128xi32, #tpu.memory_space<hbm>>) target(%dma_start3A_302 : memref<10x128xi32, #tpu.memory_space<vmem>>) target_semaphore(%arg23 : memref<!tpu.dma_semaphore, #tpu.memory_space<semaphore_mem>>)
        } else {
        }
      } else {
      }
      %dma_wait3A_196 = arith.constant 1 : i32
      %dma_wait3A_197 = arith.constant 0 : i32
      %dma_wait3A_198 = arith.constant 0 : i32
      %dma_wait3A_199 = tpu.memref_slice %arg16[%dma_wait3A_196, %dma_wait3A_197, %dma_wait3A_198] : memref<2x128x64xf32, #tpu.memory_space<vmem>> -> memref<1x128x64xf32, #tpu.memory_space<vmem>>
      %dma_wait3A_200 = tpu.memref_squeeze %dma_wait3A_199 : memref<1x128x64xf32, #tpu.memory_space<vmem>> -> memref<128x64xf32, #tpu.memory_space<vmem>>
      %dma_wait3A_201 = arith.constant 0 : i32
      %dma_wait3A_202 = arith.constant 0 : i32
      %dma_wait3A_203 = tpu.memref_slice %arg2[%dma_wait3A_201, %dma_wait3A_202] : memref<20000x64xf32, #tpu.memory_space<hbm>> -> memref<128x64xf32, #tpu.memory_space<hbm>>
      %dma_wait3A_204 = arith.constant 0 : i32
      %dma_wait3A_205 = arith.constant 0 : i32
      %dma_wait3A_206 = tpu.memref_slice %arg16[%dma_wait3A_196, %dma_wait3A_204, %dma_wait3A_205] : memref<2x128x64xf32, #tpu.memory_space<vmem>> -> memref<1x128x64xf32, #tpu.memory_space<vmem>>
      %dma_wait3A_207 = tpu.memref_squeeze %dma_wait3A_206 : memref<1x128x64xf32, #tpu.memory_space<vmem>> -> memref<128x64xf32, #tpu.memory_space<vmem>>
      %dma_wait3A_208 = arith.constant 0 : i32
      %dma_wait3A_209 = arith.constant 0 : i32
      %dma_wait3A_210 = tpu.memref_slice %arg2[%dma_wait3A_208, %dma_wait3A_209] : memref<20000x64xf32, #tpu.memory_space<hbm>> -> memref<128x64xf32, #tpu.memory_space<hbm>>
      tpu.wait_dma2 semaphore(%arg20 : memref<!tpu.dma_semaphore, #tpu.memory_space<semaphore_mem>>) src(%dma_wait3A_210 : memref<128x64xf32, #tpu.memory_space<hbm>>) dst(%dma_wait3A_207 : memref<128x64xf32, #tpu.memory_space<vmem>>)
      %add3A_211 = arith.constant 1 : i32
      %add3A_212 = arith.addi %add3A_150, %add3A_211 : i32
      %lt3A_213 = arith.constant 160 : i32
      %lt3A_214 = arith.cmpi slt, %add3A_212, %lt3A_213 : i32
      %convert_element_type3A_215 = arith.extui %lt3A_214 : i1 to i32
      %cond3A_216 = arith.constant 0 : i32
      %cond3A_217 = arith.cmpi ne, %convert_element_type3A_215, %cond3A_216 : i32
      scf.if %cond3A_217 {
        %jit3A_239 = arith.constant 10 : i32
        %div3A_240 = arith.divsi %add3A_212, %jit3A_239 : i32
        %sign3A_241 = arith.constant 0 : i32
        %sign3A_242 = arith.cmpi sgt, %add3A_212, %sign3A_241 : i32
        %sign3A_243 = arith.extui %sign3A_242 : i1 to i32
        %sign3A_244 = arith.constant 0 : i32
        %sign3A_245 = arith.cmpi slt, %add3A_212, %sign3A_244 : i32
        %sign3A_246 = arith.extui %sign3A_245 : i1 to i32
        %sign3A_247 = arith.subi %sign3A_243, %sign3A_246 : i32
        %sign3A_248 = arith.constant 0 : i32
        %sign3A_249 = arith.cmpi sgt, %jit3A_239, %sign3A_248 : i32
        %sign3A_250 = arith.extui %sign3A_249 : i1 to i32
        %sign3A_251 = arith.constant 0 : i32
        %sign3A_252 = arith.cmpi slt, %jit3A_239, %sign3A_251 : i32
        %sign3A_253 = arith.extui %sign3A_252 : i1 to i32
        %sign3A_254 = arith.subi %sign3A_250, %sign3A_253 : i32
        %ne3A_255 = arith.cmpi ne, %sign3A_247, %sign3A_254 : i32
        %rem3A_256 = arith.remsi %add3A_212, %jit3A_239 : i32
        %ne3A_257 = arith.constant 0 : i32
        %ne3A_258 = arith.cmpi ne, %rem3A_256, %ne3A_257 : i32
        %and3A_259 = arith.andi %ne3A_255, %ne3A_258 : i1
        %sub3A_260 = arith.constant 1 : i32
        %sub3A_261 = arith.subi %div3A_240, %sub3A_260 : i32
        %select_n3A_262 = arith.select %and3A_259, %sub3A_261, %div3A_240 : i32
        %rem3A_263 = arith.constant 2 : i32
        %rem3A_264 = arith.remsi %select_n3A_262, %rem3A_263 : i32
        %rem3A_265 = arith.constant 10 : i32
        %rem3A_266 = arith.remsi %add3A_212, %rem3A_265 : i32
        %rem3A_267 = arith.constant 10 : i32
        %rem3A_268 = arith.remsi %add3A_212, %rem3A_267 : i32
        %eq3A_269 = arith.constant 0 : i32
        %eq3A_270 = arith.cmpi eq, %rem3A_268, %eq3A_269 : i32
        %convert_element_type3A_271 = arith.extui %eq3A_270 : i1 to i32
        %cond3A_272 = arith.constant 0 : i32
        %cond3A_273 = arith.cmpi ne, %convert_element_type3A_271, %cond3A_272 : i32
        scf.if %cond3A_273 {
          %dma_wait3A_285 = arith.constant 0 : i32
          %dma_wait3A_286 = arith.constant 0 : i32
          %dma_wait3A_287 = arith.constant 0 : i32
          %dma_wait3A_288 = arith.constant 0 : i32
          %dma_wait3A_289 = tpu.memref_slice %arg14[%dma_wait3A_286, %dma_wait3A_287, %dma_wait3A_288] : memref<2x10x128xi32, #tpu.memory_space<vmem>> -> memref<1x10x128xi32, #tpu.memory_space<vmem>>
          %dma_wait3A_290 = tpu.memref_squeeze %dma_wait3A_289 : memref<1x10x128xi32, #tpu.memory_space<vmem>> -> memref<10x128xi32, #tpu.memory_space<vmem>>
          %dma_wait3A_291 = arith.constant 0 : i32
          %dma_wait3A_292 = arith.constant 0 : i32
          %dma_wait3A_293 = tpu.memref_slice %arg6[%arg1, %dma_wait3A_285, %dma_wait3A_291, %dma_wait3A_292] : memref<16x16x10x128xi32, #tpu.memory_space<hbm>> -> memref<1x1x10x128xi32, #tpu.memory_space<hbm>>
          %dma_wait3A_294 = tpu.memref_squeeze %dma_wait3A_293 : memref<1x1x10x128xi32, #tpu.memory_space<hbm>> -> memref<10x128xi32, #tpu.memory_space<hbm>>
          %dma_wait3A_295 = arith.constant 0 : i32
          %dma_wait3A_296 = arith.constant 0 : i32
          %dma_wait3A_297 = tpu.memref_slice %arg14[%dma_wait3A_286, %dma_wait3A_295, %dma_wait3A_296] : memref<2x10x128xi32, #tpu.memory_space<vmem>> -> memref<1x10x128xi32, #tpu.memory_space<vmem>>
          %dma_wait3A_298 = tpu.memref_squeeze %dma_wait3A_297 : memref<1x10x128xi32, #tpu.memory_space<vmem>> -> memref<10x128xi32, #tpu.memory_space<vmem>>
          %dma_wait3A_299 = arith.constant 0 : i32
          %dma_wait3A_300 = arith.constant 0 : i32
          %dma_wait3A_301 = tpu.memref_slice %arg6[%arg1, %dma_wait3A_285, %dma_wait3A_299, %dma_wait3A_300] : memref<16x16x10x128xi32, #tpu.memory_space<hbm>> -> memref<1x1x10x128xi32, #tpu.memory_space<hbm>>
          %dma_wait3A_302 = tpu.memref_squeeze %dma_wait3A_301 : memref<1x1x10x128xi32, #tpu.memory_space<hbm>> -> memref<10x128xi32, #tpu.memory_space<hbm>>
          tpu.wait_dma2 semaphore(%arg23 : memref<!tpu.dma_semaphore, #tpu.memory_space<semaphore_mem>>) src(%dma_wait3A_302 : memref<10x128xi32, #tpu.memory_space<hbm>>) dst(%dma_wait3A_298 : memref<10x128xi32, #tpu.memory_space<vmem>>)
          %dma_wait3A_303 = arith.constant 0 : i32
          %dma_wait3A_304 = arith.constant 0 : i32
          %dma_wait3A_305 = arith.constant 0 : i32
          %dma_wait3A_306 = arith.constant 0 : i32
          %dma_wait3A_307 = tpu.memref_slice %arg14[%dma_wait3A_304, %dma_wait3A_305, %dma_wait3A_306] : memref<2x10x128xi32, #tpu.memory_space<vmem>> -> memref<1x10x128xi32, #tpu.memory_space<vmem>>
          %dma_wait3A_308 = tpu.memref_squeeze %dma_wait3A_307 : memref<1x10x128xi32, #tpu.memory_space<vmem>> -> memref<10x128xi32, #tpu.memory_space<vmem>>
          %dma_wait3A_309 = arith.constant 0 : i32
          %dma_wait3A_310 = arith.constant 0 : i32
          %dma_wait3A_311 = tpu.memref_slice %arg6[%arg1, %dma_wait3A_303, %dma_wait3A_309, %dma_wait3A_310] : memref<16x16x10x128xi32, #tpu.memory_space<hbm>> -> memref<1x1x10x128xi32, #tpu.memory_space<hbm>>
          %dma_wait3A_312 = tpu.memref_squeeze %dma_wait3A_311 : memref<1x1x10x128xi32, #tpu.memory_space<hbm>> -> memref<10x128xi32, #tpu.memory_space<hbm>>
          %dma_wait3A_313 = arith.constant 0 : i32
          %dma_wait3A_314 = arith.constant 0 : i32
          %dma_wait3A_315 = tpu.memref_slice %arg14[%dma_wait3A_304, %dma_wait3A_313, %dma_wait3A_314] : memref<2x10x128xi32, #tpu.memory_space<vmem>> -> memref<1x10x128xi32, #tpu.memory_space<vmem>>
          %dma_wait3A_316 = tpu.memref_squeeze %dma_wait3A_315 : memref<1x10x128xi32, #tpu.memory_space<vmem>> -> memref<10x128xi32, #tpu.memory_space<vmem>>
          %dma_wait3A_317 = arith.constant 0 : i32
          %dma_wait3A_318 = arith.constant 0 : i32
          %dma_wait3A_319 = tpu.memref_slice %arg6[%arg1, %dma_wait3A_303, %dma_wait3A_317, %dma_wait3A_318] : memref<16x16x10x128xi32, #tpu.memory_space<hbm>> -> memref<1x1x10x128xi32, #tpu.memory_space<hbm>>
          %dma_wait3A_320 = tpu.memref_squeeze %dma_wait3A_319 : memref<1x1x10x128xi32, #tpu.memory_space<hbm>> -> memref<10x128xi32, #tpu.memory_space<hbm>>
          tpu.wait_dma2 semaphore(%arg23 : memref<!tpu.dma_semaphore, #tpu.memory_space<semaphore_mem>>) src(%dma_wait3A_320 : memref<10x128xi32, #tpu.memory_space<hbm>>) dst(%dma_wait3A_316 : memref<10x128xi32, #tpu.memory_space<vmem>>)
          %dma_wait3A_321 = arith.constant 0 : i32
          %dma_wait3A_322 = arith.constant 0 : i32
          %dma_wait3A_323 = arith.constant 0 : i32
          %dma_wait3A_324 = arith.constant 0 : i32
          %dma_wait3A_325 = tpu.memref_slice %arg14[%dma_wait3A_322, %dma_wait3A_323, %dma_wait3A_324] : memref<2x10x128xi32, #tpu.memory_space<vmem>> -> memref<1x10x128xi32, #tpu.memory_space<vmem>>
          %dma_wait3A_326 = tpu.memref_squeeze %dma_wait3A_325 : memref<1x10x128xi32, #tpu.memory_space<vmem>> -> memref<10x128xi32, #tpu.memory_space<vmem>>
          %dma_wait3A_327 = arith.constant 0 : i32
          %dma_wait3A_328 = arith.constant 0 : i32
          %dma_wait3A_329 = tpu.memref_slice %arg6[%arg1, %dma_wait3A_321, %dma_wait3A_327, %dma_wait3A_328] : memref<16x16x10x128xi32, #tpu.memory_space<hbm>> -> memref<1x1x10x128xi32, #tpu.memory_space<hbm>>
          %dma_wait3A_330 = tpu.memref_squeeze %dma_wait3A_329 : memref<1x1x10x128xi32, #tpu.memory_space<hbm>> -> memref<10x128xi32, #tpu.memory_space<hbm>>
          %dma_wait3A_331 = arith.constant 0 : i32
          %dma_wait3A_332 = arith.constant 0 : i32
          %dma_wait3A_333 = tpu.memref_slice %arg14[%dma_wait3A_322, %dma_wait3A_331, %dma_wait3A_332] : memref<2x10x128xi32, #tpu.memory_space<vmem>> -> memref<1x10x128xi32, #tpu.memory_space<vmem>>
          %dma_wait3A_334 = tpu.memref_squeeze %dma_wait3A_333 : memref<1x10x128xi32, #tpu.memory_space<vmem>> -> memref<10x128xi32, #tpu.memory_space<vmem>>
          %dma_wait3A_335 = arith.constant 0 : i32
          %dma_wait3A_336 = arith.constant 0 : i32
          %dma_wait3A_337 = tpu.memref_slice %arg6[%arg1, %dma_wait3A_321, %dma_wait3A_335, %dma_wait3A_336] : memref<16x16x10x128xi32, #tpu.memory_space<hbm>> -> memref<1x1x10x128xi32, #tpu.memory_space<hbm>>
          %dma_wait3A_338 = tpu.memref_squeeze %dma_wait3A_337 : memref<1x1x10x128xi32, #tpu.memory_space<hbm>> -> memref<10x128xi32, #tpu.memory_space<hbm>>
          tpu.wait_dma2 semaphore(%arg23 : memref<!tpu.dma_semaphore, #tpu.memory_space<semaphore_mem>>) src(%dma_wait3A_338 : memref<10x128xi32, #tpu.memory_space<hbm>>) dst(%dma_wait3A_334 : memref<10x128xi32, #tpu.memory_space<vmem>>)
        } else {
        }
        %dma_start3A_274 = arith.constant 0 : i32
        %dma_start3A_275 = arith.constant 0 : i32
        %dma_start3A_276 = arith.constant 0 : i32
        %dma_start3A_277 = tpu.memref_slice %arg16[%dma_start3A_274, %dma_start3A_275, %dma_start3A_276] : memref<2x128x64xf32, #tpu.memory_space<vmem>> -> memref<1x128x64xf32, #tpu.memory_space<vmem>>
        %dma_start3A_278 = tpu.memref_squeeze %dma_start3A_277 : memref<1x128x64xf32, #tpu.memory_space<vmem>> -> memref<128x64xf32, #tpu.memory_space<vmem>>
        %dma_start3A_279 = arith.constant 0 : i32
        %dma_start3A_280 = tpu.memref_slice %arg13[%rem3A_264, %rem3A_266, %dma_start3A_279] : memref<2x10x128xi32, #tpu.memory_space<vmem>> -> memref<1x1x128xi32, #tpu.memory_space<vmem>>
        %dma_start3A_281 = tpu.memref_squeeze %dma_start3A_280 : memref<1x1x128xi32, #tpu.memory_space<vmem>> -> memref<128xi32, #tpu.memory_space<vmem>>
        %dma_start3A_282 = arith.constant 0 : i32
        %dma_start3A_283 = arith.constant 0 : i32
        %dma_start3A_284 = tpu.memref_slice %arg2[%dma_start3A_282, %dma_start3A_283] : memref<20000x64xf32, #tpu.memory_space<hbm>> -> memref<20000x64xf32, #tpu.memory_space<hbm>>
        tpu.enqueue_indirect_dma source(%dma_start3A_284 : memref<20000x64xf32, #tpu.memory_space<hbm>>) target(%dma_start3A_278 : memref<128x64xf32, #tpu.memory_space<vmem>>) offsets(%dma_start3A_281 : memref<128xi32, #tpu.memory_space<vmem>>) semaphore(%arg20 : memref<!tpu.dma_semaphore, #tpu.memory_space<semaphore_mem>>)
      } else {
      }
      %dma_start3A_218 = arith.constant 1 : i32
      %dma_start3A_219 = arith.constant 0 : i32
      %dma_start3A_220 = arith.constant 0 : i32
      %dma_start3A_221 = tpu.memref_slice %arg16[%dma_start3A_218, %dma_start3A_219, %dma_start3A_220] : memref<2x128x64xf32, #tpu.memory_space<vmem>> -> memref<1x128x64xf32, #tpu.memory_space<vmem>>
      %dma_start3A_222 = tpu.memref_squeeze %dma_start3A_221 : memref<1x128x64xf32, #tpu.memory_space<vmem>> -> memref<128x64xf32, #tpu.memory_space<vmem>>
      %dma_start3A_223 = arith.constant 0 : i32
      %dma_start3A_224 = tpu.memref_slice %arg14[%rem3A_176, %rem3A_178, %dma_start3A_223] : memref<2x10x128xi32, #tpu.memory_space<vmem>> -> memref<1x1x128xi32, #tpu.memory_space<vmem>>
      %dma_start3A_225 = tpu.memref_squeeze %dma_start3A_224 : memref<1x1x128xi32, #tpu.memory_space<vmem>> -> memref<128xi32, #tpu.memory_space<vmem>>
      %dma_start3A_226 = arith.constant 0 : i32
      %dma_start3A_227 = arith.constant 0 : i32
      %dma_start3A_228 = tpu.memref_slice %arg18[%dma_start3A_226, %dma_start3A_227] : memref<20480x64xf32, #tpu.memory_space<vmem_shared>> -> memref<20480x64xf32, #tpu.memory_space<vmem_shared>>
      tpu.enqueue_indirect_dma source(%dma_start3A_222 : memref<128x64xf32, #tpu.memory_space<vmem>>) target(%dma_start3A_228 : memref<20480x64xf32, #tpu.memory_space<vmem_shared>>) offsets(%dma_start3A_225 : memref<128xi32, #tpu.memory_space<vmem>>) semaphore(%arg21 : memref<!tpu.dma_semaphore, #tpu.memory_space<semaphore_mem>>) {add = true}
      %eq3A_229 = arith.constant 0 : i32
      %eq3A_230 = arith.cmpi eq, %arg0, %eq3A_229 : i32
      %convert_element_type3A_231 = arith.extui %eq3A_230 : i1 to i32
      %cond3A_232 = arith.constant 0 : i32
      %cond3A_233 = arith.cmpi ne, %convert_element_type3A_231, %cond3A_232 : i32
      scf.if %cond3A_233 {
        %dma_start3A_239 = arith.constant 0 : i32
        %dma_start3A_240 = tpu.memref_slice %arg14[%rem3A_176, %rem3A_178, %dma_start3A_239] : memref<2x10x128xi32, #tpu.memory_space<vmem>> -> memref<1x1x128xi32, #tpu.memory_space<vmem>>
        %dma_start3A_241 = tpu.memref_squeeze %dma_start3A_240 : memref<1x1x128xi32, #tpu.memory_space<vmem>> -> memref<128xi32, #tpu.memory_space<vmem>>
        %dma_start3A_242 = arith.constant 0 : i32
        %dma_start3A_243 = arith.constant 0 : i32
        %dma_start3A_244 = tpu.memref_slice %arg19[%dma_start3A_242, %dma_start3A_243] : memref<20480x16xf32, #tpu.memory_space<vmem_shared>> -> memref<20480x16xf32, #tpu.memory_space<vmem_shared>>
        tpu.enqueue_indirect_dma source(%arg17 : memref<128x16xf32, #tpu.memory_space<vmem>>) target(%dma_start3A_244 : memref<20480x16xf32, #tpu.memory_space<vmem_shared>>) offsets(%dma_start3A_241 : memref<128xi32, #tpu.memory_space<vmem>>) semaphore(%arg22 : memref<!tpu.dma_semaphore, #tpu.memory_space<semaphore_mem>>) {add = true}
      } else {
      }
      %eq3A_234 = arith.constant 1 : i32
      %eq3A_235 = arith.cmpi eq, %arg0, %eq3A_234 : i32
      %convert_element_type3A_236 = arith.extui %eq3A_235 : i1 to i32
      %cond3A_237 = arith.constant 0 : i32
      %cond3A_238 = arith.cmpi ne, %convert_element_type3A_236, %cond3A_237 : i32
      scf.if %cond3A_238 {
        %dma_start3A_239 = arith.constant 0 : i32
        %dma_start3A_240 = tpu.memref_slice %arg15[%rem3A_176, %rem3A_178, %dma_start3A_239] : memref<2x10x128xi32, #tpu.memory_space<vmem>> -> memref<1x1x128xi32, #tpu.memory_space<vmem>>
        %dma_start3A_241 = tpu.memref_squeeze %dma_start3A_240 : memref<1x1x128xi32, #tpu.memory_space<vmem>> -> memref<128xi32, #tpu.memory_space<vmem>>
        %dma_start3A_242 = arith.constant 0 : i32
        %dma_start3A_243 = arith.constant 0 : i32
        %dma_start3A_244 = tpu.memref_slice %arg19[%dma_start3A_242, %dma_start3A_243] : memref<20480x16xf32, #tpu.memory_space<vmem_shared>> -> memref<20480x16xf32, #tpu.memory_space<vmem_shared>>
        tpu.enqueue_indirect_dma source(%arg17 : memref<128x16xf32, #tpu.memory_space<vmem>>) target(%dma_start3A_244 : memref<20480x16xf32, #tpu.memory_space<vmem_shared>>) offsets(%dma_start3A_241 : memref<128xi32, #tpu.memory_space<vmem>>) semaphore(%arg22 : memref<!tpu.dma_semaphore, #tpu.memory_space<semaphore_mem>>) {add = true}
      } else {
      }
    }
    %scan3A_29 = arith.constant 80 : i32
    %dma_wait3A = arith.constant 1 : i32
    %dma_wait3A_30 = arith.constant 0 : i32
    %dma_wait3A_31 = arith.constant 0 : i32
    %dma_wait3A_32 = tpu.memref_slice %arg16[%dma_wait3A, %dma_wait3A_30, %dma_wait3A_31] : memref<2x128x64xf32, #tpu.memory_space<vmem>> -> memref<1x128x64xf32, #tpu.memory_space<vmem>>
    %dma_wait3A_33 = tpu.memref_squeeze %dma_wait3A_32 : memref<1x128x64xf32, #tpu.memory_space<vmem>> -> memref<128x64xf32, #tpu.memory_space<vmem>>
    %dma_wait3A_34 = arith.constant 0 : i32
    %dma_wait3A_35 = arith.constant 0 : i32
    %dma_wait3A_36 = tpu.memref_slice %arg2[%dma_wait3A_34, %dma_wait3A_35] : memref<20000x64xf32, #tpu.memory_space<hbm>> -> memref<128x64xf32, #tpu.memory_space<hbm>>
    %dma_wait3A_37 = arith.constant 0 : i32
    %dma_wait3A_38 = arith.constant 0 : i32
    %dma_wait3A_39 = tpu.memref_slice %arg16[%dma_wait3A, %dma_wait3A_37, %dma_wait3A_38] : memref<2x128x64xf32, #tpu.memory_space<vmem>> -> memref<1x128x64xf32, #tpu.memory_space<vmem>>
    %dma_wait3A_40 = tpu.memref_squeeze %dma_wait3A_39 : memref<1x128x64xf32, #tpu.memory_space<vmem>> -> memref<128x64xf32, #tpu.memory_space<vmem>>
    %dma_wait3A_41 = arith.constant 0 : i32
    %dma_wait3A_42 = arith.constant 0 : i32
    %dma_wait3A_43 = tpu.memref_slice %arg2[%dma_wait3A_41, %dma_wait3A_42] : memref<20000x64xf32, #tpu.memory_space<hbm>> -> memref<128x64xf32, #tpu.memory_space<hbm>>
    tpu.wait_dma2 semaphore(%arg21 : memref<!tpu.dma_semaphore, #tpu.memory_space<semaphore_mem>>) src(%dma_wait3A_43 : memref<128x64xf32, #tpu.memory_space<hbm>>) dst(%dma_wait3A_40 : memref<128x64xf32, #tpu.memory_space<vmem>>)
    %dma_wait3A_44 = arith.constant 0 : i32
    %dma_wait3A_45 = arith.constant 0 : i32
    %dma_wait3A_46 = tpu.memref_slice %arg8[%dma_wait3A_44, %dma_wait3A_45] : memref<1280x16xf32, #tpu.memory_space<hbm>> -> memref<128x16xf32, #tpu.memory_space<hbm>>
    %dma_wait3A_47 = arith.constant 0 : i32
    %dma_wait3A_48 = arith.constant 0 : i32
    %dma_wait3A_49 = tpu.memref_slice %arg8[%dma_wait3A_47, %dma_wait3A_48] : memref<1280x16xf32, #tpu.memory_space<hbm>> -> memref<128x16xf32, #tpu.memory_space<hbm>>
    tpu.wait_dma2 semaphore(%arg22 : memref<!tpu.dma_semaphore, #tpu.memory_space<semaphore_mem>>) src(%dma_wait3A_49 : memref<128x16xf32, #tpu.memory_space<hbm>>) dst(%arg17 : memref<128x16xf32, #tpu.memory_space<vmem>>)
    %barrier3A_50 = arith.constant 0 : index
    tpu.barrier barrier_id(%barrier3A_50)
    %mul3A_51 = arith.constant 1280 : i32
    %mul3A_52 = arith.muli %arg1, %mul3A_51 : i32
    %mul3A_53 = arith.constant 1280 : i32
    %mul3A_54 = arith.muli %arg1, %mul3A_53 : i32
    "tpu.region"() ({
      %run_scoped3A_65 = tpu.sem_alloc : memref<!tpu.dma_semaphore, #tpu.memory_space<semaphore_mem>>
      %dma_start3A_66 = arith.constant 0 : i32
      %dma_start3A_67 = arith.constant 0 : i32
      %dma_start3A_68 = tpu.memref_slice %arg10[%arg0, %dma_start3A_66, %dma_start3A_67] : memref<2x20480x64xf32, #tpu.memory_space<hbm>> -> memref<1x20480x64xf32, #tpu.memory_space<hbm>>
      %dma_start3A_69 = tpu.memref_squeeze %dma_start3A_68 : memref<1x20480x64xf32, #tpu.memory_space<hbm>> -> memref<20480x64xf32, #tpu.memory_space<hbm>>
      %dma_start3A_70 = arith.constant 0 : i32
      %dma_start3A_71 = tpu.memref_slice %dma_start3A_69[%mul3A_54, %dma_start3A_70] : memref<20480x64xf32, #tpu.memory_space<hbm>> -> memref<1280x64xf32, #tpu.memory_space<hbm>>
      %dma_start3A_72 = arith.constant 0 : i32
      %dma_start3A_73 = tpu.memref_slice %arg18[%mul3A_52, %dma_start3A_72] : memref<20480x64xf32, #tpu.memory_space<vmem_shared>> -> memref<1280x64xf32, #tpu.memory_space<vmem_shared>>
      tpu.enqueue_dma source(%dma_start3A_73 : memref<1280x64xf32, #tpu.memory_space<vmem_shared>>) target(%dma_start3A_71 : memref<1280x64xf32, #tpu.memory_space<hbm>>) target_semaphore(%run_scoped3A_65 : memref<!tpu.dma_semaphore, #tpu.memory_space<semaphore_mem>>)
      %dma_wait3A_74 = arith.constant 0 : i32
      %dma_wait3A_75 = arith.constant 0 : i32
      %dma_wait3A_76 = tpu.memref_slice %arg10[%arg0, %dma_wait3A_74, %dma_wait3A_75] : memref<2x20480x64xf32, #tpu.memory_space<hbm>> -> memref<1x20480x64xf32, #tpu.memory_space<hbm>>
      %dma_wait3A_77 = tpu.memref_squeeze %dma_wait3A_76 : memref<1x20480x64xf32, #tpu.memory_space<hbm>> -> memref<20480x64xf32, #tpu.memory_space<hbm>>
      %dma_wait3A_78 = arith.constant 0 : i32
      %dma_wait3A_79 = tpu.memref_slice %dma_wait3A_77[%mul3A_54, %dma_wait3A_78] : memref<20480x64xf32, #tpu.memory_space<hbm>> -> memref<1280x64xf32, #tpu.memory_space<hbm>>
      %dma_wait3A_80 = arith.constant 0 : i32
      %dma_wait3A_81 = tpu.memref_slice %arg18[%mul3A_52, %dma_wait3A_80] : memref<20480x64xf32, #tpu.memory_space<vmem_shared>> -> memref<1280x64xf32, #tpu.memory_space<vmem_shared>>
      tpu.wait_dma2 semaphore(%run_scoped3A_65 : memref<!tpu.dma_semaphore, #tpu.memory_space<semaphore_mem>>) src(%dma_wait3A_81 : memref<1280x64xf32, #tpu.memory_space<vmem_shared>>) dst(%dma_wait3A_79 : memref<1280x64xf32, #tpu.memory_space<hbm>>)
      tpu.yield
    }) : () -> ()
    %eq3A_55 = arith.constant 0 : i32
    %eq3A_56 = arith.cmpi eq, %arg0, %eq3A_55 : i32
    %convert_element_type3A_57 = arith.extui %eq3A_56 : i1 to i32
    %cond3A_58 = arith.constant 0 : i32
    %cond3A_59 = arith.cmpi ne, %convert_element_type3A_57, %cond3A_58 : i32
    scf.if %cond3A_59 {
      %mul3A_65 = arith.constant 1280 : i32
      %mul3A_66 = arith.muli %arg1, %mul3A_65 : i32
      %mul3A_67 = arith.constant 1280 : i32
      %mul3A_68 = arith.muli %arg1, %mul3A_67 : i32
      "tpu.region"() ({
        %run_scoped3A_69 = tpu.sem_alloc : memref<!tpu.dma_semaphore, #tpu.memory_space<semaphore_mem>>
        %dma_start3A_70 = arith.constant 0 : i32
        %dma_start3A_71 = tpu.memref_slice %arg11[%mul3A_68, %dma_start3A_70] : memref<20480x16xf32, #tpu.memory_space<hbm>> -> memref<1280x16xf32, #tpu.memory_space<hbm>>
        %dma_start3A_72 = arith.constant 0 : i32
        %dma_start3A_73 = tpu.memref_slice %arg19[%mul3A_66, %dma_start3A_72] : memref<20480x16xf32, #tpu.memory_space<vmem_shared>> -> memref<1280x16xf32, #tpu.memory_space<vmem_shared>>
        tpu.enqueue_dma source(%dma_start3A_73 : memref<1280x16xf32, #tpu.memory_space<vmem_shared>>) target(%dma_start3A_71 : memref<1280x16xf32, #tpu.memory_space<hbm>>) target_semaphore(%run_scoped3A_69 : memref<!tpu.dma_semaphore, #tpu.memory_space<semaphore_mem>>)
        %dma_wait3A_74 = arith.constant 0 : i32
        %dma_wait3A_75 = tpu.memref_slice %arg11[%mul3A_68, %dma_wait3A_74] : memref<20480x16xf32, #tpu.memory_space<hbm>> -> memref<1280x16xf32, #tpu.memory_space<hbm>>
        %dma_wait3A_76 = arith.constant 0 : i32
        %dma_wait3A_77 = tpu.memref_slice %arg19[%mul3A_66, %dma_wait3A_76] : memref<20480x16xf32, #tpu.memory_space<vmem_shared>> -> memref<1280x16xf32, #tpu.memory_space<vmem_shared>>
        tpu.wait_dma2 semaphore(%run_scoped3A_69 : memref<!tpu.dma_semaphore, #tpu.memory_space<semaphore_mem>>) src(%dma_wait3A_77 : memref<1280x16xf32, #tpu.memory_space<vmem_shared>>) dst(%dma_wait3A_75 : memref<1280x16xf32, #tpu.memory_space<hbm>>)
        tpu.yield
      }) : () -> ()
    } else {
    }
    %eq3A_60 = arith.constant 1 : i32
    %eq3A_61 = arith.cmpi eq, %arg0, %eq3A_60 : i32
    %convert_element_type3A_62 = arith.extui %eq3A_61 : i1 to i32
    %cond3A_63 = arith.constant 0 : i32
    %cond3A_64 = arith.cmpi ne, %convert_element_type3A_62, %cond3A_63 : i32
    scf.if %cond3A_64 {
      %mul3A_65 = arith.constant 640 : i32
      %mul3A_66 = arith.muli %arg1, %mul3A_65 : i32
      %add3A = arith.constant 10000 : i32
      %add3A_67 = arith.addi %add3A, %mul3A_66 : i32
      %mul3A_68 = arith.constant 640 : i32
      %mul3A_69 = arith.muli %arg1, %mul3A_68 : i32
      "tpu.region"() ({
        %run_scoped3A_70 = tpu.sem_alloc : memref<!tpu.dma_semaphore, #tpu.memory_space<semaphore_mem>>
        %dma_start3A_71 = arith.constant 0 : i32
        %dma_start3A_72 = tpu.memref_slice %arg12[%mul3A_69, %dma_start3A_71] : memref<10240x16xf32, #tpu.memory_space<hbm>> -> memref<640x16xf32, #tpu.memory_space<hbm>>
        %dma_start3A_73 = arith.constant 0 : i32
        %dma_start3A_74 = tpu.memref_slice %arg19[%add3A_67, %dma_start3A_73] : memref<20480x16xf32, #tpu.memory_space<vmem_shared>> -> memref<640x16xf32, #tpu.memory_space<vmem_shared>>
        tpu.enqueue_dma source(%dma_start3A_74 : memref<640x16xf32, #tpu.memory_space<vmem_shared>>) target(%dma_start3A_72 : memref<640x16xf32, #tpu.memory_space<hbm>>) target_semaphore(%run_scoped3A_70 : memref<!tpu.dma_semaphore, #tpu.memory_space<semaphore_mem>>)
        %dma_wait3A_75 = arith.constant 0 : i32
        %dma_wait3A_76 = tpu.memref_slice %arg12[%mul3A_69, %dma_wait3A_75] : memref<10240x16xf32, #tpu.memory_space<hbm>> -> memref<640x16xf32, #tpu.memory_space<hbm>>
        %dma_wait3A_77 = arith.constant 0 : i32
        %dma_wait3A_78 = tpu.memref_slice %arg19[%add3A_67, %dma_wait3A_77] : memref<20480x16xf32, #tpu.memory_space<vmem_shared>> -> memref<640x16xf32, #tpu.memory_space<vmem_shared>>
        tpu.wait_dma2 semaphore(%run_scoped3A_70 : memref<!tpu.dma_semaphore, #tpu.memory_space<semaphore_mem>>) src(%dma_wait3A_78 : memref<640x16xf32, #tpu.memory_space<vmem_shared>>) dst(%dma_wait3A_76 : memref<640x16xf32, #tpu.memory_space<hbm>>)
        tpu.yield
      }) : () -> ()
    } else {
    }
    return
  }
}

#map = affine_map<(d0, d1) -> (0, 0)>
#map1 = affine_map<(d0, d1) -> (0, 0, 0, 0)>
#map2 = affine_map<(d0, d1) -> (0, 0, 0)>
module attributes {stable_mosaic.version = 14 : i64} {
  func.func @_sc_pass2(%arg0: i32, %arg1: i32, %arg2: memref<40000x64xf32, #tpu.memory_space<hbm>>, %arg3: memref<16x16x10x128xi32, #tpu.memory_space<hbm>>, %arg4: memref<16x16x10x128xi32, #tpu.memory_space<hbm>>, %arg5: memref<16x16x10x128xi32, #tpu.memory_space<hbm>>, %arg6: memref<1280x64xf32, #tpu.memory_space<hbm>>, %arg7: memref<2x10240x64xf32, #tpu.memory_space<hbm>>, %arg8: memref<2x10x128xi32, #tpu.memory_space<vmem>>, %arg9: memref<2x10x128xi32, #tpu.memory_space<vmem>>, %arg10: memref<2x128x64xf32, #tpu.memory_space<vmem>>, %arg11: memref<10240x64xf32, #tpu.memory_space<vmem_shared>>, %arg12: memref<!tpu.dma_semaphore, #tpu.memory_space<semaphore_mem>>, %arg13: memref<!tpu.dma_semaphore, #tpu.memory_space<semaphore_mem>>, %arg14: memref<!tpu.dma_semaphore, #tpu.memory_space<semaphore_mem>>) attributes {dimension_semantics = [#tpu.dimension_semantics<core_parallel>, #tpu.dimension_semantics<subcore_parallel>], iteration_bounds = array<i64: 2, 16>, scalar_prefetch = 0 : i64, scratch_operands = 7 : i64, tpu.core_type = #tpu.core_type<sc_vector_subcore>, window_params = [{transform_indices = #map}, {transform_indices = #map1}, {transform_indices = #map1}, {transform_indices = #map1}, {transform_indices = #map}, {transform_indices = #map2}]} {
    %mul3A = arith.constant 640 : i32
    %mul3A_0 = arith.muli %arg1, %mul3A : i32
    "tpu.region"() ({
      %run_scoped3A_45 = tpu.sem_alloc : memref<!tpu.dma_semaphore, #tpu.memory_space<semaphore_mem>>
      %dma_start3A_46 = arith.constant 0 : i32
      %dma_start3A_47 = tpu.memref_slice %arg11[%mul3A_0, %dma_start3A_46] : memref<10240x64xf32, #tpu.memory_space<vmem_shared>> -> memref<640x64xf32, #tpu.memory_space<vmem_shared>>
      %dma_start3A_48 = arith.constant 0 : i32
      %dma_start3A_49 = arith.constant 0 : i32
      %dma_start3A_50 = tpu.memref_slice %arg6[%dma_start3A_48, %dma_start3A_49] : memref<1280x64xf32, #tpu.memory_space<hbm>> -> memref<640x64xf32, #tpu.memory_space<hbm>>
      tpu.enqueue_dma source(%dma_start3A_50 : memref<640x64xf32, #tpu.memory_space<hbm>>) target(%dma_start3A_47 : memref<640x64xf32, #tpu.memory_space<vmem_shared>>) target_semaphore(%run_scoped3A_45 : memref<!tpu.dma_semaphore, #tpu.memory_space<semaphore_mem>>)
      %dma_wait3A_51 = arith.constant 0 : i32
      %dma_wait3A_52 = tpu.memref_slice %arg11[%mul3A_0, %dma_wait3A_51] : memref<10240x64xf32, #tpu.memory_space<vmem_shared>> -> memref<640x64xf32, #tpu.memory_space<vmem_shared>>
      %dma_wait3A_53 = arith.constant 0 : i32
      %dma_wait3A_54 = arith.constant 0 : i32
      %dma_wait3A_55 = tpu.memref_slice %arg6[%dma_wait3A_53, %dma_wait3A_54] : memref<1280x64xf32, #tpu.memory_space<hbm>> -> memref<640x64xf32, #tpu.memory_space<hbm>>
      tpu.wait_dma2 semaphore(%run_scoped3A_45 : memref<!tpu.dma_semaphore, #tpu.memory_space<semaphore_mem>>) src(%dma_wait3A_55 : memref<640x64xf32, #tpu.memory_space<hbm>>) dst(%dma_wait3A_52 : memref<640x64xf32, #tpu.memory_space<vmem_shared>>)
      tpu.yield
    }) : () -> ()
    %run_scoped3A = arith.constant 0 : i32
    %run_scoped3A_1 = arith.constant 0 : i32
    "tpu.region"() ({
      %run_scoped3A_45 = tpu.sem_alloc : memref<!tpu.dma_semaphore, #tpu.memory_space<semaphore_mem>>
      %dma_start3A_46 = arith.constant 0 : i32
      %dma_start3A_47 = arith.constant 0 : i32
      %dma_start3A_48 = tpu.memref_slice %arg9[%run_scoped3A_1, %dma_start3A_46, %dma_start3A_47] : memref<2x10x128xi32, #tpu.memory_space<vmem>> -> memref<1x10x128xi32, #tpu.memory_space<vmem>>
      %dma_start3A_49 = tpu.memref_squeeze %dma_start3A_48 : memref<1x10x128xi32, #tpu.memory_space<vmem>> -> memref<10x128xi32, #tpu.memory_space<vmem>>
      %dma_start3A_50 = arith.constant 0 : i32
      %dma_start3A_51 = arith.constant 0 : i32
      %dma_start3A_52 = tpu.memref_slice %arg5[%arg1, %run_scoped3A, %dma_start3A_50, %dma_start3A_51] : memref<16x16x10x128xi32, #tpu.memory_space<hbm>> -> memref<1x1x10x128xi32, #tpu.memory_space<hbm>>
      %dma_start3A_53 = tpu.memref_squeeze %dma_start3A_52 : memref<1x1x10x128xi32, #tpu.memory_space<hbm>> -> memref<10x128xi32, #tpu.memory_space<hbm>>
      %dma_start3A_54 = arith.constant 0 : i32
      %dma_start3A_55 = arith.constant 0 : i32
      %dma_start3A_56 = tpu.memref_slice %arg9[%run_scoped3A_1, %dma_start3A_54, %dma_start3A_55] : memref<2x10x128xi32, #tpu.memory_space<vmem>> -> memref<1x10x128xi32, #tpu.memory_space<vmem>>
      %dma_start3A_57 = tpu.memref_squeeze %dma_start3A_56 : memref<1x10x128xi32, #tpu.memory_space<vmem>> -> memref<10x128xi32, #tpu.memory_space<vmem>>
      %dma_start3A_58 = arith.constant 0 : i32
      %dma_start3A_59 = arith.constant 0 : i32
      %dma_start3A_60 = tpu.memref_slice %arg5[%arg1, %run_scoped3A, %dma_start3A_58, %dma_start3A_59] : memref<16x16x10x128xi32, #tpu.memory_space<hbm>> -> memref<1x1x10x128xi32, #tpu.memory_space<hbm>>
      %dma_start3A_61 = tpu.memref_squeeze %dma_start3A_60 : memref<1x1x10x128xi32, #tpu.memory_space<hbm>> -> memref<10x128xi32, #tpu.memory_space<hbm>>
      tpu.enqueue_dma source(%dma_start3A_61 : memref<10x128xi32, #tpu.memory_space<hbm>>) target(%dma_start3A_57 : memref<10x128xi32, #tpu.memory_space<vmem>>) target_semaphore(%run_scoped3A_45 : memref<!tpu.dma_semaphore, #tpu.memory_space<semaphore_mem>>)
      %dma_wait3A_62 = arith.constant 0 : i32
      %dma_wait3A_63 = arith.constant 0 : i32
      %dma_wait3A_64 = tpu.memref_slice %arg9[%run_scoped3A_1, %dma_wait3A_62, %dma_wait3A_63] : memref<2x10x128xi32, #tpu.memory_space<vmem>> -> memref<1x10x128xi32, #tpu.memory_space<vmem>>
      %dma_wait3A_65 = tpu.memref_squeeze %dma_wait3A_64 : memref<1x10x128xi32, #tpu.memory_space<vmem>> -> memref<10x128xi32, #tpu.memory_space<vmem>>
      %dma_wait3A_66 = arith.constant 0 : i32
      %dma_wait3A_67 = arith.constant 0 : i32
      %dma_wait3A_68 = tpu.memref_slice %arg5[%arg1, %run_scoped3A, %dma_wait3A_66, %dma_wait3A_67] : memref<16x16x10x128xi32, #tpu.memory_space<hbm>> -> memref<1x1x10x128xi32, #tpu.memory_space<hbm>>
      %dma_wait3A_69 = tpu.memref_squeeze %dma_wait3A_68 : memref<1x1x10x128xi32, #tpu.memory_space<hbm>> -> memref<10x128xi32, #tpu.memory_space<hbm>>
      %dma_wait3A_70 = arith.constant 0 : i32
      %dma_wait3A_71 = arith.constant 0 : i32
      %dma_wait3A_72 = tpu.memref_slice %arg9[%run_scoped3A_1, %dma_wait3A_70, %dma_wait3A_71] : memref<2x10x128xi32, #tpu.memory_space<vmem>> -> memref<1x10x128xi32, #tpu.memory_space<vmem>>
      %dma_wait3A_73 = tpu.memref_squeeze %dma_wait3A_72 : memref<1x10x128xi32, #tpu.memory_space<vmem>> -> memref<10x128xi32, #tpu.memory_space<vmem>>
      %dma_wait3A_74 = arith.constant 0 : i32
      %dma_wait3A_75 = arith.constant 0 : i32
      %dma_wait3A_76 = tpu.memref_slice %arg5[%arg1, %run_scoped3A, %dma_wait3A_74, %dma_wait3A_75] : memref<16x16x10x128xi32, #tpu.memory_space<hbm>> -> memref<1x1x10x128xi32, #tpu.memory_space<hbm>>
      %dma_wait3A_77 = tpu.memref_squeeze %dma_wait3A_76 : memref<1x1x10x128xi32, #tpu.memory_space<hbm>> -> memref<10x128xi32, #tpu.memory_space<hbm>>
      tpu.wait_dma2 semaphore(%run_scoped3A_45 : memref<!tpu.dma_semaphore, #tpu.memory_space<semaphore_mem>>) src(%dma_wait3A_77 : memref<10x128xi32, #tpu.memory_space<hbm>>) dst(%dma_wait3A_73 : memref<10x128xi32, #tpu.memory_space<vmem>>)
      tpu.yield
    }) : () -> ()
    %eq3A = arith.constant 0 : i32
    %eq3A_2 = arith.cmpi eq, %arg0, %eq3A : i32
    %convert_element_type3A = arith.extui %eq3A_2 : i1 to i32
    %cond3A = arith.constant 0 : i32
    %cond3A_3 = arith.cmpi ne, %convert_element_type3A, %cond3A : i32
    scf.if %cond3A_3 {
      %run_scoped3A_45 = arith.constant 0 : i32
      %run_scoped3A_46 = arith.constant 0 : i32
      "tpu.region"() ({
        %run_scoped3A_47 = tpu.sem_alloc : memref<!tpu.dma_semaphore, #tpu.memory_space<semaphore_mem>>
        %dma_start3A_48 = arith.constant 0 : i32
        %dma_start3A_49 = arith.constant 0 : i32
        %dma_start3A_50 = tpu.memref_slice %arg8[%run_scoped3A_46, %dma_start3A_48, %dma_start3A_49] : memref<2x10x128xi32, #tpu.memory_space<vmem>> -> memref<1x10x128xi32, #tpu.memory_space<vmem>>
        %dma_start3A_51 = tpu.memref_squeeze %dma_start3A_50 : memref<1x10x128xi32, #tpu.memory_space<vmem>> -> memref<10x128xi32, #tpu.memory_space<vmem>>
        %dma_start3A_52 = arith.constant 0 : i32
        %dma_start3A_53 = arith.constant 0 : i32
        %dma_start3A_54 = tpu.memref_slice %arg3[%arg1, %run_scoped3A_45, %dma_start3A_52, %dma_start3A_53] : memref<16x16x10x128xi32, #tpu.memory_space<hbm>> -> memref<1x1x10x128xi32, #tpu.memory_space<hbm>>
        %dma_start3A_55 = tpu.memref_squeeze %dma_start3A_54 : memref<1x1x10x128xi32, #tpu.memory_space<hbm>> -> memref<10x128xi32, #tpu.memory_space<hbm>>
        %dma_start3A_56 = arith.constant 0 : i32
        %dma_start3A_57 = arith.constant 0 : i32
        %dma_start3A_58 = tpu.memref_slice %arg8[%run_scoped3A_46, %dma_start3A_56, %dma_start3A_57] : memref<2x10x128xi32, #tpu.memory_space<vmem>> -> memref<1x10x128xi32, #tpu.memory_space<vmem>>
        %dma_start3A_59 = tpu.memref_squeeze %dma_start3A_58 : memref<1x10x128xi32, #tpu.memory_space<vmem>> -> memref<10x128xi32, #tpu.memory_space<vmem>>
        %dma_start3A_60 = arith.constant 0 : i32
        %dma_start3A_61 = arith.constant 0 : i32
        %dma_start3A_62 = tpu.memref_slice %arg3[%arg1, %run_scoped3A_45, %dma_start3A_60, %dma_start3A_61] : memref<16x16x10x128xi32, #tpu.memory_space<hbm>> -> memref<1x1x10x128xi32, #tpu.memory_space<hbm>>
        %dma_start3A_63 = tpu.memref_squeeze %dma_start3A_62 : memref<1x1x10x128xi32, #tpu.memory_space<hbm>> -> memref<10x128xi32, #tpu.memory_space<hbm>>
        tpu.enqueue_dma source(%dma_start3A_63 : memref<10x128xi32, #tpu.memory_space<hbm>>) target(%dma_start3A_59 : memref<10x128xi32, #tpu.memory_space<vmem>>) target_semaphore(%run_scoped3A_47 : memref<!tpu.dma_semaphore, #tpu.memory_space<semaphore_mem>>)
        %dma_wait3A_64 = arith.constant 0 : i32
        %dma_wait3A_65 = arith.constant 0 : i32
        %dma_wait3A_66 = tpu.memref_slice %arg8[%run_scoped3A_46, %dma_wait3A_64, %dma_wait3A_65] : memref<2x10x128xi32, #tpu.memory_space<vmem>> -> memref<1x10x128xi32, #tpu.memory_space<vmem>>
        %dma_wait3A_67 = tpu.memref_squeeze %dma_wait3A_66 : memref<1x10x128xi32, #tpu.memory_space<vmem>> -> memref<10x128xi32, #tpu.memory_space<vmem>>
        %dma_wait3A_68 = arith.constant 0 : i32
        %dma_wait3A_69 = arith.constant 0 : i32
        %dma_wait3A_70 = tpu.memref_slice %arg3[%arg1, %run_scoped3A_45, %dma_wait3A_68, %dma_wait3A_69] : memref<16x16x10x128xi32, #tpu.memory_space<hbm>> -> memref<1x1x10x128xi32, #tpu.memory_space<hbm>>
        %dma_wait3A_71 = tpu.memref_squeeze %dma_wait3A_70 : memref<1x1x10x128xi32, #tpu.memory_space<hbm>> -> memref<10x128xi32, #tpu.memory_space<hbm>>
        %dma_wait3A_72 = arith.constant 0 : i32
        %dma_wait3A_73 = arith.constant 0 : i32
        %dma_wait3A_74 = tpu.memref_slice %arg8[%run_scoped3A_46, %dma_wait3A_72, %dma_wait3A_73] : memref<2x10x128xi32, #tpu.memory_space<vmem>> -> memref<1x10x128xi32, #tpu.memory_space<vmem>>
        %dma_wait3A_75 = tpu.memref_squeeze %dma_wait3A_74 : memref<1x10x128xi32, #tpu.memory_space<vmem>> -> memref<10x128xi32, #tpu.memory_space<vmem>>
        %dma_wait3A_76 = arith.constant 0 : i32
        %dma_wait3A_77 = arith.constant 0 : i32
        %dma_wait3A_78 = tpu.memref_slice %arg3[%arg1, %run_scoped3A_45, %dma_wait3A_76, %dma_wait3A_77] : memref<16x16x10x128xi32, #tpu.memory_space<hbm>> -> memref<1x1x10x128xi32, #tpu.memory_space<hbm>>
        %dma_wait3A_79 = tpu.memref_squeeze %dma_wait3A_78 : memref<1x1x10x128xi32, #tpu.memory_space<hbm>> -> memref<10x128xi32, #tpu.memory_space<hbm>>
        tpu.wait_dma2 semaphore(%run_scoped3A_47 : memref<!tpu.dma_semaphore, #tpu.memory_space<semaphore_mem>>) src(%dma_wait3A_79 : memref<10x128xi32, #tpu.memory_space<hbm>>) dst(%dma_wait3A_75 : memref<10x128xi32, #tpu.memory_space<vmem>>)
        tpu.yield
      }) : () -> ()
    } else {
    }
    %eq3A_4 = arith.constant 1 : i32
    %eq3A_5 = arith.cmpi eq, %arg0, %eq3A_4 : i32
    %convert_element_type3A_6 = arith.extui %eq3A_5 : i1 to i32
    %cond3A_7 = arith.constant 0 : i32
    %cond3A_8 = arith.cmpi ne, %convert_element_type3A_6, %cond3A_7 : i32
    scf.if %cond3A_8 {
      %run_scoped3A_45 = arith.constant 0 : i32
      %run_scoped3A_46 = arith.constant 0 : i32
      "tpu.region"() ({
        %run_scoped3A_47 = tpu.sem_alloc : memref<!tpu.dma_semaphore, #tpu.memory_space<semaphore_mem>>
        %dma_start3A_48 = arith.constant 0 : i32
        %dma_start3A_49 = arith.constant 0 : i32
        %dma_start3A_50 = tpu.memref_slice %arg8[%run_scoped3A_46, %dma_start3A_48, %dma_start3A_49] : memref<2x10x128xi32, #tpu.memory_space<vmem>> -> memref<1x10x128xi32, #tpu.memory_space<vmem>>
        %dma_start3A_51 = tpu.memref_squeeze %dma_start3A_50 : memref<1x10x128xi32, #tpu.memory_space<vmem>> -> memref<10x128xi32, #tpu.memory_space<vmem>>
        %dma_start3A_52 = arith.constant 0 : i32
        %dma_start3A_53 = arith.constant 0 : i32
        %dma_start3A_54 = tpu.memref_slice %arg4[%arg1, %run_scoped3A_45, %dma_start3A_52, %dma_start3A_53] : memref<16x16x10x128xi32, #tpu.memory_space<hbm>> -> memref<1x1x10x128xi32, #tpu.memory_space<hbm>>
        %dma_start3A_55 = tpu.memref_squeeze %dma_start3A_54 : memref<1x1x10x128xi32, #tpu.memory_space<hbm>> -> memref<10x128xi32, #tpu.memory_space<hbm>>
        %dma_start3A_56 = arith.constant 0 : i32
        %dma_start3A_57 = arith.constant 0 : i32
        %dma_start3A_58 = tpu.memref_slice %arg8[%run_scoped3A_46, %dma_start3A_56, %dma_start3A_57] : memref<2x10x128xi32, #tpu.memory_space<vmem>> -> memref<1x10x128xi32, #tpu.memory_space<vmem>>
        %dma_start3A_59 = tpu.memref_squeeze %dma_start3A_58 : memref<1x10x128xi32, #tpu.memory_space<vmem>> -> memref<10x128xi32, #tpu.memory_space<vmem>>
        %dma_start3A_60 = arith.constant 0 : i32
        %dma_start3A_61 = arith.constant 0 : i32
        %dma_start3A_62 = tpu.memref_slice %arg4[%arg1, %run_scoped3A_45, %dma_start3A_60, %dma_start3A_61] : memref<16x16x10x128xi32, #tpu.memory_space<hbm>> -> memref<1x1x10x128xi32, #tpu.memory_space<hbm>>
        %dma_start3A_63 = tpu.memref_squeeze %dma_start3A_62 : memref<1x1x10x128xi32, #tpu.memory_space<hbm>> -> memref<10x128xi32, #tpu.memory_space<hbm>>
        tpu.enqueue_dma source(%dma_start3A_63 : memref<10x128xi32, #tpu.memory_space<hbm>>) target(%dma_start3A_59 : memref<10x128xi32, #tpu.memory_space<vmem>>) target_semaphore(%run_scoped3A_47 : memref<!tpu.dma_semaphore, #tpu.memory_space<semaphore_mem>>)
        %dma_wait3A_64 = arith.constant 0 : i32
        %dma_wait3A_65 = arith.constant 0 : i32
        %dma_wait3A_66 = tpu.memref_slice %arg8[%run_scoped3A_46, %dma_wait3A_64, %dma_wait3A_65] : memref<2x10x128xi32, #tpu.memory_space<vmem>> -> memref<1x10x128xi32, #tpu.memory_space<vmem>>
        %dma_wait3A_67 = tpu.memref_squeeze %dma_wait3A_66 : memref<1x10x128xi32, #tpu.memory_space<vmem>> -> memref<10x128xi32, #tpu.memory_space<vmem>>
        %dma_wait3A_68 = arith.constant 0 : i32
        %dma_wait3A_69 = arith.constant 0 : i32
        %dma_wait3A_70 = tpu.memref_slice %arg4[%arg1, %run_scoped3A_45, %dma_wait3A_68, %dma_wait3A_69] : memref<16x16x10x128xi32, #tpu.memory_space<hbm>> -> memref<1x1x10x128xi32, #tpu.memory_space<hbm>>
        %dma_wait3A_71 = tpu.memref_squeeze %dma_wait3A_70 : memref<1x1x10x128xi32, #tpu.memory_space<hbm>> -> memref<10x128xi32, #tpu.memory_space<hbm>>
        %dma_wait3A_72 = arith.constant 0 : i32
        %dma_wait3A_73 = arith.constant 0 : i32
        %dma_wait3A_74 = tpu.memref_slice %arg8[%run_scoped3A_46, %dma_wait3A_72, %dma_wait3A_73] : memref<2x10x128xi32, #tpu.memory_space<vmem>> -> memref<1x10x128xi32, #tpu.memory_space<vmem>>
        %dma_wait3A_75 = tpu.memref_squeeze %dma_wait3A_74 : memref<1x10x128xi32, #tpu.memory_space<vmem>> -> memref<10x128xi32, #tpu.memory_space<vmem>>
        %dma_wait3A_76 = arith.constant 0 : i32
        %dma_wait3A_77 = arith.constant 0 : i32
        %dma_wait3A_78 = tpu.memref_slice %arg4[%arg1, %run_scoped3A_45, %dma_wait3A_76, %dma_wait3A_77] : memref<16x16x10x128xi32, #tpu.memory_space<hbm>> -> memref<1x1x10x128xi32, #tpu.memory_space<hbm>>
        %dma_wait3A_79 = tpu.memref_squeeze %dma_wait3A_78 : memref<1x1x10x128xi32, #tpu.memory_space<hbm>> -> memref<10x128xi32, #tpu.memory_space<hbm>>
        tpu.wait_dma2 semaphore(%run_scoped3A_47 : memref<!tpu.dma_semaphore, #tpu.memory_space<semaphore_mem>>) src(%dma_wait3A_79 : memref<10x128xi32, #tpu.memory_space<hbm>>) dst(%dma_wait3A_75 : memref<10x128xi32, #tpu.memory_space<vmem>>)
        tpu.yield
      }) : () -> ()
    } else {
    }
    %barrier3A = arith.constant 0 : index
    tpu.barrier barrier_id(%barrier3A)
    %dma_start3A = arith.constant 0 : i32
    %dma_start3A_9 = arith.constant 0 : i32
    %dma_start3A_10 = arith.constant 0 : i32
    %dma_start3A_11 = arith.constant 0 : i32
    %dma_start3A_12 = arith.constant 0 : i32
    %dma_start3A_13 = tpu.memref_slice %arg10[%dma_start3A_10, %dma_start3A_11, %dma_start3A_12] : memref<2x128x64xf32, #tpu.memory_space<vmem>> -> memref<1x128x64xf32, #tpu.memory_space<vmem>>
    %dma_start3A_14 = tpu.memref_squeeze %dma_start3A_13 : memref<1x128x64xf32, #tpu.memory_space<vmem>> -> memref<128x64xf32, #tpu.memory_space<vmem>>
    %dma_start3A_15 = arith.constant 0 : i32
    %dma_start3A_16 = tpu.memref_slice %arg8[%dma_start3A, %dma_start3A_9, %dma_start3A_15] : memref<2x10x128xi32, #tpu.memory_space<vmem>> -> memref<1x1x128xi32, #tpu.memory_space<vmem>>
    %dma_start3A_17 = tpu.memref_squeeze %dma_start3A_16 : memref<1x1x128xi32, #tpu.memory_space<vmem>> -> memref<128xi32, #tpu.memory_space<vmem>>
    %dma_start3A_18 = arith.constant 0 : i32
    %dma_start3A_19 = arith.constant 0 : i32
    %dma_start3A_20 = tpu.memref_slice %arg2[%dma_start3A_18, %dma_start3A_19] : memref<40000x64xf32, #tpu.memory_space<hbm>> -> memref<40000x64xf32, #tpu.memory_space<hbm>>
    tpu.enqueue_indirect_dma source(%dma_start3A_20 : memref<40000x64xf32, #tpu.memory_space<hbm>>) target(%dma_start3A_14 : memref<128x64xf32, #tpu.memory_space<vmem>>) offsets(%dma_start3A_17 : memref<128xi32, #tpu.memory_space<vmem>>) semaphore(%arg12 : memref<!tpu.dma_semaphore, #tpu.memory_space<semaphore_mem>>)
    %scan3A = arith.constant 0 : i32
    %scan3A_21 = arith.constant 0 : i32
    %scan3A_22 = arith.constant 80 : i32
    %scan3A_23 = arith.addi %scan3A_21, %scan3A_22 : i32
    %scan3A_24 = arith.constant 1 : i32
    scf.for %scan3A_45 = %scan3A_21 to %scan3A_23 step %scan3A_24  : i32 {
      %mul3A_46 = arith.constant 2 : i32
      %mul3A_47 = arith.muli %scan3A_45, %mul3A_46 : i32
      %add3A = arith.constant 0 : i32
      %add3A_48 = arith.addi %mul3A_47, %add3A : i32
      %jit3A = arith.constant 10 : i32
      %div3A = arith.divsi %add3A_48, %jit3A : i32
      %sign3A = arith.constant 0 : i32
      %sign3A_49 = arith.cmpi sgt, %add3A_48, %sign3A : i32
      %sign3A_50 = arith.extui %sign3A_49 : i1 to i32
      %sign3A_51 = arith.constant 0 : i32
      %sign3A_52 = arith.cmpi slt, %add3A_48, %sign3A_51 : i32
      %sign3A_53 = arith.extui %sign3A_52 : i1 to i32
      %sign3A_54 = arith.subi %sign3A_50, %sign3A_53 : i32
      %sign3A_55 = arith.constant 0 : i32
      %sign3A_56 = arith.cmpi sgt, %jit3A, %sign3A_55 : i32
      %sign3A_57 = arith.extui %sign3A_56 : i1 to i32
      %sign3A_58 = arith.constant 0 : i32
      %sign3A_59 = arith.cmpi slt, %jit3A, %sign3A_58 : i32
      %sign3A_60 = arith.extui %sign3A_59 : i1 to i32
      %sign3A_61 = arith.subi %sign3A_57, %sign3A_60 : i32
      %ne3A = arith.cmpi ne, %sign3A_54, %sign3A_61 : i32
      %rem3A = arith.remsi %add3A_48, %jit3A : i32
      %ne3A_62 = arith.constant 0 : i32
      %ne3A_63 = arith.cmpi ne, %rem3A, %ne3A_62 : i32
      %and3A = arith.andi %ne3A, %ne3A_63 : i1
      %sub3A = arith.constant 1 : i32
      %sub3A_64 = arith.subi %div3A, %sub3A : i32
      %select_n3A = arith.select %and3A, %sub3A_64, %div3A : i32
      %rem3A_65 = arith.constant 2 : i32
      %rem3A_66 = arith.remsi %select_n3A, %rem3A_65 : i32
      %rem3A_67 = arith.constant 10 : i32
      %rem3A_68 = arith.remsi %add3A_48, %rem3A_67 : i32
      %ge3A = arith.constant 1 : i32
      %ge3A_69 = arith.cmpi sge, %add3A_48, %ge3A : i32
      %convert_element_type3A_70 = arith.extui %ge3A_69 : i1 to i32
      %cond3A_71 = arith.constant 0 : i32
      %cond3A_72 = arith.cmpi ne, %convert_element_type3A_70, %cond3A_71 : i32
      scf.if %cond3A_72 {
        %dma_wait3A_199 = arith.constant 1 : i32
        %dma_wait3A_200 = arith.constant 0 : i32
        %dma_wait3A_201 = arith.constant 0 : i32
        %dma_wait3A_202 = tpu.memref_slice %arg10[%dma_wait3A_199, %dma_wait3A_200, %dma_wait3A_201] : memref<2x128x64xf32, #tpu.memory_space<vmem>> -> memref<1x128x64xf32, #tpu.memory_space<vmem>>
        %dma_wait3A_203 = tpu.memref_squeeze %dma_wait3A_202 : memref<1x128x64xf32, #tpu.memory_space<vmem>> -> memref<128x64xf32, #tpu.memory_space<vmem>>
        %dma_wait3A_204 = arith.constant 0 : i32
        %dma_wait3A_205 = arith.constant 0 : i32
        %dma_wait3A_206 = tpu.memref_slice %arg2[%dma_wait3A_204, %dma_wait3A_205] : memref<40000x64xf32, #tpu.memory_space<hbm>> -> memref<128x64xf32, #tpu.memory_space<hbm>>
        %dma_wait3A_207 = arith.constant 0 : i32
        %dma_wait3A_208 = arith.constant 0 : i32
        %dma_wait3A_209 = tpu.memref_slice %arg10[%dma_wait3A_199, %dma_wait3A_207, %dma_wait3A_208] : memref<2x128x64xf32, #tpu.memory_space<vmem>> -> memref<1x128x64xf32, #tpu.memory_space<vmem>>
        %dma_wait3A_210 = tpu.memref_squeeze %dma_wait3A_209 : memref<1x128x64xf32, #tpu.memory_space<vmem>> -> memref<128x64xf32, #tpu.memory_space<vmem>>
        %dma_wait3A_211 = arith.constant 0 : i32
        %dma_wait3A_212 = arith.constant 0 : i32
        %dma_wait3A_213 = tpu.memref_slice %arg2[%dma_wait3A_211, %dma_wait3A_212] : memref<40000x64xf32, #tpu.memory_space<hbm>> -> memref<128x64xf32, #tpu.memory_space<hbm>>
        tpu.wait_dma2 semaphore(%arg13 : memref<!tpu.dma_semaphore, #tpu.memory_space<semaphore_mem>>) src(%dma_wait3A_213 : memref<128x64xf32, #tpu.memory_space<hbm>>) dst(%dma_wait3A_210 : memref<128x64xf32, #tpu.memory_space<vmem>>)
      } else {
      }
      %rem3A_73 = arith.constant 10 : i32
      %rem3A_74 = arith.remsi %add3A_48, %rem3A_73 : i32
      %eq3A_75 = arith.constant 0 : i32
      %eq3A_76 = arith.cmpi eq, %rem3A_74, %eq3A_75 : i32
      %add3A_77 = arith.constant 1 : i32
      %add3A_78 = arith.addi %select_n3A, %add3A_77 : i32
      %lt3A = arith.constant 16 : i32
      %lt3A_79 = arith.cmpi slt, %add3A_78, %lt3A : i32
      %and3A_80 = arith.andi %eq3A_76, %lt3A_79 : i1
      %convert_element_type3A_81 = arith.extui %and3A_80 : i1 to i32
      %cond3A_82 = arith.constant 0 : i32
      %cond3A_83 = arith.cmpi ne, %convert_element_type3A_81, %cond3A_82 : i32
      scf.if %cond3A_83 {
        %add3A_199 = arith.constant 1 : i32
        %add3A_200 = arith.addi %select_n3A, %add3A_199 : i32
        %rem3A_201 = arith.constant 2 : i32
        %rem3A_202 = arith.remsi %add3A_200, %rem3A_201 : i32
        %add3A_203 = arith.constant 1 : i32
        %add3A_204 = arith.addi %select_n3A, %add3A_203 : i32
        %dma_start3A_205 = arith.constant 0 : i32
        %dma_start3A_206 = arith.constant 0 : i32
        %dma_start3A_207 = tpu.memref_slice %arg9[%rem3A_202, %dma_start3A_205, %dma_start3A_206] : memref<2x10x128xi32, #tpu.memory_space<vmem>> -> memref<1x10x128xi32, #tpu.memory_space<vmem>>
        %dma_start3A_208 = tpu.memref_squeeze %dma_start3A_207 : memref<1x10x128xi32, #tpu.memory_space<vmem>> -> memref<10x128xi32, #tpu.memory_space<vmem>>
        %dma_start3A_209 = arith.constant 0 : i32
        %dma_start3A_210 = arith.constant 0 : i32
        %dma_start3A_211 = tpu.memref_slice %arg5[%arg1, %add3A_204, %dma_start3A_209, %dma_start3A_210] : memref<16x16x10x128xi32, #tpu.memory_space<hbm>> -> memref<1x1x10x128xi32, #tpu.memory_space<hbm>>
        %dma_start3A_212 = tpu.memref_squeeze %dma_start3A_211 : memref<1x1x10x128xi32, #tpu.memory_space<hbm>> -> memref<10x128xi32, #tpu.memory_space<hbm>>
        %dma_start3A_213 = arith.constant 0 : i32
        %dma_start3A_214 = arith.constant 0 : i32
        %dma_start3A_215 = tpu.memref_slice %arg9[%rem3A_202, %dma_start3A_213, %dma_start3A_214] : memref<2x10x128xi32, #tpu.memory_space<vmem>> -> memref<1x10x128xi32, #tpu.memory_space<vmem>>
        %dma_start3A_216 = tpu.memref_squeeze %dma_start3A_215 : memref<1x10x128xi32, #tpu.memory_space<vmem>> -> memref<10x128xi32, #tpu.memory_space<vmem>>
        %dma_start3A_217 = arith.constant 0 : i32
        %dma_start3A_218 = arith.constant 0 : i32
        %dma_start3A_219 = tpu.memref_slice %arg5[%arg1, %add3A_204, %dma_start3A_217, %dma_start3A_218] : memref<16x16x10x128xi32, #tpu.memory_space<hbm>> -> memref<1x1x10x128xi32, #tpu.memory_space<hbm>>
        %dma_start3A_220 = tpu.memref_squeeze %dma_start3A_219 : memref<1x1x10x128xi32, #tpu.memory_space<hbm>> -> memref<10x128xi32, #tpu.memory_space<hbm>>
        tpu.enqueue_dma source(%dma_start3A_220 : memref<10x128xi32, #tpu.memory_space<hbm>>) target(%dma_start3A_216 : memref<10x128xi32, #tpu.memory_space<vmem>>) target_semaphore(%arg14 : memref<!tpu.dma_semaphore, #tpu.memory_space<semaphore_mem>>)
        %eq3A_221 = arith.constant 0 : i32
        %eq3A_222 = arith.cmpi eq, %arg0, %eq3A_221 : i32
        %convert_element_type3A_223 = arith.extui %eq3A_222 : i1 to i32
        %cond3A_224 = arith.constant 0 : i32
        %cond3A_225 = arith.cmpi ne, %convert_element_type3A_223, %cond3A_224 : i32
        scf.if %cond3A_225 {
          %add3A_231 = arith.constant 1 : i32
          %add3A_232 = arith.addi %select_n3A, %add3A_231 : i32
          %dma_start3A_233 = arith.constant 0 : i32
          %dma_start3A_234 = arith.constant 0 : i32
          %dma_start3A_235 = tpu.memref_slice %arg8[%rem3A_202, %dma_start3A_233, %dma_start3A_234] : memref<2x10x128xi32, #tpu.memory_space<vmem>> -> memref<1x10x128xi32, #tpu.memory_space<vmem>>
          %dma_start3A_236 = tpu.memref_squeeze %dma_start3A_235 : memref<1x10x128xi32, #tpu.memory_space<vmem>> -> memref<10x128xi32, #tpu.memory_space<vmem>>
          %dma_start3A_237 = arith.constant 0 : i32
          %dma_start3A_238 = arith.constant 0 : i32
          %dma_start3A_239 = tpu.memref_slice %arg3[%arg1, %add3A_232, %dma_start3A_237, %dma_start3A_238] : memref<16x16x10x128xi32, #tpu.memory_space<hbm>> -> memref<1x1x10x128xi32, #tpu.memory_space<hbm>>
          %dma_start3A_240 = tpu.memref_squeeze %dma_start3A_239 : memref<1x1x10x128xi32, #tpu.memory_space<hbm>> -> memref<10x128xi32, #tpu.memory_space<hbm>>
          %dma_start3A_241 = arith.constant 0 : i32
          %dma_start3A_242 = arith.constant 0 : i32
          %dma_start3A_243 = tpu.memref_slice %arg8[%rem3A_202, %dma_start3A_241, %dma_start3A_242] : memref<2x10x128xi32, #tpu.memory_space<vmem>> -> memref<1x10x128xi32, #tpu.memory_space<vmem>>
          %dma_start3A_244 = tpu.memref_squeeze %dma_start3A_243 : memref<1x10x128xi32, #tpu.memory_space<vmem>> -> memref<10x128xi32, #tpu.memory_space<vmem>>
          %dma_start3A_245 = arith.constant 0 : i32
          %dma_start3A_246 = arith.constant 0 : i32
          %dma_start3A_247 = tpu.memref_slice %arg3[%arg1, %add3A_232, %dma_start3A_245, %dma_start3A_246] : memref<16x16x10x128xi32, #tpu.memory_space<hbm>> -> memref<1x1x10x128xi32, #tpu.memory_space<hbm>>
          %dma_start3A_248 = tpu.memref_squeeze %dma_start3A_247 : memref<1x1x10x128xi32, #tpu.memory_space<hbm>> -> memref<10x128xi32, #tpu.memory_space<hbm>>
          tpu.enqueue_dma source(%dma_start3A_248 : memref<10x128xi32, #tpu.memory_space<hbm>>) target(%dma_start3A_244 : memref<10x128xi32, #tpu.memory_space<vmem>>) target_semaphore(%arg14 : memref<!tpu.dma_semaphore, #tpu.memory_space<semaphore_mem>>)
        } else {
        }
        %eq3A_226 = arith.constant 1 : i32
        %eq3A_227 = arith.cmpi eq, %arg0, %eq3A_226 : i32
        %convert_element_type3A_228 = arith.extui %eq3A_227 : i1 to i32
        %cond3A_229 = arith.constant 0 : i32
        %cond3A_230 = arith.cmpi ne, %convert_element_type3A_228, %cond3A_229 : i32
        scf.if %cond3A_230 {
          %add3A_231 = arith.constant 1 : i32
          %add3A_232 = arith.addi %select_n3A, %add3A_231 : i32
          %dma_start3A_233 = arith.constant 0 : i32
          %dma_start3A_234 = arith.constant 0 : i32
          %dma_start3A_235 = tpu.memref_slice %arg8[%rem3A_202, %dma_start3A_233, %dma_start3A_234] : memref<2x10x128xi32, #tpu.memory_space<vmem>> -> memref<1x10x128xi32, #tpu.memory_space<vmem>>
          %dma_start3A_236 = tpu.memref_squeeze %dma_start3A_235 : memref<1x10x128xi32, #tpu.memory_space<vmem>> -> memref<10x128xi32, #tpu.memory_space<vmem>>
          %dma_start3A_237 = arith.constant 0 : i32
          %dma_start3A_238 = arith.constant 0 : i32
          %dma_start3A_239 = tpu.memref_slice %arg4[%arg1, %add3A_232, %dma_start3A_237, %dma_start3A_238] : memref<16x16x10x128xi32, #tpu.memory_space<hbm>> -> memref<1x1x10x128xi32, #tpu.memory_space<hbm>>
          %dma_start3A_240 = tpu.memref_squeeze %dma_start3A_239 : memref<1x1x10x128xi32, #tpu.memory_space<hbm>> -> memref<10x128xi32, #tpu.memory_space<hbm>>
          %dma_start3A_241 = arith.constant 0 : i32
          %dma_start3A_242 = arith.constant 0 : i32
          %dma_start3A_243 = tpu.memref_slice %arg8[%rem3A_202, %dma_start3A_241, %dma_start3A_242] : memref<2x10x128xi32, #tpu.memory_space<vmem>> -> memref<1x10x128xi32, #tpu.memory_space<vmem>>
          %dma_start3A_244 = tpu.memref_squeeze %dma_start3A_243 : memref<1x10x128xi32, #tpu.memory_space<vmem>> -> memref<10x128xi32, #tpu.memory_space<vmem>>
          %dma_start3A_245 = arith.constant 0 : i32
          %dma_start3A_246 = arith.constant 0 : i32
          %dma_start3A_247 = tpu.memref_slice %arg4[%arg1, %add3A_232, %dma_start3A_245, %dma_start3A_246] : memref<16x16x10x128xi32, #tpu.memory_space<hbm>> -> memref<1x1x10x128xi32, #tpu.memory_space<hbm>>
          %dma_start3A_248 = tpu.memref_squeeze %dma_start3A_247 : memref<1x1x10x128xi32, #tpu.memory_space<hbm>> -> memref<10x128xi32, #tpu.memory_space<hbm>>
          tpu.enqueue_dma source(%dma_start3A_248 : memref<10x128xi32, #tpu.memory_space<hbm>>) target(%dma_start3A_244 : memref<10x128xi32, #tpu.memory_space<vmem>>) target_semaphore(%arg14 : memref<!tpu.dma_semaphore, #tpu.memory_space<semaphore_mem>>)
        } else {
        }
      } else {
      }
      %dma_wait3A_84 = arith.constant 0 : i32
      %dma_wait3A_85 = arith.constant 0 : i32
      %dma_wait3A_86 = arith.constant 0 : i32
      %dma_wait3A_87 = tpu.memref_slice %arg10[%dma_wait3A_84, %dma_wait3A_85, %dma_wait3A_86] : memref<2x128x64xf32, #tpu.memory_space<vmem>> -> memref<1x128x64xf32, #tpu.memory_space<vmem>>
      %dma_wait3A_88 = tpu.memref_squeeze %dma_wait3A_87 : memref<1x128x64xf32, #tpu.memory_space<vmem>> -> memref<128x64xf32, #tpu.memory_space<vmem>>
      %dma_wait3A_89 = arith.constant 0 : i32
      %dma_wait3A_90 = arith.constant 0 : i32
      %dma_wait3A_91 = tpu.memref_slice %arg2[%dma_wait3A_89, %dma_wait3A_90] : memref<40000x64xf32, #tpu.memory_space<hbm>> -> memref<128x64xf32, #tpu.memory_space<hbm>>
      %dma_wait3A_92 = arith.constant 0 : i32
      %dma_wait3A_93 = arith.constant 0 : i32
      %dma_wait3A_94 = tpu.memref_slice %arg10[%dma_wait3A_84, %dma_wait3A_92, %dma_wait3A_93] : memref<2x128x64xf32, #tpu.memory_space<vmem>> -> memref<1x128x64xf32, #tpu.memory_space<vmem>>
      %dma_wait3A_95 = tpu.memref_squeeze %dma_wait3A_94 : memref<1x128x64xf32, #tpu.memory_space<vmem>> -> memref<128x64xf32, #tpu.memory_space<vmem>>
      %dma_wait3A_96 = arith.constant 0 : i32
      %dma_wait3A_97 = arith.constant 0 : i32
      %dma_wait3A_98 = tpu.memref_slice %arg2[%dma_wait3A_96, %dma_wait3A_97] : memref<40000x64xf32, #tpu.memory_space<hbm>> -> memref<128x64xf32, #tpu.memory_space<hbm>>
      tpu.wait_dma2 semaphore(%arg12 : memref<!tpu.dma_semaphore, #tpu.memory_space<semaphore_mem>>) src(%dma_wait3A_98 : memref<128x64xf32, #tpu.memory_space<hbm>>) dst(%dma_wait3A_95 : memref<128x64xf32, #tpu.memory_space<vmem>>)
      %add3A_99 = arith.constant 1 : i32
      %add3A_100 = arith.addi %add3A_48, %add3A_99 : i32
      %lt3A_101 = arith.constant 160 : i32
      %lt3A_102 = arith.cmpi slt, %add3A_100, %lt3A_101 : i32
      %convert_element_type3A_103 = arith.extui %lt3A_102 : i1 to i32
      %cond3A_104 = arith.constant 0 : i32
      %cond3A_105 = arith.cmpi ne, %convert_element_type3A_103, %cond3A_104 : i32
      scf.if %cond3A_105 {
        %jit3A_199 = arith.constant 10 : i32
        %div3A_200 = arith.divsi %add3A_100, %jit3A_199 : i32
        %sign3A_201 = arith.constant 0 : i32
        %sign3A_202 = arith.cmpi sgt, %add3A_100, %sign3A_201 : i32
        %sign3A_203 = arith.extui %sign3A_202 : i1 to i32
        %sign3A_204 = arith.constant 0 : i32
        %sign3A_205 = arith.cmpi slt, %add3A_100, %sign3A_204 : i32
        %sign3A_206 = arith.extui %sign3A_205 : i1 to i32
        %sign3A_207 = arith.subi %sign3A_203, %sign3A_206 : i32
        %sign3A_208 = arith.constant 0 : i32
        %sign3A_209 = arith.cmpi sgt, %jit3A_199, %sign3A_208 : i32
        %sign3A_210 = arith.extui %sign3A_209 : i1 to i32
        %sign3A_211 = arith.constant 0 : i32
        %sign3A_212 = arith.cmpi slt, %jit3A_199, %sign3A_211 : i32
        %sign3A_213 = arith.extui %sign3A_212 : i1 to i32
        %sign3A_214 = arith.subi %sign3A_210, %sign3A_213 : i32
        %ne3A_215 = arith.cmpi ne, %sign3A_207, %sign3A_214 : i32
        %rem3A_216 = arith.remsi %add3A_100, %jit3A_199 : i32
        %ne3A_217 = arith.constant 0 : i32
        %ne3A_218 = arith.cmpi ne, %rem3A_216, %ne3A_217 : i32
        %and3A_219 = arith.andi %ne3A_215, %ne3A_218 : i1
        %sub3A_220 = arith.constant 1 : i32
        %sub3A_221 = arith.subi %div3A_200, %sub3A_220 : i32
        %select_n3A_222 = arith.select %and3A_219, %sub3A_221, %div3A_200 : i32
        %rem3A_223 = arith.constant 2 : i32
        %rem3A_224 = arith.remsi %select_n3A_222, %rem3A_223 : i32
        %rem3A_225 = arith.constant 10 : i32
        %rem3A_226 = arith.remsi %add3A_100, %rem3A_225 : i32
        %rem3A_227 = arith.constant 10 : i32
        %rem3A_228 = arith.remsi %add3A_100, %rem3A_227 : i32
        %eq3A_229 = arith.constant 0 : i32
        %eq3A_230 = arith.cmpi eq, %rem3A_228, %eq3A_229 : i32
        %convert_element_type3A_231 = arith.extui %eq3A_230 : i1 to i32
        %cond3A_232 = arith.constant 0 : i32
        %cond3A_233 = arith.cmpi ne, %convert_element_type3A_231, %cond3A_232 : i32
        scf.if %cond3A_233 {
          %dma_wait3A_245 = arith.constant 0 : i32
          %dma_wait3A_246 = arith.constant 0 : i32
          %dma_wait3A_247 = arith.constant 0 : i32
          %dma_wait3A_248 = arith.constant 0 : i32
          %dma_wait3A_249 = tpu.memref_slice %arg9[%dma_wait3A_246, %dma_wait3A_247, %dma_wait3A_248] : memref<2x10x128xi32, #tpu.memory_space<vmem>> -> memref<1x10x128xi32, #tpu.memory_space<vmem>>
          %dma_wait3A_250 = tpu.memref_squeeze %dma_wait3A_249 : memref<1x10x128xi32, #tpu.memory_space<vmem>> -> memref<10x128xi32, #tpu.memory_space<vmem>>
          %dma_wait3A_251 = arith.constant 0 : i32
          %dma_wait3A_252 = arith.constant 0 : i32
          %dma_wait3A_253 = tpu.memref_slice %arg5[%arg1, %dma_wait3A_245, %dma_wait3A_251, %dma_wait3A_252] : memref<16x16x10x128xi32, #tpu.memory_space<hbm>> -> memref<1x1x10x128xi32, #tpu.memory_space<hbm>>
          %dma_wait3A_254 = tpu.memref_squeeze %dma_wait3A_253 : memref<1x1x10x128xi32, #tpu.memory_space<hbm>> -> memref<10x128xi32, #tpu.memory_space<hbm>>
          %dma_wait3A_255 = arith.constant 0 : i32
          %dma_wait3A_256 = arith.constant 0 : i32
          %dma_wait3A_257 = tpu.memref_slice %arg9[%dma_wait3A_246, %dma_wait3A_255, %dma_wait3A_256] : memref<2x10x128xi32, #tpu.memory_space<vmem>> -> memref<1x10x128xi32, #tpu.memory_space<vmem>>
          %dma_wait3A_258 = tpu.memref_squeeze %dma_wait3A_257 : memref<1x10x128xi32, #tpu.memory_space<vmem>> -> memref<10x128xi32, #tpu.memory_space<vmem>>
          %dma_wait3A_259 = arith.constant 0 : i32
          %dma_wait3A_260 = arith.constant 0 : i32
          %dma_wait3A_261 = tpu.memref_slice %arg5[%arg1, %dma_wait3A_245, %dma_wait3A_259, %dma_wait3A_260] : memref<16x16x10x128xi32, #tpu.memory_space<hbm>> -> memref<1x1x10x128xi32, #tpu.memory_space<hbm>>
          %dma_wait3A_262 = tpu.memref_squeeze %dma_wait3A_261 : memref<1x1x10x128xi32, #tpu.memory_space<hbm>> -> memref<10x128xi32, #tpu.memory_space<hbm>>
          tpu.wait_dma2 semaphore(%arg14 : memref<!tpu.dma_semaphore, #tpu.memory_space<semaphore_mem>>) src(%dma_wait3A_262 : memref<10x128xi32, #tpu.memory_space<hbm>>) dst(%dma_wait3A_258 : memref<10x128xi32, #tpu.memory_space<vmem>>)
          %dma_wait3A_263 = arith.constant 0 : i32
          %dma_wait3A_264 = arith.constant 0 : i32
          %dma_wait3A_265 = arith.constant 0 : i32
          %dma_wait3A_266 = arith.constant 0 : i32
          %dma_wait3A_267 = tpu.memref_slice %arg9[%dma_wait3A_264, %dma_wait3A_265, %dma_wait3A_266] : memref<2x10x128xi32, #tpu.memory_space<vmem>> -> memref<1x10x128xi32, #tpu.memory_space<vmem>>
          %dma_wait3A_268 = tpu.memref_squeeze %dma_wait3A_267 : memref<1x10x128xi32, #tpu.memory_space<vmem>> -> memref<10x128xi32, #tpu.memory_space<vmem>>
          %dma_wait3A_269 = arith.constant 0 : i32
          %dma_wait3A_270 = arith.constant 0 : i32
          %dma_wait3A_271 = tpu.memref_slice %arg5[%arg1, %dma_wait3A_263, %dma_wait3A_269, %dma_wait3A_270] : memref<16x16x10x128xi32, #tpu.memory_space<hbm>> -> memref<1x1x10x128xi32, #tpu.memory_space<hbm>>
          %dma_wait3A_272 = tpu.memref_squeeze %dma_wait3A_271 : memref<1x1x10x128xi32, #tpu.memory_space<hbm>> -> memref<10x128xi32, #tpu.memory_space<hbm>>
          %dma_wait3A_273 = arith.constant 0 : i32
          %dma_wait3A_274 = arith.constant 0 : i32
          %dma_wait3A_275 = tpu.memref_slice %arg9[%dma_wait3A_264, %dma_wait3A_273, %dma_wait3A_274] : memref<2x10x128xi32, #tpu.memory_space<vmem>> -> memref<1x10x128xi32, #tpu.memory_space<vmem>>
          %dma_wait3A_276 = tpu.memref_squeeze %dma_wait3A_275 : memref<1x10x128xi32, #tpu.memory_space<vmem>> -> memref<10x128xi32, #tpu.memory_space<vmem>>
          %dma_wait3A_277 = arith.constant 0 : i32
          %dma_wait3A_278 = arith.constant 0 : i32
          %dma_wait3A_279 = tpu.memref_slice %arg5[%arg1, %dma_wait3A_263, %dma_wait3A_277, %dma_wait3A_278] : memref<16x16x10x128xi32, #tpu.memory_space<hbm>> -> memref<1x1x10x128xi32, #tpu.memory_space<hbm>>
          %dma_wait3A_280 = tpu.memref_squeeze %dma_wait3A_279 : memref<1x1x10x128xi32, #tpu.memory_space<hbm>> -> memref<10x128xi32, #tpu.memory_space<hbm>>
          tpu.wait_dma2 semaphore(%arg14 : memref<!tpu.dma_semaphore, #tpu.memory_space<semaphore_mem>>) src(%dma_wait3A_280 : memref<10x128xi32, #tpu.memory_space<hbm>>) dst(%dma_wait3A_276 : memref<10x128xi32, #tpu.memory_space<vmem>>)
        } else {
        }
        %dma_start3A_234 = arith.constant 1 : i32
        %dma_start3A_235 = arith.constant 0 : i32
        %dma_start3A_236 = arith.constant 0 : i32
        %dma_start3A_237 = tpu.memref_slice %arg10[%dma_start3A_234, %dma_start3A_235, %dma_start3A_236] : memref<2x128x64xf32, #tpu.memory_space<vmem>> -> memref<1x128x64xf32, #tpu.memory_space<vmem>>
        %dma_start3A_238 = tpu.memref_squeeze %dma_start3A_237 : memref<1x128x64xf32, #tpu.memory_space<vmem>> -> memref<128x64xf32, #tpu.memory_space<vmem>>
        %dma_start3A_239 = arith.constant 0 : i32
        %dma_start3A_240 = tpu.memref_slice %arg8[%rem3A_224, %rem3A_226, %dma_start3A_239] : memref<2x10x128xi32, #tpu.memory_space<vmem>> -> memref<1x1x128xi32, #tpu.memory_space<vmem>>
        %dma_start3A_241 = tpu.memref_squeeze %dma_start3A_240 : memref<1x1x128xi32, #tpu.memory_space<vmem>> -> memref<128xi32, #tpu.memory_space<vmem>>
        %dma_start3A_242 = arith.constant 0 : i32
        %dma_start3A_243 = arith.constant 0 : i32
        %dma_start3A_244 = tpu.memref_slice %arg2[%dma_start3A_242, %dma_start3A_243] : memref<40000x64xf32, #tpu.memory_space<hbm>> -> memref<40000x64xf32, #tpu.memory_space<hbm>>
        tpu.enqueue_indirect_dma source(%dma_start3A_244 : memref<40000x64xf32, #tpu.memory_space<hbm>>) target(%dma_start3A_238 : memref<128x64xf32, #tpu.memory_space<vmem>>) offsets(%dma_start3A_241 : memref<128xi32, #tpu.memory_space<vmem>>) semaphore(%arg12 : memref<!tpu.dma_semaphore, #tpu.memory_space<semaphore_mem>>)
      } else {
      }
      %dma_start3A_106 = arith.constant 0 : i32
      %dma_start3A_107 = arith.constant 0 : i32
      %dma_start3A_108 = arith.constant 0 : i32
      %dma_start3A_109 = tpu.memref_slice %arg10[%dma_start3A_106, %dma_start3A_107, %dma_start3A_108] : memref<2x128x64xf32, #tpu.memory_space<vmem>> -> memref<1x128x64xf32, #tpu.memory_space<vmem>>
      %dma_start3A_110 = tpu.memref_squeeze %dma_start3A_109 : memref<1x128x64xf32, #tpu.memory_space<vmem>> -> memref<128x64xf32, #tpu.memory_space<vmem>>
      %dma_start3A_111 = arith.constant 0 : i32
      %dma_start3A_112 = tpu.memref_slice %arg9[%rem3A_66, %rem3A_68, %dma_start3A_111] : memref<2x10x128xi32, #tpu.memory_space<vmem>> -> memref<1x1x128xi32, #tpu.memory_space<vmem>>
      %dma_start3A_113 = tpu.memref_squeeze %dma_start3A_112 : memref<1x1x128xi32, #tpu.memory_space<vmem>> -> memref<128xi32, #tpu.memory_space<vmem>>
      %dma_start3A_114 = arith.constant 0 : i32
      %dma_start3A_115 = arith.constant 0 : i32
      %dma_start3A_116 = tpu.memref_slice %arg11[%dma_start3A_114, %dma_start3A_115] : memref<10240x64xf32, #tpu.memory_space<vmem_shared>> -> memref<10240x64xf32, #tpu.memory_space<vmem_shared>>
      tpu.enqueue_indirect_dma source(%dma_start3A_110 : memref<128x64xf32, #tpu.memory_space<vmem>>) target(%dma_start3A_116 : memref<10240x64xf32, #tpu.memory_space<vmem_shared>>) offsets(%dma_start3A_113 : memref<128xi32, #tpu.memory_space<vmem>>) semaphore(%arg13 : memref<!tpu.dma_semaphore, #tpu.memory_space<semaphore_mem>>) {add = true}
      %mul3A_117 = arith.constant 2 : i32
      %mul3A_118 = arith.muli %scan3A_45, %mul3A_117 : i32
      %add3A_119 = arith.constant 1 : i32
      %add3A_120 = arith.addi %mul3A_118, %add3A_119 : i32
      %jit3A_121 = arith.constant 10 : i32
      %div3A_122 = arith.divsi %add3A_120, %jit3A_121 : i32
      %sign3A_123 = arith.constant 0 : i32
      %sign3A_124 = arith.cmpi sgt, %add3A_120, %sign3A_123 : i32
      %sign3A_125 = arith.extui %sign3A_124 : i1 to i32
      %sign3A_126 = arith.constant 0 : i32
      %sign3A_127 = arith.cmpi slt, %add3A_120, %sign3A_126 : i32
      %sign3A_128 = arith.extui %sign3A_127 : i1 to i32
      %sign3A_129 = arith.subi %sign3A_125, %sign3A_128 : i32
      %sign3A_130 = arith.constant 0 : i32
      %sign3A_131 = arith.cmpi sgt, %jit3A_121, %sign3A_130 : i32
      %sign3A_132 = arith.extui %sign3A_131 : i1 to i32
      %sign3A_133 = arith.constant 0 : i32
      %sign3A_134 = arith.cmpi slt, %jit3A_121, %sign3A_133 : i32
      %sign3A_135 = arith.extui %sign3A_134 : i1 to i32
      %sign3A_136 = arith.subi %sign3A_132, %sign3A_135 : i32
      %ne3A_137 = arith.cmpi ne, %sign3A_129, %sign3A_136 : i32
      %rem3A_138 = arith.remsi %add3A_120, %jit3A_121 : i32
      %ne3A_139 = arith.constant 0 : i32
      %ne3A_140 = arith.cmpi ne, %rem3A_138, %ne3A_139 : i32
      %and3A_141 = arith.andi %ne3A_137, %ne3A_140 : i1
      %sub3A_142 = arith.constant 1 : i32
      %sub3A_143 = arith.subi %div3A_122, %sub3A_142 : i32
      %select_n3A_144 = arith.select %and3A_141, %sub3A_143, %div3A_122 : i32
      %rem3A_145 = arith.constant 2 : i32
      %rem3A_146 = arith.remsi %select_n3A_144, %rem3A_145 : i32
      %rem3A_147 = arith.constant 10 : i32
      %rem3A_148 = arith.remsi %add3A_120, %rem3A_147 : i32
      %ge3A_149 = arith.constant 1 : i32
      %ge3A_150 = arith.cmpi sge, %add3A_120, %ge3A_149 : i32
      %convert_element_type3A_151 = arith.extui %ge3A_150 : i1 to i32
      %cond3A_152 = arith.constant 0 : i32
      %cond3A_153 = arith.cmpi ne, %convert_element_type3A_151, %cond3A_152 : i32
      scf.if %cond3A_153 {
        %dma_wait3A_199 = arith.constant 0 : i32
        %dma_wait3A_200 = arith.constant 0 : i32
        %dma_wait3A_201 = arith.constant 0 : i32
        %dma_wait3A_202 = tpu.memref_slice %arg10[%dma_wait3A_199, %dma_wait3A_200, %dma_wait3A_201] : memref<2x128x64xf32, #tpu.memory_space<vmem>> -> memref<1x128x64xf32, #tpu.memory_space<vmem>>
        %dma_wait3A_203 = tpu.memref_squeeze %dma_wait3A_202 : memref<1x128x64xf32, #tpu.memory_space<vmem>> -> memref<128x64xf32, #tpu.memory_space<vmem>>
        %dma_wait3A_204 = arith.constant 0 : i32
        %dma_wait3A_205 = arith.constant 0 : i32
        %dma_wait3A_206 = tpu.memref_slice %arg2[%dma_wait3A_204, %dma_wait3A_205] : memref<40000x64xf32, #tpu.memory_space<hbm>> -> memref<128x64xf32, #tpu.memory_space<hbm>>
        %dma_wait3A_207 = arith.constant 0 : i32
        %dma_wait3A_208 = arith.constant 0 : i32
        %dma_wait3A_209 = tpu.memref_slice %arg10[%dma_wait3A_199, %dma_wait3A_207, %dma_wait3A_208] : memref<2x128x64xf32, #tpu.memory_space<vmem>> -> memref<1x128x64xf32, #tpu.memory_space<vmem>>
        %dma_wait3A_210 = tpu.memref_squeeze %dma_wait3A_209 : memref<1x128x64xf32, #tpu.memory_space<vmem>> -> memref<128x64xf32, #tpu.memory_space<vmem>>
        %dma_wait3A_211 = arith.constant 0 : i32
        %dma_wait3A_212 = arith.constant 0 : i32
        %dma_wait3A_213 = tpu.memref_slice %arg2[%dma_wait3A_211, %dma_wait3A_212] : memref<40000x64xf32, #tpu.memory_space<hbm>> -> memref<128x64xf32, #tpu.memory_space<hbm>>
        tpu.wait_dma2 semaphore(%arg13 : memref<!tpu.dma_semaphore, #tpu.memory_space<semaphore_mem>>) src(%dma_wait3A_213 : memref<128x64xf32, #tpu.memory_space<hbm>>) dst(%dma_wait3A_210 : memref<128x64xf32, #tpu.memory_space<vmem>>)
      } else {
      }
      %rem3A_154 = arith.constant 10 : i32
      %rem3A_155 = arith.remsi %add3A_120, %rem3A_154 : i32
      %eq3A_156 = arith.constant 0 : i32
      %eq3A_157 = arith.cmpi eq, %rem3A_155, %eq3A_156 : i32
      %add3A_158 = arith.constant 1 : i32
      %add3A_159 = arith.addi %select_n3A_144, %add3A_158 : i32
      %lt3A_160 = arith.constant 16 : i32
      %lt3A_161 = arith.cmpi slt, %add3A_159, %lt3A_160 : i32
      %and3A_162 = arith.andi %eq3A_157, %lt3A_161 : i1
      %convert_element_type3A_163 = arith.extui %and3A_162 : i1 to i32
      %cond3A_164 = arith.constant 0 : i32
      %cond3A_165 = arith.cmpi ne, %convert_element_type3A_163, %cond3A_164 : i32
      scf.if %cond3A_165 {
        %add3A_199 = arith.constant 1 : i32
        %add3A_200 = arith.addi %select_n3A_144, %add3A_199 : i32
        %rem3A_201 = arith.constant 2 : i32
        %rem3A_202 = arith.remsi %add3A_200, %rem3A_201 : i32
        %add3A_203 = arith.constant 1 : i32
        %add3A_204 = arith.addi %select_n3A_144, %add3A_203 : i32
        %dma_start3A_205 = arith.constant 0 : i32
        %dma_start3A_206 = arith.constant 0 : i32
        %dma_start3A_207 = tpu.memref_slice %arg9[%rem3A_202, %dma_start3A_205, %dma_start3A_206] : memref<2x10x128xi32, #tpu.memory_space<vmem>> -> memref<1x10x128xi32, #tpu.memory_space<vmem>>
        %dma_start3A_208 = tpu.memref_squeeze %dma_start3A_207 : memref<1x10x128xi32, #tpu.memory_space<vmem>> -> memref<10x128xi32, #tpu.memory_space<vmem>>
        %dma_start3A_209 = arith.constant 0 : i32
        %dma_start3A_210 = arith.constant 0 : i32
        %dma_start3A_211 = tpu.memref_slice %arg5[%arg1, %add3A_204, %dma_start3A_209, %dma_start3A_210] : memref<16x16x10x128xi32, #tpu.memory_space<hbm>> -> memref<1x1x10x128xi32, #tpu.memory_space<hbm>>
        %dma_start3A_212 = tpu.memref_squeeze %dma_start3A_211 : memref<1x1x10x128xi32, #tpu.memory_space<hbm>> -> memref<10x128xi32, #tpu.memory_space<hbm>>
        %dma_start3A_213 = arith.constant 0 : i32
        %dma_start3A_214 = arith.constant 0 : i32
        %dma_start3A_215 = tpu.memref_slice %arg9[%rem3A_202, %dma_start3A_213, %dma_start3A_214] : memref<2x10x128xi32, #tpu.memory_space<vmem>> -> memref<1x10x128xi32, #tpu.memory_space<vmem>>
        %dma_start3A_216 = tpu.memref_squeeze %dma_start3A_215 : memref<1x10x128xi32, #tpu.memory_space<vmem>> -> memref<10x128xi32, #tpu.memory_space<vmem>>
        %dma_start3A_217 = arith.constant 0 : i32
        %dma_start3A_218 = arith.constant 0 : i32
        %dma_start3A_219 = tpu.memref_slice %arg5[%arg1, %add3A_204, %dma_start3A_217, %dma_start3A_218] : memref<16x16x10x128xi32, #tpu.memory_space<hbm>> -> memref<1x1x10x128xi32, #tpu.memory_space<hbm>>
        %dma_start3A_220 = tpu.memref_squeeze %dma_start3A_219 : memref<1x1x10x128xi32, #tpu.memory_space<hbm>> -> memref<10x128xi32, #tpu.memory_space<hbm>>
        tpu.enqueue_dma source(%dma_start3A_220 : memref<10x128xi32, #tpu.memory_space<hbm>>) target(%dma_start3A_216 : memref<10x128xi32, #tpu.memory_space<vmem>>) target_semaphore(%arg14 : memref<!tpu.dma_semaphore, #tpu.memory_space<semaphore_mem>>)
        %eq3A_221 = arith.constant 0 : i32
        %eq3A_222 = arith.cmpi eq, %arg0, %eq3A_221 : i32
        %convert_element_type3A_223 = arith.extui %eq3A_222 : i1 to i32
        %cond3A_224 = arith.constant 0 : i32
        %cond3A_225 = arith.cmpi ne, %convert_element_type3A_223, %cond3A_224 : i32
        scf.if %cond3A_225 {
          %add3A_231 = arith.constant 1 : i32
          %add3A_232 = arith.addi %select_n3A_144, %add3A_231 : i32
          %dma_start3A_233 = arith.constant 0 : i32
          %dma_start3A_234 = arith.constant 0 : i32
          %dma_start3A_235 = tpu.memref_slice %arg8[%rem3A_202, %dma_start3A_233, %dma_start3A_234] : memref<2x10x128xi32, #tpu.memory_space<vmem>> -> memref<1x10x128xi32, #tpu.memory_space<vmem>>
          %dma_start3A_236 = tpu.memref_squeeze %dma_start3A_235 : memref<1x10x128xi32, #tpu.memory_space<vmem>> -> memref<10x128xi32, #tpu.memory_space<vmem>>
          %dma_start3A_237 = arith.constant 0 : i32
          %dma_start3A_238 = arith.constant 0 : i32
          %dma_start3A_239 = tpu.memref_slice %arg3[%arg1, %add3A_232, %dma_start3A_237, %dma_start3A_238] : memref<16x16x10x128xi32, #tpu.memory_space<hbm>> -> memref<1x1x10x128xi32, #tpu.memory_space<hbm>>
          %dma_start3A_240 = tpu.memref_squeeze %dma_start3A_239 : memref<1x1x10x128xi32, #tpu.memory_space<hbm>> -> memref<10x128xi32, #tpu.memory_space<hbm>>
          %dma_start3A_241 = arith.constant 0 : i32
          %dma_start3A_242 = arith.constant 0 : i32
          %dma_start3A_243 = tpu.memref_slice %arg8[%rem3A_202, %dma_start3A_241, %dma_start3A_242] : memref<2x10x128xi32, #tpu.memory_space<vmem>> -> memref<1x10x128xi32, #tpu.memory_space<vmem>>
          %dma_start3A_244 = tpu.memref_squeeze %dma_start3A_243 : memref<1x10x128xi32, #tpu.memory_space<vmem>> -> memref<10x128xi32, #tpu.memory_space<vmem>>
          %dma_start3A_245 = arith.constant 0 : i32
          %dma_start3A_246 = arith.constant 0 : i32
          %dma_start3A_247 = tpu.memref_slice %arg3[%arg1, %add3A_232, %dma_start3A_245, %dma_start3A_246] : memref<16x16x10x128xi32, #tpu.memory_space<hbm>> -> memref<1x1x10x128xi32, #tpu.memory_space<hbm>>
          %dma_start3A_248 = tpu.memref_squeeze %dma_start3A_247 : memref<1x1x10x128xi32, #tpu.memory_space<hbm>> -> memref<10x128xi32, #tpu.memory_space<hbm>>
          tpu.enqueue_dma source(%dma_start3A_248 : memref<10x128xi32, #tpu.memory_space<hbm>>) target(%dma_start3A_244 : memref<10x128xi32, #tpu.memory_space<vmem>>) target_semaphore(%arg14 : memref<!tpu.dma_semaphore, #tpu.memory_space<semaphore_mem>>)
        } else {
        }
        %eq3A_226 = arith.constant 1 : i32
        %eq3A_227 = arith.cmpi eq, %arg0, %eq3A_226 : i32
        %convert_element_type3A_228 = arith.extui %eq3A_227 : i1 to i32
        %cond3A_229 = arith.constant 0 : i32
        %cond3A_230 = arith.cmpi ne, %convert_element_type3A_228, %cond3A_229 : i32
        scf.if %cond3A_230 {
          %add3A_231 = arith.constant 1 : i32
          %add3A_232 = arith.addi %select_n3A_144, %add3A_231 : i32
          %dma_start3A_233 = arith.constant 0 : i32
          %dma_start3A_234 = arith.constant 0 : i32
          %dma_start3A_235 = tpu.memref_slice %arg8[%rem3A_202, %dma_start3A_233, %dma_start3A_234] : memref<2x10x128xi32, #tpu.memory_space<vmem>> -> memref<1x10x128xi32, #tpu.memory_space<vmem>>
          %dma_start3A_236 = tpu.memref_squeeze %dma_start3A_235 : memref<1x10x128xi32, #tpu.memory_space<vmem>> -> memref<10x128xi32, #tpu.memory_space<vmem>>
          %dma_start3A_237 = arith.constant 0 : i32
          %dma_start3A_238 = arith.constant 0 : i32
          %dma_start3A_239 = tpu.memref_slice %arg4[%arg1, %add3A_232, %dma_start3A_237, %dma_start3A_238] : memref<16x16x10x128xi32, #tpu.memory_space<hbm>> -> memref<1x1x10x128xi32, #tpu.memory_space<hbm>>
          %dma_start3A_240 = tpu.memref_squeeze %dma_start3A_239 : memref<1x1x10x128xi32, #tpu.memory_space<hbm>> -> memref<10x128xi32, #tpu.memory_space<hbm>>
          %dma_start3A_241 = arith.constant 0 : i32
          %dma_start3A_242 = arith.constant 0 : i32
          %dma_start3A_243 = tpu.memref_slice %arg8[%rem3A_202, %dma_start3A_241, %dma_start3A_242] : memref<2x10x128xi32, #tpu.memory_space<vmem>> -> memref<1x10x128xi32, #tpu.memory_space<vmem>>
          %dma_start3A_244 = tpu.memref_squeeze %dma_start3A_243 : memref<1x10x128xi32, #tpu.memory_space<vmem>> -> memref<10x128xi32, #tpu.memory_space<vmem>>
          %dma_start3A_245 = arith.constant 0 : i32
          %dma_start3A_246 = arith.constant 0 : i32
          %dma_start3A_247 = tpu.memref_slice %arg4[%arg1, %add3A_232, %dma_start3A_245, %dma_start3A_246] : memref<16x16x10x128xi32, #tpu.memory_space<hbm>> -> memref<1x1x10x128xi32, #tpu.memory_space<hbm>>
          %dma_start3A_248 = tpu.memref_squeeze %dma_start3A_247 : memref<1x1x10x128xi32, #tpu.memory_space<hbm>> -> memref<10x128xi32, #tpu.memory_space<hbm>>
          tpu.enqueue_dma source(%dma_start3A_248 : memref<10x128xi32, #tpu.memory_space<hbm>>) target(%dma_start3A_244 : memref<10x128xi32, #tpu.memory_space<vmem>>) target_semaphore(%arg14 : memref<!tpu.dma_semaphore, #tpu.memory_space<semaphore_mem>>)
        } else {
        }
      } else {
      }
      %dma_wait3A_166 = arith.constant 1 : i32
      %dma_wait3A_167 = arith.constant 0 : i32
      %dma_wait3A_168 = arith.constant 0 : i32
      %dma_wait3A_169 = tpu.memref_slice %arg10[%dma_wait3A_166, %dma_wait3A_167, %dma_wait3A_168] : memref<2x128x64xf32, #tpu.memory_space<vmem>> -> memref<1x128x64xf32, #tpu.memory_space<vmem>>
      %dma_wait3A_170 = tpu.memref_squeeze %dma_wait3A_169 : memref<1x128x64xf32, #tpu.memory_space<vmem>> -> memref<128x64xf32, #tpu.memory_space<vmem>>
      %dma_wait3A_171 = arith.constant 0 : i32
      %dma_wait3A_172 = arith.constant 0 : i32
      %dma_wait3A_173 = tpu.memref_slice %arg2[%dma_wait3A_171, %dma_wait3A_172] : memref<40000x64xf32, #tpu.memory_space<hbm>> -> memref<128x64xf32, #tpu.memory_space<hbm>>
      %dma_wait3A_174 = arith.constant 0 : i32
      %dma_wait3A_175 = arith.constant 0 : i32
      %dma_wait3A_176 = tpu.memref_slice %arg10[%dma_wait3A_166, %dma_wait3A_174, %dma_wait3A_175] : memref<2x128x64xf32, #tpu.memory_space<vmem>> -> memref<1x128x64xf32, #tpu.memory_space<vmem>>
      %dma_wait3A_177 = tpu.memref_squeeze %dma_wait3A_176 : memref<1x128x64xf32, #tpu.memory_space<vmem>> -> memref<128x64xf32, #tpu.memory_space<vmem>>
      %dma_wait3A_178 = arith.constant 0 : i32
      %dma_wait3A_179 = arith.constant 0 : i32
      %dma_wait3A_180 = tpu.memref_slice %arg2[%dma_wait3A_178, %dma_wait3A_179] : memref<40000x64xf32, #tpu.memory_space<hbm>> -> memref<128x64xf32, #tpu.memory_space<hbm>>
      tpu.wait_dma2 semaphore(%arg12 : memref<!tpu.dma_semaphore, #tpu.memory_space<semaphore_mem>>) src(%dma_wait3A_180 : memref<128x64xf32, #tpu.memory_space<hbm>>) dst(%dma_wait3A_177 : memref<128x64xf32, #tpu.memory_space<vmem>>)
      %add3A_181 = arith.constant 1 : i32
      %add3A_182 = arith.addi %add3A_120, %add3A_181 : i32
      %lt3A_183 = arith.constant 160 : i32
      %lt3A_184 = arith.cmpi slt, %add3A_182, %lt3A_183 : i32
      %convert_element_type3A_185 = arith.extui %lt3A_184 : i1 to i32
      %cond3A_186 = arith.constant 0 : i32
      %cond3A_187 = arith.cmpi ne, %convert_element_type3A_185, %cond3A_186 : i32
      scf.if %cond3A_187 {
        %jit3A_199 = arith.constant 10 : i32
        %div3A_200 = arith.divsi %add3A_182, %jit3A_199 : i32
        %sign3A_201 = arith.constant 0 : i32
        %sign3A_202 = arith.cmpi sgt, %add3A_182, %sign3A_201 : i32
        %sign3A_203 = arith.extui %sign3A_202 : i1 to i32
        %sign3A_204 = arith.constant 0 : i32
        %sign3A_205 = arith.cmpi slt, %add3A_182, %sign3A_204 : i32
        %sign3A_206 = arith.extui %sign3A_205 : i1 to i32
        %sign3A_207 = arith.subi %sign3A_203, %sign3A_206 : i32
        %sign3A_208 = arith.constant 0 : i32
        %sign3A_209 = arith.cmpi sgt, %jit3A_199, %sign3A_208 : i32
        %sign3A_210 = arith.extui %sign3A_209 : i1 to i32
        %sign3A_211 = arith.constant 0 : i32
        %sign3A_212 = arith.cmpi slt, %jit3A_199, %sign3A_211 : i32
        %sign3A_213 = arith.extui %sign3A_212 : i1 to i32
        %sign3A_214 = arith.subi %sign3A_210, %sign3A_213 : i32
        %ne3A_215 = arith.cmpi ne, %sign3A_207, %sign3A_214 : i32
        %rem3A_216 = arith.remsi %add3A_182, %jit3A_199 : i32
        %ne3A_217 = arith.constant 0 : i32
        %ne3A_218 = arith.cmpi ne, %rem3A_216, %ne3A_217 : i32
        %and3A_219 = arith.andi %ne3A_215, %ne3A_218 : i1
        %sub3A_220 = arith.constant 1 : i32
        %sub3A_221 = arith.subi %div3A_200, %sub3A_220 : i32
        %select_n3A_222 = arith.select %and3A_219, %sub3A_221, %div3A_200 : i32
        %rem3A_223 = arith.constant 2 : i32
        %rem3A_224 = arith.remsi %select_n3A_222, %rem3A_223 : i32
        %rem3A_225 = arith.constant 10 : i32
        %rem3A_226 = arith.remsi %add3A_182, %rem3A_225 : i32
        %rem3A_227 = arith.constant 10 : i32
        %rem3A_228 = arith.remsi %add3A_182, %rem3A_227 : i32
        %eq3A_229 = arith.constant 0 : i32
        %eq3A_230 = arith.cmpi eq, %rem3A_228, %eq3A_229 : i32
        %convert_element_type3A_231 = arith.extui %eq3A_230 : i1 to i32
        %cond3A_232 = arith.constant 0 : i32
        %cond3A_233 = arith.cmpi ne, %convert_element_type3A_231, %cond3A_232 : i32
        scf.if %cond3A_233 {
          %dma_wait3A_245 = arith.constant 0 : i32
          %dma_wait3A_246 = arith.constant 0 : i32
          %dma_wait3A_247 = arith.constant 0 : i32
          %dma_wait3A_248 = arith.constant 0 : i32
          %dma_wait3A_249 = tpu.memref_slice %arg9[%dma_wait3A_246, %dma_wait3A_247, %dma_wait3A_248] : memref<2x10x128xi32, #tpu.memory_space<vmem>> -> memref<1x10x128xi32, #tpu.memory_space<vmem>>
          %dma_wait3A_250 = tpu.memref_squeeze %dma_wait3A_249 : memref<1x10x128xi32, #tpu.memory_space<vmem>> -> memref<10x128xi32, #tpu.memory_space<vmem>>
          %dma_wait3A_251 = arith.constant 0 : i32
          %dma_wait3A_252 = arith.constant 0 : i32
          %dma_wait3A_253 = tpu.memref_slice %arg5[%arg1, %dma_wait3A_245, %dma_wait3A_251, %dma_wait3A_252] : memref<16x16x10x128xi32, #tpu.memory_space<hbm>> -> memref<1x1x10x128xi32, #tpu.memory_space<hbm>>
          %dma_wait3A_254 = tpu.memref_squeeze %dma_wait3A_253 : memref<1x1x10x128xi32, #tpu.memory_space<hbm>> -> memref<10x128xi32, #tpu.memory_space<hbm>>
          %dma_wait3A_255 = arith.constant 0 : i32
          %dma_wait3A_256 = arith.constant 0 : i32
          %dma_wait3A_257 = tpu.memref_slice %arg9[%dma_wait3A_246, %dma_wait3A_255, %dma_wait3A_256] : memref<2x10x128xi32, #tpu.memory_space<vmem>> -> memref<1x10x128xi32, #tpu.memory_space<vmem>>
          %dma_wait3A_258 = tpu.memref_squeeze %dma_wait3A_257 : memref<1x10x128xi32, #tpu.memory_space<vmem>> -> memref<10x128xi32, #tpu.memory_space<vmem>>
          %dma_wait3A_259 = arith.constant 0 : i32
          %dma_wait3A_260 = arith.constant 0 : i32
          %dma_wait3A_261 = tpu.memref_slice %arg5[%arg1, %dma_wait3A_245, %dma_wait3A_259, %dma_wait3A_260] : memref<16x16x10x128xi32, #tpu.memory_space<hbm>> -> memref<1x1x10x128xi32, #tpu.memory_space<hbm>>
          %dma_wait3A_262 = tpu.memref_squeeze %dma_wait3A_261 : memref<1x1x10x128xi32, #tpu.memory_space<hbm>> -> memref<10x128xi32, #tpu.memory_space<hbm>>
          tpu.wait_dma2 semaphore(%arg14 : memref<!tpu.dma_semaphore, #tpu.memory_space<semaphore_mem>>) src(%dma_wait3A_262 : memref<10x128xi32, #tpu.memory_space<hbm>>) dst(%dma_wait3A_258 : memref<10x128xi32, #tpu.memory_space<vmem>>)
          %dma_wait3A_263 = arith.constant 0 : i32
          %dma_wait3A_264 = arith.constant 0 : i32
          %dma_wait3A_265 = arith.constant 0 : i32
          %dma_wait3A_266 = arith.constant 0 : i32
          %dma_wait3A_267 = tpu.memref_slice %arg9[%dma_wait3A_264, %dma_wait3A_265, %dma_wait3A_266] : memref<2x10x128xi32, #tpu.memory_space<vmem>> -> memref<1x10x128xi32, #tpu.memory_space<vmem>>
          %dma_wait3A_268 = tpu.memref_squeeze %dma_wait3A_267 : memref<1x10x128xi32, #tpu.memory_space<vmem>> -> memref<10x128xi32, #tpu.memory_space<vmem>>
          %dma_wait3A_269 = arith.constant 0 : i32
          %dma_wait3A_270 = arith.constant 0 : i32
          %dma_wait3A_271 = tpu.memref_slice %arg5[%arg1, %dma_wait3A_263, %dma_wait3A_269, %dma_wait3A_270] : memref<16x16x10x128xi32, #tpu.memory_space<hbm>> -> memref<1x1x10x128xi32, #tpu.memory_space<hbm>>
          %dma_wait3A_272 = tpu.memref_squeeze %dma_wait3A_271 : memref<1x1x10x128xi32, #tpu.memory_space<hbm>> -> memref<10x128xi32, #tpu.memory_space<hbm>>
          %dma_wait3A_273 = arith.constant 0 : i32
          %dma_wait3A_274 = arith.constant 0 : i32
          %dma_wait3A_275 = tpu.memref_slice %arg9[%dma_wait3A_264, %dma_wait3A_273, %dma_wait3A_274] : memref<2x10x128xi32, #tpu.memory_space<vmem>> -> memref<1x10x128xi32, #tpu.memory_space<vmem>>
          %dma_wait3A_276 = tpu.memref_squeeze %dma_wait3A_275 : memref<1x10x128xi32, #tpu.memory_space<vmem>> -> memref<10x128xi32, #tpu.memory_space<vmem>>
          %dma_wait3A_277 = arith.constant 0 : i32
          %dma_wait3A_278 = arith.constant 0 : i32
          %dma_wait3A_279 = tpu.memref_slice %arg5[%arg1, %dma_wait3A_263, %dma_wait3A_277, %dma_wait3A_278] : memref<16x16x10x128xi32, #tpu.memory_space<hbm>> -> memref<1x1x10x128xi32, #tpu.memory_space<hbm>>
          %dma_wait3A_280 = tpu.memref_squeeze %dma_wait3A_279 : memref<1x1x10x128xi32, #tpu.memory_space<hbm>> -> memref<10x128xi32, #tpu.memory_space<hbm>>
          tpu.wait_dma2 semaphore(%arg14 : memref<!tpu.dma_semaphore, #tpu.memory_space<semaphore_mem>>) src(%dma_wait3A_280 : memref<10x128xi32, #tpu.memory_space<hbm>>) dst(%dma_wait3A_276 : memref<10x128xi32, #tpu.memory_space<vmem>>)
        } else {
        }
        %dma_start3A_234 = arith.constant 0 : i32
        %dma_start3A_235 = arith.constant 0 : i32
        %dma_start3A_236 = arith.constant 0 : i32
        %dma_start3A_237 = tpu.memref_slice %arg10[%dma_start3A_234, %dma_start3A_235, %dma_start3A_236] : memref<2x128x64xf32, #tpu.memory_space<vmem>> -> memref<1x128x64xf32, #tpu.memory_space<vmem>>
        %dma_start3A_238 = tpu.memref_squeeze %dma_start3A_237 : memref<1x128x64xf32, #tpu.memory_space<vmem>> -> memref<128x64xf32, #tpu.memory_space<vmem>>
        %dma_start3A_239 = arith.constant 0 : i32
        %dma_start3A_240 = tpu.memref_slice %arg8[%rem3A_224, %rem3A_226, %dma_start3A_239] : memref<2x10x128xi32, #tpu.memory_space<vmem>> -> memref<1x1x128xi32, #tpu.memory_space<vmem>>
        %dma_start3A_241 = tpu.memref_squeeze %dma_start3A_240 : memref<1x1x128xi32, #tpu.memory_space<vmem>> -> memref<128xi32, #tpu.memory_space<vmem>>
        %dma_start3A_242 = arith.constant 0 : i32
        %dma_start3A_243 = arith.constant 0 : i32
        %dma_start3A_244 = tpu.memref_slice %arg2[%dma_start3A_242, %dma_start3A_243] : memref<40000x64xf32, #tpu.memory_space<hbm>> -> memref<40000x64xf32, #tpu.memory_space<hbm>>
        tpu.enqueue_indirect_dma source(%dma_start3A_244 : memref<40000x64xf32, #tpu.memory_space<hbm>>) target(%dma_start3A_238 : memref<128x64xf32, #tpu.memory_space<vmem>>) offsets(%dma_start3A_241 : memref<128xi32, #tpu.memory_space<vmem>>) semaphore(%arg12 : memref<!tpu.dma_semaphore, #tpu.memory_space<semaphore_mem>>)
      } else {
      }
      %dma_start3A_188 = arith.constant 1 : i32
      %dma_start3A_189 = arith.constant 0 : i32
      %dma_start3A_190 = arith.constant 0 : i32
      %dma_start3A_191 = tpu.memref_slice %arg10[%dma_start3A_188, %dma_start3A_189, %dma_start3A_190] : memref<2x128x64xf32, #tpu.memory_space<vmem>> -> memref<1x128x64xf32, #tpu.memory_space<vmem>>
      %dma_start3A_192 = tpu.memref_squeeze %dma_start3A_191 : memref<1x128x64xf32, #tpu.memory_space<vmem>> -> memref<128x64xf32, #tpu.memory_space<vmem>>
      %dma_start3A_193 = arith.constant 0 : i32
      %dma_start3A_194 = tpu.memref_slice %arg9[%rem3A_146, %rem3A_148, %dma_start3A_193] : memref<2x10x128xi32, #tpu.memory_space<vmem>> -> memref<1x1x128xi32, #tpu.memory_space<vmem>>
      %dma_start3A_195 = tpu.memref_squeeze %dma_start3A_194 : memref<1x1x128xi32, #tpu.memory_space<vmem>> -> memref<128xi32, #tpu.memory_space<vmem>>
      %dma_start3A_196 = arith.constant 0 : i32
      %dma_start3A_197 = arith.constant 0 : i32
      %dma_start3A_198 = tpu.memref_slice %arg11[%dma_start3A_196, %dma_start3A_197] : memref<10240x64xf32, #tpu.memory_space<vmem_shared>> -> memref<10240x64xf32, #tpu.memory_space<vmem_shared>>
      tpu.enqueue_indirect_dma source(%dma_start3A_192 : memref<128x64xf32, #tpu.memory_space<vmem>>) target(%dma_start3A_198 : memref<10240x64xf32, #tpu.memory_space<vmem_shared>>) offsets(%dma_start3A_195 : memref<128xi32, #tpu.memory_space<vmem>>) semaphore(%arg13 : memref<!tpu.dma_semaphore, #tpu.memory_space<semaphore_mem>>) {add = true}
    }
    %scan3A_25 = arith.constant 80 : i32
    %dma_wait3A = arith.constant 1 : i32
    %dma_wait3A_26 = arith.constant 0 : i32
    %dma_wait3A_27 = arith.constant 0 : i32
    %dma_wait3A_28 = tpu.memref_slice %arg10[%dma_wait3A, %dma_wait3A_26, %dma_wait3A_27] : memref<2x128x64xf32, #tpu.memory_space<vmem>> -> memref<1x128x64xf32, #tpu.memory_space<vmem>>
    %dma_wait3A_29 = tpu.memref_squeeze %dma_wait3A_28 : memref<1x128x64xf32, #tpu.memory_space<vmem>> -> memref<128x64xf32, #tpu.memory_space<vmem>>
    %dma_wait3A_30 = arith.constant 0 : i32
    %dma_wait3A_31 = arith.constant 0 : i32
    %dma_wait3A_32 = tpu.memref_slice %arg2[%dma_wait3A_30, %dma_wait3A_31] : memref<40000x64xf32, #tpu.memory_space<hbm>> -> memref<128x64xf32, #tpu.memory_space<hbm>>
    %dma_wait3A_33 = arith.constant 0 : i32
    %dma_wait3A_34 = arith.constant 0 : i32
    %dma_wait3A_35 = tpu.memref_slice %arg10[%dma_wait3A, %dma_wait3A_33, %dma_wait3A_34] : memref<2x128x64xf32, #tpu.memory_space<vmem>> -> memref<1x128x64xf32, #tpu.memory_space<vmem>>
    %dma_wait3A_36 = tpu.memref_squeeze %dma_wait3A_35 : memref<1x128x64xf32, #tpu.memory_space<vmem>> -> memref<128x64xf32, #tpu.memory_space<vmem>>
    %dma_wait3A_37 = arith.constant 0 : i32
    %dma_wait3A_38 = arith.constant 0 : i32
    %dma_wait3A_39 = tpu.memref_slice %arg2[%dma_wait3A_37, %dma_wait3A_38] : memref<40000x64xf32, #tpu.memory_space<hbm>> -> memref<128x64xf32, #tpu.memory_space<hbm>>
    tpu.wait_dma2 semaphore(%arg13 : memref<!tpu.dma_semaphore, #tpu.memory_space<semaphore_mem>>) src(%dma_wait3A_39 : memref<128x64xf32, #tpu.memory_space<hbm>>) dst(%dma_wait3A_36 : memref<128x64xf32, #tpu.memory_space<vmem>>)
    %barrier3A_40 = arith.constant 0 : index
    tpu.barrier barrier_id(%barrier3A_40)
    %mul3A_41 = arith.constant 640 : i32
    %mul3A_42 = arith.muli %arg1, %mul3A_41 : i32
    %mul3A_43 = arith.constant 640 : i32
    %mul3A_44 = arith.muli %arg1, %mul3A_43 : i32
    "tpu.region"() ({
      %run_scoped3A_45 = tpu.sem_alloc : memref<!tpu.dma_semaphore, #tpu.memory_space<semaphore_mem>>
      %dma_start3A_46 = arith.constant 0 : i32
      %dma_start3A_47 = arith.constant 0 : i32
      %dma_start3A_48 = tpu.memref_slice %arg7[%arg0, %dma_start3A_46, %dma_start3A_47] : memref<2x10240x64xf32, #tpu.memory_space<hbm>> -> memref<1x10240x64xf32, #tpu.memory_space<hbm>>
      %dma_start3A_49 = tpu.memref_squeeze %dma_start3A_48 : memref<1x10240x64xf32, #tpu.memory_space<hbm>> -> memref<10240x64xf32, #tpu.memory_space<hbm>>
      %dma_start3A_50 = arith.constant 0 : i32
      %dma_start3A_51 = tpu.memref_slice %dma_start3A_49[%mul3A_44, %dma_start3A_50] : memref<10240x64xf32, #tpu.memory_space<hbm>> -> memref<640x64xf32, #tpu.memory_space<hbm>>
      %dma_start3A_52 = arith.constant 0 : i32
      %dma_start3A_53 = tpu.memref_slice %arg11[%mul3A_42, %dma_start3A_52] : memref<10240x64xf32, #tpu.memory_space<vmem_shared>> -> memref<640x64xf32, #tpu.memory_space<vmem_shared>>
      tpu.enqueue_dma source(%dma_start3A_53 : memref<640x64xf32, #tpu.memory_space<vmem_shared>>) target(%dma_start3A_51 : memref<640x64xf32, #tpu.memory_space<hbm>>) target_semaphore(%run_scoped3A_45 : memref<!tpu.dma_semaphore, #tpu.memory_space<semaphore_mem>>)
      %dma_wait3A_54 = arith.constant 0 : i32
      %dma_wait3A_55 = arith.constant 0 : i32
      %dma_wait3A_56 = tpu.memref_slice %arg7[%arg0, %dma_wait3A_54, %dma_wait3A_55] : memref<2x10240x64xf32, #tpu.memory_space<hbm>> -> memref<1x10240x64xf32, #tpu.memory_space<hbm>>
      %dma_wait3A_57 = tpu.memref_squeeze %dma_wait3A_56 : memref<1x10240x64xf32, #tpu.memory_space<hbm>> -> memref<10240x64xf32, #tpu.memory_space<hbm>>
      %dma_wait3A_58 = arith.constant 0 : i32
      %dma_wait3A_59 = tpu.memref_slice %dma_wait3A_57[%mul3A_44, %dma_wait3A_58] : memref<10240x64xf32, #tpu.memory_space<hbm>> -> memref<640x64xf32, #tpu.memory_space<hbm>>
      %dma_wait3A_60 = arith.constant 0 : i32
      %dma_wait3A_61 = tpu.memref_slice %arg11[%mul3A_42, %dma_wait3A_60] : memref<10240x64xf32, #tpu.memory_space<vmem_shared>> -> memref<640x64xf32, #tpu.memory_space<vmem_shared>>
      tpu.wait_dma2 semaphore(%run_scoped3A_45 : memref<!tpu.dma_semaphore, #tpu.memory_space<semaphore_mem>>) src(%dma_wait3A_61 : memref<640x64xf32, #tpu.memory_space<vmem_shared>>) dst(%dma_wait3A_59 : memref<640x64xf32, #tpu.memory_space<hbm>>)
      tpu.yield
    }) : () -> ()
    return
  }
}

module attributes {stable_mosaic.version = 14 : i64} {
  func.func @_tc1_body(%arg0: i32, %arg1: memref<2x2000x64xf32, #tpu.memory_space<vmem>>, %arg2: memref<2000x16xf32, #tpu.memory_space<vmem>>, %arg3: memref<2000x128xf32, #tpu.memory_space<vmem>>, %arg4: memref<128x128xf32, #tpu.memory_space<vmem>>, %arg5: memref<128x128xf32, #tpu.memory_space<vmem>>, %arg6: memref<1x128xf32, #tpu.memory_space<vmem>>, %arg7: memref<128x128xf32, #tpu.memory_space<vmem>>, %arg8: memref<128x128xf32, #tpu.memory_space<vmem>>, %arg9: memref<1x128xf32, #tpu.memory_space<vmem>>, %arg10: memref<2000x128xf32, #tpu.memory_space<vmem>>, %arg11: memref<2x2000x64xf32, #tpu.memory_space<vmem>>) attributes {dimension_semantics = [#tpu.dimension_semantics<arbitrary>], iteration_bounds = array<i64: 10>, scalar_prefetch = 0 : i64, scratch_operands = 0 : i64, tpu.core_type = #tpu.core_type<tc>, window_params = [{transform_indices = @transform_0, window_bounds = array<i64: 2, 2000, 64>}, {transform_indices = @transform_1, window_bounds = array<i64: 2000, 16>}, {transform_indices = @transform_2, window_bounds = array<i64: 2000, 128>}, {pipeline_mode = #tpu.pipeline_mode<synchronous>, transform_indices = @transform_3, window_bounds = array<i64: 128, 128>}, {pipeline_mode = #tpu.pipeline_mode<synchronous>, transform_indices = @transform_4, window_bounds = array<i64: 128, 128>}, {pipeline_mode = #tpu.pipeline_mode<synchronous>, transform_indices = @transform_5, window_bounds = array<i64: 1, 128>}, {pipeline_mode = #tpu.pipeline_mode<synchronous>, transform_indices = @transform_6, window_bounds = array<i64: 128, 128>}, {pipeline_mode = #tpu.pipeline_mode<synchronous>, transform_indices = @transform_7, window_bounds = array<i64: 128, 128>}, {pipeline_mode = #tpu.pipeline_mode<synchronous>, transform_indices = @transform_8, window_bounds = array<i64: 1, 128>}, {transform_indices = @transform_9, window_bounds = array<i64: 2000, 128>}, {transform_indices = @transform_10, window_bounds = array<i64: 2, 2000, 64>}]} {
    %get3A = arith.constant 0 : index
    %get3A_0 = arith.constant 0 : index
    %get3A_1 = vector.load %arg2[%get3A, %get3A_0] : memref<2000x16xf32, #tpu.memory_space<vmem>>, vector<2000x1xf32>
    %max3A = arith.constant 1.000000e+00 : f32
    %max3A_2 = vector.broadcast %max3A : f32 to vector<2000x1xf32>
    %max3A_3 = arith.maximumf %get3A_1, %max3A_2 : vector<2000x1xf32>
    %div3A = arith.constant 1.000000e+00 : f32
    %div3A_4 = vector.broadcast %div3A : f32 to vector<2000x1xf32>
    %div3A_5 = arith.divf %div3A_4, %max3A_3 : vector<2000x1xf32>
    %get3A_6 = arith.constant 0 : index
    %get3A_7 = arith.constant 0 : index
    %get3A_8 = arith.constant 0 : index
    %get3A_9 = vector.load %arg1[%get3A_6, %get3A_7, %get3A_8] : memref<2x2000x64xf32, #tpu.memory_space<vmem>>, vector<1x2000x64xf32>
    %get3A_10 = vector.shape_cast %get3A_9 : vector<1x2000x64xf32> to vector<2000x64xf32>
    %get3A_11 = arith.constant 1 : index
    %get3A_12 = arith.constant 0 : index
    %get3A_13 = arith.constant 0 : index
    %get3A_14 = vector.load %arg1[%get3A_11, %get3A_12, %get3A_13] : memref<2x2000x64xf32, #tpu.memory_space<vmem>>, vector<1x2000x64xf32>
    %get3A_15 = vector.shape_cast %get3A_14 : vector<1x2000x64xf32> to vector<2000x64xf32>
    %concatenate3A = tpu.concatenate %get3A_10, %get3A_15 in 1 : vector<2000x64xf32>, vector<2000x64xf32> -> vector<2000x128xf32>
    %mul3A = vector.broadcast %div3A_5 : vector<2000x1xf32> to vector<2000x128xf32>
    %mul3A_16 = arith.mulf %concatenate3A, %mul3A : vector<2000x128xf32>
    %get3A_17 = arith.constant 0 : index
    %get3A_18 = arith.constant 0 : index
    %get3A_19 = vector.load %arg4[%get3A_17, %get3A_18] : memref<128x128xf32, #tpu.memory_space<vmem>>, vector<128x128xf32>
    %dot_general3A = arith.constant dense<0.000000e+00> : vector<2000x128xf32>
    %dot_general3A_20 = tpu.matmul %mul3A_16, %get3A_19, %dot_general3A {dimension_numbers = #tpu.dot_dimension_numbers<[1], [0], [0], [1], [0, 0, 1, 1], [], []>, transpose_lhs_hint = false} : vector<2000x128xf32>, vector<128x128xf32>, vector<2000x128xf32> -> vector<2000x128xf32>
    %get3A_21 = arith.constant 0 : index
    %get3A_22 = arith.constant 0 : index
    %get3A_23 = vector.load %arg3[%get3A_21, %get3A_22] : memref<2000x128xf32, #tpu.memory_space<vmem>>, vector<2000x128xf32>
    %get3A_24 = arith.constant 0 : index
    %get3A_25 = arith.constant 0 : index
    %get3A_26 = vector.load %arg5[%get3A_24, %get3A_25] : memref<128x128xf32, #tpu.memory_space<vmem>>, vector<128x128xf32>
    %dot_general3A_27 = arith.constant dense<0.000000e+00> : vector<2000x128xf32>
    %dot_general3A_28 = tpu.matmul %get3A_23, %get3A_26, %dot_general3A_27 {dimension_numbers = #tpu.dot_dimension_numbers<[1], [0], [0], [1], [0, 0, 1, 1], [], []>, transpose_lhs_hint = false} : vector<2000x128xf32>, vector<128x128xf32>, vector<2000x128xf32> -> vector<2000x128xf32>
    %add3A = arith.addf %dot_general3A_20, %dot_general3A_28 : vector<2000x128xf32>
    %get3A_29 = arith.constant 0 : index
    %get3A_30 = arith.constant 0 : index
    %get3A_31 = vector.load %arg6[%get3A_29, %get3A_30] : memref<1x128xf32, #tpu.memory_space<vmem>>, vector<1x128xf32>
    %add3A_32 = vector.broadcast %get3A_31 : vector<1x128xf32> to vector<2000x128xf32>
    %add3A_33 = arith.addf %add3A, %add3A_32 : vector<2000x128xf32>
    %gt3A = arith.constant 0.000000e+00 : f32
    %gt3A_34 = vector.broadcast %gt3A : f32 to vector<2000x1xf32>
    %gt3A_35 = arith.cmpf ogt, %get3A_1, %gt3A_34 : vector<2000x1xf32>
    %jit3A = arith.constant 0.000000e+00 : f32
    %broadcast_in_dim3A = vector.shape_cast %gt3A_35 : vector<2000x1xi1> to vector<2000x1xi1>
    %broadcast_in_dim3A_36 = vector.broadcast %broadcast_in_dim3A : vector<2000x1xi1> to vector<2000x128xi1>
    %broadcast_in_dim3A_37 = vector.broadcast %jit3A : f32 to vector<2000x128xf32>
    %select_n3A = arith.select %broadcast_in_dim3A_36, %add3A_33, %broadcast_in_dim3A_37 : vector<2000x128xi1>, vector<2000x128xf32>
    %get3A_38 = arith.constant 0 : index
    %get3A_39 = arith.constant 0 : index
    %get3A_40 = vector.load %arg3[%get3A_38, %get3A_39] : memref<2000x128xf32, #tpu.memory_space<vmem>>, vector<2000x128xf32>
    %get3A_41 = arith.constant 0 : index
    %get3A_42 = arith.constant 0 : index
    %get3A_43 = vector.load %arg7[%get3A_41, %get3A_42] : memref<128x128xf32, #tpu.memory_space<vmem>>, vector<128x128xf32>
    %dot_general3A_44 = arith.constant dense<0.000000e+00> : vector<2000x128xf32>
    %dot_general3A_45 = tpu.matmul %get3A_40, %get3A_43, %dot_general3A_44 {dimension_numbers = #tpu.dot_dimension_numbers<[1], [0], [0], [1], [0, 0, 1, 1], [], []>, transpose_lhs_hint = false} : vector<2000x128xf32>, vector<128x128xf32>, vector<2000x128xf32> -> vector<2000x128xf32>
    %get3A_46 = arith.constant 0 : index
    %get3A_47 = arith.constant 0 : index
    %get3A_48 = vector.load %arg8[%get3A_46, %get3A_47] : memref<128x128xf32, #tpu.memory_space<vmem>>, vector<128x128xf32>
    %dot_general3A_49 = arith.constant dense<0.000000e+00> : vector<2000x128xf32>
    %dot_general3A_50 = tpu.matmul %select_n3A, %get3A_48, %dot_general3A_49 {dimension_numbers = #tpu.dot_dimension_numbers<[1], [0], [0], [1], [0, 0, 1, 1], [], []>, transpose_lhs_hint = false} : vector<2000x128xf32>, vector<128x128xf32>, vector<2000x128xf32> -> vector<2000x128xf32>
    %add3A_51 = arith.addf %dot_general3A_45, %dot_general3A_50 : vector<2000x128xf32>
    %get3A_52 = arith.constant 0 : index
    %get3A_53 = arith.constant 0 : index
    %get3A_54 = vector.load %arg9[%get3A_52, %get3A_53] : memref<1x128xf32, #tpu.memory_space<vmem>>, vector<1x128xf32>
    %add3A_55 = vector.broadcast %get3A_54 : vector<1x128xf32> to vector<2000x128xf32>
    %add3A_56 = arith.addf %add3A_51, %add3A_55 : vector<2000x128xf32>
    %swap3A = arith.constant 0 : index
    %swap3A_57 = arith.constant 0 : index
    %swap3A_58 = vector.load %arg10[%swap3A, %swap3A_57] : memref<2000x128xf32, #tpu.memory_space<vmem>>, vector<2000x128xf32>
    tpu.vector_store %arg10[%swap3A, %swap3A_57], %add3A_56 {strides = array<i32>} : memref<2000x128xf32, #tpu.memory_space<vmem>>, vector<2000x128xf32>,
    %slice3A = vector.extract_strided_slice %add3A_56 {offsets = [0, 0], sizes = [2000, 64], strides = [1, 1]} : vector<2000x128xf32> to vector<2000x64xf32>
    %swap3A_59 = arith.constant 0 : index
    %swap3A_60 = arith.constant 0 : index
    %swap3A_61 = arith.constant 0 : index
    %swap3A_62 = vector.load %arg11[%swap3A_59, %swap3A_60, %swap3A_61] : memref<2x2000x64xf32, #tpu.memory_space<vmem>>, vector<1x2000x64xf32>
    %swap3A_63 = vector.shape_cast %swap3A_62 : vector<1x2000x64xf32> to vector<2000x64xf32>
    %swap3A_64 = vector.shape_cast %slice3A : vector<2000x64xf32> to vector<1x2000x64xf32>
    tpu.vector_store %arg11[%swap3A_59, %swap3A_60, %swap3A_61], %swap3A_64 {strides = array<i32>} : memref<2x2000x64xf32, #tpu.memory_space<vmem>>, vector<1x2000x64xf32>,
    %slice3A_65 = vector.extract_strided_slice %add3A_56 {offsets = [0, 64], sizes = [2000, 64], strides = [1, 1]} : vector<2000x128xf32> to vector<2000x64xf32>
    %swap3A_66 = arith.constant 1 : index
    %swap3A_67 = arith.constant 0 : index
    %swap3A_68 = arith.constant 0 : index
    %swap3A_69 = vector.load %arg11[%swap3A_66, %swap3A_67, %swap3A_68] : memref<2x2000x64xf32, #tpu.memory_space<vmem>>, vector<1x2000x64xf32>
    %swap3A_70 = vector.shape_cast %swap3A_69 : vector<1x2000x64xf32> to vector<2000x64xf32>
    %swap3A_71 = vector.shape_cast %slice3A_65 : vector<2000x64xf32> to vector<1x2000x64xf32>
    tpu.vector_store %arg11[%swap3A_66, %swap3A_67, %swap3A_68], %swap3A_71 {strides = array<i32>} : memref<2x2000x64xf32, #tpu.memory_space<vmem>>, vector<1x2000x64xf32>,
    return
  }
  func.func @transform_0(%arg0: i32) -> (i32, i32, i32) {
    %c0_i32 = arith.constant 0 : i32
    %c0_i32_0 = arith.constant 0 : i32
    %c0_i32_1 = arith.constant 0 : i32
    return %c0_i32, %arg0, %c0_i32_0 : i32, i32, i32
  }
  func.func @transform_1(%arg0: i32) -> (i32, i32) {
    %c0_i32 = arith.constant 0 : i32
    %c0_i32_0 = arith.constant 0 : i32
    return %arg0, %c0_i32 : i32, i32
  }
  func.func @transform_2(%arg0: i32) -> (i32, i32) {
    %c0_i32 = arith.constant 0 : i32
    %c0_i32_0 = arith.constant 0 : i32
    return %arg0, %c0_i32 : i32, i32
  }
  func.func @transform_3(%arg0: i32) -> (i32, i32) {
    %c0_i32 = arith.constant 0 : i32
    %c0_i32_0 = arith.constant 0 : i32
    %c0_i32_1 = arith.constant 0 : i32
    return %c0_i32, %c0_i32_0 : i32, i32
  }
  func.func @transform_4(%arg0: i32) -> (i32, i32) {
    %c0_i32 = arith.constant 0 : i32
    %c0_i32_0 = arith.constant 0 : i32
    %c0_i32_1 = arith.constant 0 : i32
    return %c0_i32, %c0_i32_0 : i32, i32
  }
  func.func @transform_5(%arg0: i32) -> (i32, i32) {
    %c0_i32 = arith.constant 0 : i32
    %c0_i32_0 = arith.constant 0 : i32
    %c0_i32_1 = arith.constant 0 : i32
    return %c0_i32, %c0_i32_0 : i32, i32
  }
  func.func @transform_6(%arg0: i32) -> (i32, i32) {
    %c0_i32 = arith.constant 0 : i32
    %c0_i32_0 = arith.constant 0 : i32
    %c0_i32_1 = arith.constant 0 : i32
    return %c0_i32, %c0_i32_0 : i32, i32
  }
  func.func @transform_7(%arg0: i32) -> (i32, i32) {
    %c0_i32 = arith.constant 0 : i32
    %c0_i32_0 = arith.constant 0 : i32
    %c0_i32_1 = arith.constant 0 : i32
    return %c0_i32, %c0_i32_0 : i32, i32
  }
  func.func @transform_8(%arg0: i32) -> (i32, i32) {
    %c0_i32 = arith.constant 0 : i32
    %c0_i32_0 = arith.constant 0 : i32
    %c0_i32_1 = arith.constant 0 : i32
    return %c0_i32, %c0_i32_0 : i32, i32
  }
  func.func @transform_9(%arg0: i32) -> (i32, i32) {
    %c0_i32 = arith.constant 0 : i32
    %c0_i32_0 = arith.constant 0 : i32
    return %arg0, %c0_i32 : i32, i32
  }
  func.func @transform_10(%arg0: i32) -> (i32, i32, i32) {
    %c0_i32 = arith.constant 0 : i32
    %c0_i32_0 = arith.constant 0 : i32
    %c0_i32_1 = arith.constant 0 : i32
    return %c0_i32, %arg0, %c0_i32_0 : i32, i32, i32
  }
}

module attributes {stable_mosaic.version = 14 : i64} {
  func.func @_tc2_body(%arg0: i32, %arg1: memref<2x2000x64xf32, #tpu.memory_space<vmem>>, %arg2: memref<2000x16xf32, #tpu.memory_space<vmem>>, %arg3: memref<2000x128xf32, #tpu.memory_space<vmem>>, %arg4: memref<128x128xf32, #tpu.memory_space<vmem>>, %arg5: memref<128x128xf32, #tpu.memory_space<vmem>>, %arg6: memref<1x128xf32, #tpu.memory_space<vmem>>, %arg7: memref<128x128xf32, #tpu.memory_space<vmem>>, %arg8: memref<128x128xf32, #tpu.memory_space<vmem>>, %arg9: memref<1x128xf32, #tpu.memory_space<vmem>>, %arg10: memref<2000x128xf32, #tpu.memory_space<vmem>>) attributes {dimension_semantics = [#tpu.dimension_semantics<arbitrary>], iteration_bounds = array<i64: 5>, scalar_prefetch = 0 : i64, scratch_operands = 0 : i64, tpu.core_type = #tpu.core_type<tc>, window_params = [{transform_indices = @transform_0, window_bounds = array<i64: 2, 2000, 64>}, {transform_indices = @transform_1, window_bounds = array<i64: 2000, 16>}, {transform_indices = @transform_2, window_bounds = array<i64: 2000, 128>}, {pipeline_mode = #tpu.pipeline_mode<synchronous>, transform_indices = @transform_3, window_bounds = array<i64: 128, 128>}, {pipeline_mode = #tpu.pipeline_mode<synchronous>, transform_indices = @transform_4, window_bounds = array<i64: 128, 128>}, {pipeline_mode = #tpu.pipeline_mode<synchronous>, transform_indices = @transform_5, window_bounds = array<i64: 1, 128>}, {pipeline_mode = #tpu.pipeline_mode<synchronous>, transform_indices = @transform_6, window_bounds = array<i64: 128, 128>}, {pipeline_mode = #tpu.pipeline_mode<synchronous>, transform_indices = @transform_7, window_bounds = array<i64: 128, 128>}, {pipeline_mode = #tpu.pipeline_mode<synchronous>, transform_indices = @transform_8, window_bounds = array<i64: 1, 128>}, {transform_indices = @transform_9, window_bounds = array<i64: 2000, 128>}]} {
    %get3A = arith.constant 0 : index
    %get3A_0 = arith.constant 0 : index
    %get3A_1 = vector.load %arg2[%get3A, %get3A_0] : memref<2000x16xf32, #tpu.memory_space<vmem>>, vector<2000x1xf32>
    %max3A = arith.constant 1.000000e+00 : f32
    %max3A_2 = vector.broadcast %max3A : f32 to vector<2000x1xf32>
    %max3A_3 = arith.maximumf %get3A_1, %max3A_2 : vector<2000x1xf32>
    %div3A = arith.constant 1.000000e+00 : f32
    %div3A_4 = vector.broadcast %div3A : f32 to vector<2000x1xf32>
    %div3A_5 = arith.divf %div3A_4, %max3A_3 : vector<2000x1xf32>
    %get3A_6 = arith.constant 0 : index
    %get3A_7 = arith.constant 0 : index
    %get3A_8 = arith.constant 0 : index
    %get3A_9 = vector.load %arg1[%get3A_6, %get3A_7, %get3A_8] : memref<2x2000x64xf32, #tpu.memory_space<vmem>>, vector<1x2000x64xf32>
    %get3A_10 = vector.shape_cast %get3A_9 : vector<1x2000x64xf32> to vector<2000x64xf32>
    %get3A_11 = arith.constant 1 : index
    %get3A_12 = arith.constant 0 : index
    %get3A_13 = arith.constant 0 : index
    %get3A_14 = vector.load %arg1[%get3A_11, %get3A_12, %get3A_13] : memref<2x2000x64xf32, #tpu.memory_space<vmem>>, vector<1x2000x64xf32>
    %get3A_15 = vector.shape_cast %get3A_14 : vector<1x2000x64xf32> to vector<2000x64xf32>
    %concatenate3A = tpu.concatenate %get3A_10, %get3A_15 in 1 : vector<2000x64xf32>, vector<2000x64xf32> -> vector<2000x128xf32>
    %mul3A = vector.broadcast %div3A_5 : vector<2000x1xf32> to vector<2000x128xf32>
    %mul3A_16 = arith.mulf %concatenate3A, %mul3A : vector<2000x128xf32>
    %get3A_17 = arith.constant 0 : index
    %get3A_18 = arith.constant 0 : index
    %get3A_19 = vector.load %arg3[%get3A_17, %get3A_18] : memref<2000x128xf32, #tpu.memory_space<vmem>>, vector<2000x128xf32>
    %get3A_20 = arith.constant 0 : index
    %get3A_21 = arith.constant 0 : index
    %get3A_22 = vector.load %arg4[%get3A_20, %get3A_21] : memref<128x128xf32, #tpu.memory_space<vmem>>, vector<128x128xf32>
    %dot_general3A = arith.constant dense<0.000000e+00> : vector<2000x128xf32>
    %dot_general3A_23 = tpu.matmul %get3A_19, %get3A_22, %dot_general3A {dimension_numbers = #tpu.dot_dimension_numbers<[1], [0], [0], [1], [0, 0, 1, 1], [], []>, transpose_lhs_hint = false} : vector<2000x128xf32>, vector<128x128xf32>, vector<2000x128xf32> -> vector<2000x128xf32>
    %get3A_24 = arith.constant 0 : index
    %get3A_25 = arith.constant 0 : index
    %get3A_26 = vector.load %arg5[%get3A_24, %get3A_25] : memref<128x128xf32, #tpu.memory_space<vmem>>, vector<128x128xf32>
    %dot_general3A_27 = arith.constant dense<0.000000e+00> : vector<2000x128xf32>
    %dot_general3A_28 = tpu.matmul %mul3A_16, %get3A_26, %dot_general3A_27 {dimension_numbers = #tpu.dot_dimension_numbers<[1], [0], [0], [1], [0, 0, 1, 1], [], []>, transpose_lhs_hint = false} : vector<2000x128xf32>, vector<128x128xf32>, vector<2000x128xf32> -> vector<2000x128xf32>
    %add3A = arith.addf %dot_general3A_23, %dot_general3A_28 : vector<2000x128xf32>
    %get3A_29 = arith.constant 0 : index
    %get3A_30 = arith.constant 0 : index
    %get3A_31 = vector.load %arg6[%get3A_29, %get3A_30] : memref<1x128xf32, #tpu.memory_space<vmem>>, vector<1x128xf32>
    %add3A_32 = vector.broadcast %get3A_31 : vector<1x128xf32> to vector<2000x128xf32>
    %add3A_33 = arith.addf %add3A, %add3A_32 : vector<2000x128xf32>
    %gt3A = arith.constant 0.000000e+00 : f32
    %gt3A_34 = vector.broadcast %gt3A : f32 to vector<2000x1xf32>
    %gt3A_35 = arith.cmpf ogt, %get3A_1, %gt3A_34 : vector<2000x1xf32>
    %jit3A = arith.constant 0.000000e+00 : f32
    %broadcast_in_dim3A = vector.shape_cast %gt3A_35 : vector<2000x1xi1> to vector<2000x1xi1>
    %broadcast_in_dim3A_36 = vector.broadcast %broadcast_in_dim3A : vector<2000x1xi1> to vector<2000x128xi1>
    %broadcast_in_dim3A_37 = vector.broadcast %jit3A : f32 to vector<2000x128xf32>
    %select_n3A = arith.select %broadcast_in_dim3A_36, %add3A_33, %broadcast_in_dim3A_37 : vector<2000x128xi1>, vector<2000x128xf32>
    %get3A_38 = arith.constant 0 : index
    %get3A_39 = arith.constant 0 : index
    %get3A_40 = vector.load %arg3[%get3A_38, %get3A_39] : memref<2000x128xf32, #tpu.memory_space<vmem>>, vector<2000x128xf32>
    %get3A_41 = arith.constant 0 : index
    %get3A_42 = arith.constant 0 : index
    %get3A_43 = vector.load %arg7[%get3A_41, %get3A_42] : memref<128x128xf32, #tpu.memory_space<vmem>>, vector<128x128xf32>
    %dot_general3A_44 = arith.constant dense<0.000000e+00> : vector<2000x128xf32>
    %dot_general3A_45 = tpu.matmul %get3A_40, %get3A_43, %dot_general3A_44 {dimension_numbers = #tpu.dot_dimension_numbers<[1], [0], [0], [1], [0, 0, 1, 1], [], []>, transpose_lhs_hint = false} : vector<2000x128xf32>, vector<128x128xf32>, vector<2000x128xf32> -> vector<2000x128xf32>
    %get3A_46 = arith.constant 0 : index
    %get3A_47 = arith.constant 0 : index
    %get3A_48 = vector.load %arg8[%get3A_46, %get3A_47] : memref<128x128xf32, #tpu.memory_space<vmem>>, vector<128x128xf32>
    %dot_general3A_49 = arith.constant dense<0.000000e+00> : vector<2000x128xf32>
    %dot_general3A_50 = tpu.matmul %select_n3A, %get3A_48, %dot_general3A_49 {dimension_numbers = #tpu.dot_dimension_numbers<[1], [0], [0], [1], [0, 0, 1, 1], [], []>, transpose_lhs_hint = false} : vector<2000x128xf32>, vector<128x128xf32>, vector<2000x128xf32> -> vector<2000x128xf32>
    %add3A_51 = arith.addf %dot_general3A_45, %dot_general3A_50 : vector<2000x128xf32>
    %get3A_52 = arith.constant 0 : index
    %get3A_53 = arith.constant 0 : index
    %get3A_54 = vector.load %arg9[%get3A_52, %get3A_53] : memref<1x128xf32, #tpu.memory_space<vmem>>, vector<1x128xf32>
    %add3A_55 = vector.broadcast %get3A_54 : vector<1x128xf32> to vector<2000x128xf32>
    %add3A_56 = arith.addf %add3A_51, %add3A_55 : vector<2000x128xf32>
    %swap3A = arith.constant 0 : index
    %swap3A_57 = arith.constant 0 : index
    %swap3A_58 = vector.load %arg10[%swap3A, %swap3A_57] : memref<2000x128xf32, #tpu.memory_space<vmem>>, vector<2000x128xf32>
    tpu.vector_store %arg10[%swap3A, %swap3A_57], %add3A_56 {strides = array<i32>} : memref<2000x128xf32, #tpu.memory_space<vmem>>, vector<2000x128xf32>,
    return
  }
  func.func @transform_0(%arg0: i32) -> (i32, i32, i32) {
    %c0_i32 = arith.constant 0 : i32
    %c0_i32_0 = arith.constant 0 : i32
    %c0_i32_1 = arith.constant 0 : i32
    return %c0_i32, %arg0, %c0_i32_0 : i32, i32, i32
  }
  func.func @transform_1(%arg0: i32) -> (i32, i32) {
    %c0_i32 = arith.constant 0 : i32
    %c0_i32_0 = arith.constant 0 : i32
    return %arg0, %c0_i32 : i32, i32
  }
  func.func @transform_2(%arg0: i32) -> (i32, i32) {
    %c0_i32 = arith.constant 0 : i32
    %c0_i32_0 = arith.constant 0 : i32
    return %arg0, %c0_i32 : i32, i32
  }
  func.func @transform_3(%arg0: i32) -> (i32, i32) {
    %c0_i32 = arith.constant 0 : i32
    %c0_i32_0 = arith.constant 0 : i32
    %c0_i32_1 = arith.constant 0 : i32
    return %c0_i32, %c0_i32_0 : i32, i32
  }
  func.func @transform_4(%arg0: i32) -> (i32, i32) {
    %c0_i32 = arith.constant 0 : i32
    %c0_i32_0 = arith.constant 0 : i32
    %c0_i32_1 = arith.constant 0 : i32
    return %c0_i32, %c0_i32_0 : i32, i32
  }
  func.func @transform_5(%arg0: i32) -> (i32, i32) {
    %c0_i32 = arith.constant 0 : i32
    %c0_i32_0 = arith.constant 0 : i32
    %c0_i32_1 = arith.constant 0 : i32
    return %c0_i32, %c0_i32_0 : i32, i32
  }
  func.func @transform_6(%arg0: i32) -> (i32, i32) {
    %c0_i32 = arith.constant 0 : i32
    %c0_i32_0 = arith.constant 0 : i32
    %c0_i32_1 = arith.constant 0 : i32
    return %c0_i32, %c0_i32_0 : i32, i32
  }
  func.func @transform_7(%arg0: i32) -> (i32, i32) {
    %c0_i32 = arith.constant 0 : i32
    %c0_i32_0 = arith.constant 0 : i32
    %c0_i32_1 = arith.constant 0 : i32
    return %c0_i32, %c0_i32_0 : i32, i32
  }
  func.func @transform_8(%arg0: i32) -> (i32, i32) {
    %c0_i32 = arith.constant 0 : i32
    %c0_i32_0 = arith.constant 0 : i32
    %c0_i32_1 = arith.constant 0 : i32
    return %c0_i32, %c0_i32_0 : i32, i32
  }
  func.func @transform_9(%arg0: i32) -> (i32, i32) {
    %c0_i32 = arith.constant 0 : i32
    %c0_i32_0 = arith.constant 0 : i32
    return %arg0, %c0_i32 : i32, i32
  }
}

</mosaic_0001>

<sc_bundles>
// kernel: kernel.6.cloned.1.call-start
scs
__scs_entry_jumppad:
0x0: {  	(pc) =	sbr.rel $0x88, $3  }
0x1: {  	(tag) =	ssettag $0x0;
	lr =	simm.s32 $0x1  }
0x2: {  	[smem:$0x3F95] =	sst lr;
	_ =	strace $0xD0000000  }
0x3: {  	_ = 	snop  }
0x4: {  	_ = 	snop  }
0x5: {  	_ = 	snop  }
0x6: {  	_ = 	snop  }
0x7: {  	_ = 	snop  }
__scs_overlays_trampoline_lowered:
0x8: {  	[smem:$0x3FA4] =	sst s0  }
0x9: {  	[smem:$0x3FA5] =	sst s1  }
0xa: {  	[smem:$0x3FA6] =	sst s2  }
0xb: {  	[smem:$0x3FA7] =	sst s3  }
0xc: {  	[smem:$0x3FA8] =	sst s4  }
0xd: {  	[smem:$0x3FA9] =	sst s5  }
0xe: {  	[smem:$0x3FAA] =	sst s6  }
0xf: {  	[smem:$0x3FAB] =	sst s7  }
0x10: {  	[smem:$0x3FAC] =	sst s8  }
0x11: {  	[smem:$0x3FAD] =	sst s9;
	s0 =	simm.s32 @!p0 $0x0  }
0x12: {  	s1 =	sld [smem:$0x3F93];
	s0 =	simm.s32 @p0 $0x1  }
0x13: {  	[smem:$0x3FAE] =	sst s0;
	s0 =	simm.s32 @!p1 $0x0  }
0x14: {  	s2 =	sld [smem:$0x3F92];
	s0 =	simm.s32 @p1 $0x1  }
0x15: {  	[smem:$0x3FAF] =	sst s0;
	s0 =	simm.s32 @!p2 $0x0  }
0x16: {  	s3 =	sld [smem:$0x3FDB];
	s0 =	simm.s32 @p2 $0x1  }
0x17: {  	s4 =	simm.s32 $0x1BF5;
	[smem:$0x3FB1] =	sst s0  }
0x18: {  	s0 =	sld [smem:$0x3F94];
	_ =	swait.ge [sflag:s4], $0x0  }
0x19: {  	s7 =	sld [smem:$0x3F95]  }
0x1a: {  	s8 =	sadd.s32 $0xFFFFE003, lr  }
0x1b: {  	s9 =	sadd.s32 $0xFFFFFEF7, lr;
	s5 =	simm.s32 $0xFFFFFFFF;
	p2 =	slt.u32 s8, $0xFFFFF086  }
0x1c: {  	p1 =	slt.u32 s9, $0xF7A;
	s5 =	simm.s32 @!p2 $0x0  }
0x1d: {  	s5 =	simm.s32 @p1 $0x1;
	p0 =	seq.s32 s7, s2  }
0x1e: {  	s7 =	smul.u32 @!p0 $0xF7A, s2;
	p2 =	seq.s32 @!p0 s5, $0x0  }
0x1f: {  	s9 =	smul.u32 $0xF7A, s1;
	s8 =	simm.s32 @!p0 $0x1BF5;
	p2 =	por !p2, p0  }
0x20: {  	[sflag:s8] =	ssyncset.s32 @!p0 $0xFFFFF086;
	s6 =	sadd.s32 @!p0 s3, s7;
	s7 =	simm.s32 @!p0 $0x108  }
0x21: {  	s3 =	sadd.s32 s3, s9;
	s6 =	sadd.s32 @!p0 $0x88, s6;
	s7 =	simm.s32 @p2 $0x1082  }
0x22: {  	[simem:s7], [sflag:s8] =	dma.local @!p0 [hbm:s6], $0xF7A  }
0x23: {  	s9 =	sor.u32 $0xD0000000, s2;
	s6 =	simm.s32 $0x108;
	_ =	swait.ge @!p0 [sflag:s8], $0x0  }
0x24: {  	s3 =	sadd.s32 $0x88, s3;
	s6 =	simm.s32 @!p1 $0x1082;
	[sflag:s4] =	ssyncset.s32 $0xFFFFF086  }
0x25: {  	[simem:s6], [sflag:s4] =	dma.local [hbm:s3], $0xF7A  }
0x26: {  	[smem:$0x3F95] =	sst s1;
	(tag) =	ssettag s2;
	_ =	strace s9  }
0x27: {  	s1 =	sld [smem:$0x3FA5]  }
0x28: {  	s2 =	sld [smem:$0x3FA6]  }
0x29: {  	s4 =	sld [smem:$0x3FA8]  }
0x2a: {  	p0 =	seq.s32 s5, $0x0;
	s5 =	sld [smem:$0x3FA9]  }
0x2b: {  	s6 =	sld [smem:$0x3FAA]  }
0x2c: {  	s7 =	sld [smem:$0x3FAB]  }
0x2d: {  	s3 =	simm.s32 $0x108;
	s8 =	sld [smem:$0x3FAC]  }
0x2e: {  	s3 =	simm.s32 @!p0 $0x1082;
	s9 =	sld [smem:$0x3FAD]  }
0x2f: {  	lr =	sadd.s32 s0, s3;
	s0 =	sld [smem:$0x3FA4]  }
0x30: {  	s3 =	sld [smem:$0x3FA7]  }
0x31: {  	[smem:$0x3FB0] =	sst s10  }
0x32: {  	s10 =	sld [smem:$0x3FAE];
	_ =	sdelay $0x3  }
0x33: {  	p0 =	seq.s32 s10, $0x1;
	s10 =	sld [smem:$0x3FB0];
	_ =	sdelay $0x3  }
0x34: {  	[smem:$0x3FB0] =	sst s10  }
0x35: {  	s10 =	sld [smem:$0x3FAF];
	_ =	sdelay $0x3  }
0x36: {  	p1 =	seq.s32 s10, $0x1;
	s10 =	sld [smem:$0x3FB0];
	_ =	sdelay $0x3  }
0x37: {  	[smem:$0x3FB0] =	sst s10  }
0x38: {  	s10 =	sld [smem:$0x3FB1]  }
0x39: {  	_ = 	snop;
	(pc) =	sbr.ind lr, $3  }
0x3a: {  	_ = 	snop  }
0x3b: {  	_ = 	snop  }
0x3c: {  	p2 =	seq.s32 s10, $0x1;
	s10 =	sld [smem:$0x3FB0]  }
0x3d: {  	_ =	shalt  }
0x3e: {  	_ =	shalt  }
0x3f: {  	_ =	shalt  }
0x40: {  	_ =	shalt  }
0x41: {  	_ =	shalt  }
0x42: {  	_ =	shalt  }
0x43: {  	_ =	shalt  }
0x44: {  	_ =	shalt  }
0x45: {  	_ =	shalt  }
0x46: {  	_ =	shalt  }
0x47: {  	_ =	shalt  }
0x48: {  	_ =	shalt  }
0x49: {  	_ =	shalt  }
0x4a: {  	_ =	shalt  }
0x4b: {  	_ =	shalt  }
0x4c: {  	_ =	shalt  }
0x4d: {  	_ =	shalt  }
0x4e: {  	_ =	shalt  }
0x4f: {  	_ =	shalt  }
0x50: {  	_ =	shalt  }
0x51: {  	_ =	shalt  }
0x52: {  	_ =	shalt  }
0x53: {  	_ =	shalt  }
0x54: {  	_ =	shalt  }
0x55: {  	_ =	shalt  }
0x56: {  	_ =	shalt  }
0x57: {  	_ =	shalt  }
0x58: {  	_ =	shalt  }
0x59: {  	_ =	shalt  }
0x5a: {  	_ =	shalt  }
0x5b: {  	_ =	shalt  }
0x5c: {  	_ =	shalt  }
0x5d: {  	_ =	shalt  }
0x5e: {  	_ =	shalt  }
0x5f: {  	_ =	shalt  }
0x60: {  	_ =	shalt  }
0x61: {  	_ =	shalt  }
0x62: {  	_ =	shalt  }
0x63: {  	_ =	shalt  }
0x64: {  	_ =	shalt  }
0x65: {  	_ =	shalt  }
0x66: {  	_ =	shalt  }
0x67: {  	_ =	shalt  }
0x68: {  	_ =	shalt  }
0x69: {  	_ =	shalt  }
0x6a: {  	_ =	shalt  }
0x6b: {  	_ =	shalt  }
0x6c: {  	_ =	shalt  }
0x6d: {  	_ =	shalt  }
0x6e: {  	_ =	shalt  }
0x6f: {  	_ =	shalt  }
0x70: {  	_ =	shalt  }
0x71: {  	_ =	shalt  }
0x72: {  	_ =	shalt  }
0x73: {  	_ =	shalt  }
0x74: {  	_ =	shalt  }
0x75: {  	_ =	shalt  }
0x76: {  	_ =	shalt  }
0x77: {  	_ =	shalt  }
0x78: {  	_ =	shalt  }
0x79: {  	_ =	shalt  }
0x7a: {  	_ =	shalt  }
0x7b: {  	_ =	shalt  }
0x7c: {  	_ =	shalt  }
0x7d: {  	_ =	shalt  }
0x7e: {  	_ =	shalt  }
0x7f: {  	_ =	shalt  }
0x80: {  	_ =	shalt  }
0x81: {  	_ =	shalt  }
0x82: {  	_ =	shalt  }
0x83: {  	_ =	shalt  }
0x84: {  	_ =	shalt  }
0x85: {  	_ =	shalt  }
0x86: {  	_ =	shalt  }
0x87: {  	_ =	shalt  }
.Lfunc_end0:
.L_simem_size_0:
called_computation_lowered:
.L_overlay_start_0:
0x88: {  	s2 =	sld [smem:$0x3FD9]  }
0x89: {  	s3 =	sld [smem:$0x3FFE];
	_ =	sdelay $0x1  }
0x8a: {  	s1 =	srdreg.scid  }
0x8b: {  	s0 =	sand.u32 $0x1, s1  }
0x8c: {  	s14 =	sshll.u32 s0, $0xA;
	s2 =	sadd.s32 s3, s2  }
0x8d: {  	s2 =	sadd.s32 s2, s14  }
0x8e: {  	[smem:$0x3FBC] =	sst s2  }
0x8f: {  	_ = 	snop  }
0x90: {  	s2 =	sld [smem:$0x3FD0];
	_ =	sdelay $0x2  }
0x91: {  	s15 =	simm.s32 $0xA;
	s4 =	simm.s32 $0x10  }
0x92: {  	[smem:s4], [sflag:s15] =	dma.local [hbm:s2], $0x1  }
0x93: {  	_ =	swait.eq [sflag:s15], $0x1  }
0x94: {  	[sflag:s15] =	ssyncset.done $0x0  }
0x95: {  	s16 =	sld [smem:$0x10];
	[sflag:s15] =	ssyncadd.s32 $0xFFFFFFFF  }
0x96: {  	s17 =	sld [smem:$0x11];
	(tm) =	ssettm $0x1  }
0x97: {  	s18 =	sld [smem:$0x3FFB];
	_ =	sdelay $0x3  }
0x98: {  	_ =	strace s18  }
0x99: {  	s4 =	sld [smem:$0x3FFC];
	_ =	sdelay $0x3  }
0x9a: {  	_ =	strace s4  }
0x9b: {  	s4 =	sld [smem:$0x3FFD];
	_ =	sdelay $0x3  }
0x9c: {  	_ =	strace s4  }
0x9d: {  	_ =	strace $0x8FFFFFFF  }
0x9e: {  	s19 =	sld [smem:$0x3FDB];
	_ =	sdelay $0x1  }
0x9f: {  	s5 =	simm.s32 $_scs_section_size  }
0xa0: {  	s6 =	simm.s32 $_size__tile_overlayer_lowered;
	s7 =	simm.s32 $_tile_overlayer_lowered  }
0xa1: {  	s22 =	simm.s32 $0x1BFF;
	s21 =	sshll.u32 s7, $0x1;
	s4 =	sadd.s32 s5, s19  }
0xa2: {  	s8 =	simm.s32 $0x0;
	s20 =	sshll.u32 s6, $0x1;
	s6 =	sadd.s32 s21, s4  }
0xa3: {  	[timem:s8], [sflag:s22] =	dma.local [hbm:s6], s20  }
0xa4: {  	_ =	swait.ge [sflag:s22], s20  }
0xa5: {  	s5 =	ssub.s32 $0x0, s20;
	[sflag:s22] =	ssyncset.done $0x0  }
0xa6: {  	[sflag:s22] =	ssyncadd.s32 s5;
	_ =	sdelay $0x1  }
0xa7: {  	s23 =	simm.s32 $0x1B8B  }
0xa8: {  	_ =	swait.ge [sflag:s23], $0x1  }
0xa9: {  	[sflag:s23] =	ssyncset.done $0x0  }
0xaa: {  	s25 =	simm.s32 $0x1B8E;
	s24 =	sld [smem:$0x3FFE];
	[sflag:s23] =	ssyncadd.s32 $0xFFFFFFFF  }
0xab: {  	s26 =	simm.s32 $execute0_lowered;
	[smem:$0x3FD2] =	sst s25  }
0xac: {  	s6 =	sshll.u32 s26, $0x1;
	_ =	strace $0x80000046;
	[dreg:$0x1] =	wrdreg $0xFFFFFFFF  }
0xad: {  	s28 =	simm.s32 $_size_execute0_lowered;
	s4 =	sadd.s32 s4, s6;
	[dreg:$0x0] =	wrdreg $0x0  }
0xae: {  	s6 =	sshll.u32 s28, $0x1;
	[dreg:$0x2] =	wrdreg s4  }
0xaf: {  	[dreg:$0x3] =	wrdreg s6  }
0xb0: {  	[dreg:$0x4] =	wrdreg $0xC0  }
0xb1: {  	_ =	task [dreg:s8], $0x5FFFF  }
0xb2: {  	[dreg:$0x1] =	wrdreg $0xFFFFFFFF  }
0xb3: {  	[dreg:$0x0] =	wrdreg $0x60  }
0xb4: {  	[dreg:$0x2] =	wrdreg s16  }
0xb5: {  	[dreg:$0x3] =	wrdreg s17  }
0xb6: {  	[dreg:$0x4] =	wrdreg s24  }
0xb7: {  	[dreg:$0x5] =	wrdreg $0x66000  }
0xb8: {  	[dreg:$0x6] =	wrdreg $0x1A6000  }
0xb9: {  	[dreg:$0x7] =	wrdreg $0x9  }
0xba: {  	_ =	task.clear_ibuf [dreg:s8], $0x8FFFF;
	_ =	strace $0x90000046  }
0xbb: {  	s29 =	simm.s32 $0x9;
	_ =	strace $0x80000048  }
0xbc: {  	_ =	swait.ge [sflag:s29], $0x1  }
0xbd: {  	[sflag:s29] =	ssyncadd.s32 $0xFFFFFFFF  }
0xbe: {  	_ =	strace $0x90000048  }
0xbf: {  	_ =	sfence  }
0xc0: {  	s30 =	sld [smem:$0x0];
	_ =	sdelay $0x2  }
0xc1: {  	s31 =	sshll.u32 s1, $0xD;
	s1 =	sshrl.u32 s1, $0x2  }
0xc2: {  	s3 =	sand.u32 $0x4000, s31;
	s1 =	sadd.s32 s1, s30  }
0xc3: {  	s0 =	sor.u32 s3, s0;
	s1 =	sshll.u32 s1, $0x11  }
0xc4: {  	s0 =	sor.u32 s1, s0  }
0xc5: {  	s0 =	sadd.s32 $0x8F2B, s0  }
0xc6: {  	[sflag:s0] =	ssyncadd.remote.s32 $0x1  }
0xc7: {  	_ =	sfence.sel $0xFFFF  }
0xc8: {  	[dreg:$0x0] =	wrdreg $0xFFFFFFFF;
	(pc) =	sbr.abs _section_cstart, $3  }
0xc9: {  	[dreg:$0x1] =	wrdreg $0xFFFFFFFF  }
0xca: {  	_ =	task.clear_ibuf [dreg:s8], $0x2FFFF;
	_ =	strace $0x9FFFFFFF  }
0xcb: {  	(tm) =	ssettm $0x7FFFFFFF  }
tec
execute0_lowered:
.L_overlay_start_1:
0x0: {  	(tag) =	ssettag $0x1  }
0x1: {  	s0 =	rddreg [dreg:$0x1]  }
0x2: {  	s4 =	rddreg [dreg:$0x2]  }
0x3: {  	s5 =	rddreg [dreg:$0x3]  }
0x4: {  	s22 =	rddreg [dreg:$0x4];
	s1 =	simm.s32 $0x0  }
0x5: {  	s6 =	srdreg.scid;
	s2 =	stileid.u32;
	s28 =	simm.s32 $0x80  }
0x6: {  	s30 =	simm.s32 $0x1;
	s31 =	simm.s32 $0x3E00;
	[smem:$0x7FF] =	sst s1  }
0x7: {  	s1 =	sadd.s32 $0x4400, s4;
	s3 =	sadd.s32 $0x18400, s4;
	s6 =	sand.u32 $0x1, s6  }
0x8: {  	s8 =	sadd.s32 $0x22400, s4;
	s26 =	sadd.s32 $0x24C00, s4;
	s29 =	smul.u32 $0x5000, s2  }
0x9: {  	s11 =	smul.u32 $0x500, s2;
	_ =	strace $0x80000047;
	[dreg:$0xa] =	wrdreg s8  }
0xa: {  	s10 =	sadd.s32 $0x25600, s4;
	s14 =	smul.u32 $0x14000, s2;
	[dreg:$0xb] =	wrdreg s26  }
0xb: {  	s7 =	sadd.s32 $0xE400, s4;
	s17 =	smul.u32 $0xA000, s2;
	[dreg:$0xc] =	wrdreg s10  }
0xc: {  	s9 =	smul.u32 $0x28000, s6;
	s13 =	ssub.s32 $0x2, s6;
	[dreg:$0x7] =	wrdreg s7  }
0xd: {  	[dreg:$0x9] =	wrdreg s3;
	p1 =	seq.s32 s6, $0x0;
	s26 =	simm.s32 $0x500  }
0xe: {  	p0 =	sne.s32 s6, $0x0;
	s12 =	sshrl.u32 s29, $0x3;
	[dreg:$0x8] =	wrdreg s29  }
0xf: {  	s16 =	sshrl.u32 s13, $0x1;
	s1 =	smov.u32 @p1 s0;
	[dreg:$0x6] =	wrdreg s26  }
0x10: {  	s0 =	simm.s32 @!p0 $0x0;
	s9 =	sadd.s32 s9, s4;
	s15 =	sadd.s32 s12, s4  }
0x11: {  	s4 =	sadd.s32 s11, s4;
	s10 =	ssub.s32 s13, s16;
	s11 =	sadd.s32 s14, s5  }
0x12: {  	s16 =	sadd.s32 s29, s22;
	s18 =	sadd.s32 s7, s12;
	[dreg:$0xd] =	wrdreg s11  }
0x13: {  	s19 =	sadd.s32 s3, s12;
	s13 =	sshrl.u32 s17, $0x2;
	[dreg:$0xf] =	wrdreg s18  }
0x14: {  	s14 =	sshrl.u32 s14, $0x3;
	s25 =	sadd.s32 s1, s12;
	[dreg:$0x10] =	wrdreg s19  }
0x15: {  	s8 =	smov.u32 s1;
	s0 =	simm.s32 @p0 $0x1;
	[dreg:$0x14] =	wrdreg s25  }
0x16: {  	s3 =	simm.s32 $0x5;
	s1 =	simm.s32 @!p1 $0x0;
	[smem:$0x7FC] =	sst s0  }
0x17: {  	s9 =	sadd.s32 $0x25800, s9;
	s20 =	sadd.s32 $0x7F800, s4;
	[dreg:$0xe] =	wrdreg s16  }
0x18: {  	s21 =	sadd.s32 s13, s22;
	s23 =	sadd.s32 $0x75800, s15;
	[dreg:$0x11] =	wrdreg s20  }
0x19: {  	s24 =	smax.u32 s10, $0x1;
	s11 =	simm.s32 $0x1E00;
	[dreg:$0x12] =	wrdreg s23  }
0x1a: {  	s1 =	simm.s32 @p1 $0x1;
	s4 =	sadd.s32 $0x27100, s21;
	[dreg:$0x13] =	wrdreg s24  }
0x1b: {  	s21 =	simm.s32 $0x5E00;
	s29 =	sadd.s32 s14, s9;
	[smem:$0x7FD] =	sst s1  }
0x1c: {  	s24 =	simm.s32 $0x3;
	[dreg:$0x15] =	wrdreg s29;
	s0 =	sshrl.u32 @p0 s4, $0x3  }
0x1d: {  	s4 =	simm.s32 $0x0;
	[dreg:$0x16] =	wrdreg s0;
	s0 =	simm.s32 $0x2  }
.LBB2_1:
0x1e: {  	[dreg:$0x17] =	wrdreg s4  }
0x1f: {  	s2 =	simm.s32 $0x0;
	s1 =	rddreg [dreg:$0xc];
	s7 =	stileid.u32  }
0x20: {  	s14 =	sshrl.u32 s16, $0x3;
	s17 =	simm.s32 $0xA00;
	s19 =	simm.s32 $0x1400  }
0x21: {  	s23 =	simm.s32 $0x0;
	p1 =	por $0x0, $0x0;
	p2 =	por $0x1, $0x1  }
0x22: {  	[tilespmem:s21], [sflag:$0x5] =	stream.linear.gather [hbm4b:s1+s2], $0x800, $0x38;
	[tilespmem:$0x1F600] =	vst v63  }
0x23: {  	p3 =	por $0x0, $0x0;
	s9 =	sshll.u32 s7, $0x6;
	_ =	swait.ge [sflag:s3], $0x800  }
0x24: {  	s25 =	sand.u32 $0xFE, s23;
	s4 =	sor.u32 $0x1, s23;
	s10 =	rddreg [dreg:$0xd]  }
0x25: {  	[sflag:s3] =	ssyncset.done $0x0;
	s13 =	rddreg [dreg:$0xa];
	s12 =	sshrl.u32 s10, $0x3  }
0x26: {  	s6 =	sor.u32 $0x1C05, s9;
	[sflag:s3] =	ssyncadd.s32 $0xFFFFF800;
	[dreg:$0x19] =	wrdreg s12  }
0x27: {  	[spmem:s12], [sflag:s6] =	dma.local [hbm:s13], $0x2800  }
0x28: {  	s9 =	sand.u32 $0xFF, s2;
	s29 =	sand.u32 $0xFF, s4;
	_ =	swait.ge [sflag:s3], $0x2800  }
0x29: {  	s9 =	smul.u32 $0xCD, s9;
	[dreg:$0x18] =	wrdreg s6;
	[sflag:s3] =	ssyncset.done $0x0  }
0x2a: {  	s12 =	simm.s32 @!p1 $0x2;
	s15 =	rddreg [dreg:$0xb];
	[sflag:s3] =	ssyncadd.s32 $0xFFFFD800  }
0x2b: {  	[spmem:s14], [sflag:s6] =	dma.local [hbm:s15], $0xA00  }
0x2c: {  	s10 =	simm.s32 $0x1;
	s12 =	sand.u32 @!p1 $0xFF, s12;
	s6 =	smul.u32 $0xCD, s25  }
0x2d: {  	s12 =	smul.u32 @!p1 $0xCD, s12;
	s15 =	sshrl.u32 s9, $0xA;
	_ =	swait.ge [sflag:s3], $0xA00  }
0x2e: {  	s9 =	smul.u32 $0xCD, s29;
	[sflag:s3] =	ssyncset.done $0x0;
	s6 =	sshrl.u32 s6, $0xB  }
0x2f: {  	s16 =	rddreg [dreg:$0xf];
	[sflag:s3] =	ssyncadd.s32 $0xFFFFF600;
	s6 =	smul.u32 $0xA, s6  }
0x30: {  	[tilespmem:s17], [sflag:$0x5] =	stream.linear.gather [hbm4b:s16+s2], $0x500, $0x38;
	[tilespmem:$0x1F600] =	vst v63  }
0x31: {  	s9 =	sshrl.u32 s9, $0xB;
	s16 =	sshrl.u32 @!p1 s12, $0xB;
	_ =	swait.ge [sflag:s3], $0x500  }
0x32: {  	s12 =	simm.s32 @!p2 $0x2;
	s6 =	ssub.s32 $0x0, s6;
	[sflag:s3] =	ssyncset.done $0x0  }
0x33: {  	s18 =	rddreg [dreg:$0x10];
	s13 =	sand.u32 @!p3 $0xFF, s6;
	[sflag:s3] =	ssyncadd.s32 $0xFFFFFB00  }
0x34: {  	[tilespmem:s19], [sflag:$0x5] =	stream.linear.gather [hbm4b:s18+s2], $0x500, $0x38;
	[tilespmem:$0x1F600] =	vst v63  }
0x35: {  	s17 =	smul.u32 @!p1 $0xA, s16;
	p0 =	sne.s32 @!p3 s13, $0x0;
	_ =	swait.ge [sflag:s3], $0x500  }
0x36: {  	p4 =	por p0, p3;
	s18 =	simm.s32 @!p2 $0x3;
	[sflag:s3] =	ssyncset.done $0x0  }
0x37: {  	s19 =	sand.u32 $0xFE, s6;
	s20 =	rddreg [dreg:$0x14];
	[sflag:s3] =	ssyncadd.s32 $0xFFFFFB00  }
0x38: {  	[tilespmem:s2], [sflag:$0x5] =	stream.linear.gather [hbm4b:s20+s2], $0x500, $0x38;
	[tilespmem:$0x1F600] =	vst v63  }
0x39: {  	s6 =	ssub.s32 @!p1 $0x2, s17;
	s13 =	sadd.s32 @!p4 $0x1, s15;
	_ =	swait.ge [sflag:s3], $0x500  }
0x3a: {  	s14 =	sand.u32 @!p4 $0x1, s13;
	s13 =	smul.u32 @!p4 $0x500, s13;
	[sflag:s3] =	ssyncset.done $0x0  }
0x3b: {  	p5 =	seq.s32 @!p4 s14, $0x1;
	s14 =	simm.s32 @!p4 $0x500;
	[sflag:s3] =	ssyncadd.s32 $0xFFFFFB00  }
0x3c: {  	p0 =	por @!p3 !p5, p0;
	s20 =	smul.u32 $0xA, s9;
	[bflag:$0x0] =	sbarrier.arrive $0xFFFF  }
0x3d: {  	s9 =	simm.s32 @!p4 $0x0;
	p0 =	por !p0, p3;
	s26 =	rddreg [dreg:$0x0]  }
0x3e: {  	[tilespmem:s11], [sflag:$0x1] =	stream.indirect.gather [hbm4b:s26+s28], $0x40, s2, s28, $0xb8;
	[tilespmem:$0x1F600] =	vst v63  }
0x3f: {  	s14 =	simm.s32 @!p0 $0x0;
	s4 =	ssub.s32 s4, s20;
	_ =	swait.ge @!p2 [sflag:s12], $0x2000  }
0x40: {  	s20 =	sand.u32 @!p1 $0xFF, s6;
	s23 =	sadd.s32 @!p4 $0x1400, s14;
	[sflag:s12] =	ssyncset.done @!p2 $0x0  }
0x41: {  	s17 =	sshll.u32 @!p1 s20, $0x7;
	s1 =	rddreg [dreg:$0x8];
	[sflag:s12] =	ssyncadd.s32 @!p2 $0xFFFFE000  }
0x42: {  	s13 =	sadd.s32 @!p4 s1, s13;
	s1 =	rddreg [dreg:$0x7];
	_ =	swait.ge @!p2 [sflag:s18], $0x800  }
0x43: {  	s4 =	sand.u32 $0xFF, s4;
	s26 =	sshrl.u32 @!p4 s13, $0x3;
	[sflag:s18] =	ssyncset.done @!p2 $0x0  }
0x44: {  	s13 =	sor.u32 @!p4 $0xA00, s14;
	s12 =	sadd.s32 @!p4 s1, s26;
	[sflag:s18] =	ssyncadd.s32 @!p2 $0xFFFFF800  }
0x45: {  	[tilespmem:s13], [sflag:$0x4] =	stream.linear.gather @!p4 [hbm4b:s12+s9], $0x500, $0x38;
	[tilespmem:$0x1F600] =	vst v63  }
0x46: {  	s1 =	rddreg [dreg:$0x9];
	s13 =	sand.u32 $0x1, s15;
	s15 =	sand.u32 @!p1 $0x1, s16  }
0x47: {  	s6 =	sadd.s32 @!p4 s8, s26;
	s25 =	sadd.s32 @!p4 s1, s26;
	p0 =	seq.s32 @!p1 s15, $0x1  }
0x48: {  	p2 =	por p1, p1;
	s12 =	simm.s32 $0x2;
	p5 =	por !p0, p1  }
.LBB2_2:
0x49: {  	s1 =	simm.s32 @!p2 $0x0;
	s15 =	smov.u32 s12;
	s12 =	sadd.s32 $0x1, s12  }
0x4a: {  	[tilespmem:s23], [sflag:$0x4] =	stream.linear.gather @!p4 [hbm4b:s25+s9], $0x500, $0x38;
	[tilespmem:$0x1F600] =	vst v63  }
0x4b: {  	s16 =	sand.u32 $0xFF, s10;
	p6 =	seq.s32 s13, $0x1;
	s23 =	simm.s32 @!p2 $0x1E00  }
0x4c: {  	p3 =	seq.s32 s10, $0x0;
	s25 =	simm.s32 @!p2 $0x80;
	p1 =	sgt.u32 s10, $0x4A  }
0x4d: {  	s3 =	sshll.u32 s19, $0x7;
	s4 =	sshll.u32 s4, $0x7;
	s1 =	simm.s32 @p2 $0x1  }
0x4e: {  	s2 =	smul.u32 $0xCD, s16;
	s18 =	simm.s32 @!p3 $0x2;
	[smem:$0x7FB] =	sst s1  }
0x4f: {  	[tilespmem:s14], [sflag:$0x4] =	stream.linear.gather @!p4 [hbm4b:s6+s9], $0x500, $0x38;
	[tilespmem:$0x1F600] =	vst v63  }
0x50: {  	s16 =	simm.s32 @!p3 $0x3;
	s9 =	simm.s32 @!p2 $0x500;
	_ =	swait.ge [sflag:s30], $0x2000  }
0x51: {  	p4 =	sne.s32 @!p2 s20, $0x0;
	s26 =	rddreg [dreg:$0x6];
	[sflag:s30] =	ssyncset.done $0x0  }
0x52: {  	s29 =	sld [smem:$0x7FD];
	s26 =	simm.s32 @!p6 $0x0;
	[sflag:s30] =	ssyncadd.s32 $0xFFFFE000  }
0x53: {  	s7 =	sadd.s32 s4, s26;
	s6 =	sadd.s32 s26, s3;
	s3 =	rddreg [dreg:$0x0]  }
0x54: {  	[tilespmem:s31], [sflag:$0x1] =	stream.indirect.gather [hbm4b:s3+s28], $0x40, s7, s28, $0xb8;
	[tilespmem:$0x1F600] =	vst v63  }
0x55: {  	s19 =	sadd.s32 $0xA00, s6;
	s6 =	sadd.s32 $0x1400, s6;
	p0 =	seq.s32 s29, $0x1  }
0x56: {  	[spmem:s5] =	stream.indirect.scatter.add.f32 [tilespmem:s11], [sflag:$0x2], $0x40, s19, s28, $0xb8;
	[tilespmem:$0x1F600] =	vst v63  }
0x57: {  	s14 =	sshrl.u32 s2, $0xA;
	s9 =	simm.s32 @p5 $0x0;
	s6 =	smov.u32 @p0 s19  }
0x58: {  	[spmem:s22] =	stream.indirect.scatter.add.f32 [tilespmem:s21], [sflag:$0x3], $0x10, s6, s28, $0xb8;
	[tilespmem:$0x1F600] =	vst v63  }
0x59: {  	p5 =	por p4, p2;
	s13 =	sand.u32 $0x1, s14;
	_ =	swait.ge [sflag:s0], $0x2000  }
0x5a: {  	s17 =	sadd.s32 @!p2 s17, s9;
	s6 =	sshll.u32 s10, $0x1;
	[sflag:s0] =	ssyncset.done $0x0  }
0x5b: {  	p6 =	seq.s32 s10, $0x4F;
	s1 =	sand.u32 $0xFE, s6;
	[sflag:s0] =	ssyncadd.s32 $0xFFFFE000  }
0x5c: {  	s26 =	sadd.s32 s26, s4;
	s9 =	smul.u32 $0xCD, s1;
	_ =	swait.ge [sflag:s24], $0x800  }
0x5d: {  	s4 =	sadd.s32 $0x1400, s26;
	s20 =	sadd.s32 @!p6 $0x2, s6;
	[sflag:s24] =	ssyncset.done $0x0  }
0x5e: {  	s10 =	sor.u32 $0x1, s6;
	s9 =	sshrl.u32 s9, $0xB;
	[sflag:s24] =	ssyncadd.s32 $0xFFFFF800  }
0x5f: {  	s19 =	sand.u32 @!p6 $0xFF, s20;
	s29 =	smul.u32 $0xA, s9;
	_ =	swait.ge [sflag:s30], $0x2000  }
0x60: {  	s2 =	sand.u32 $0xFF, s10;
	s19 =	smul.u32 @!p6 $0xCD, s19;
	[sflag:s30] =	ssyncset.done $0x0  }
0x61: {  	s6 =	ssub.s32 s6, s29;
	s29 =	simm.s32 @!p5 $0x4;
	[sflag:s30] =	ssyncadd.s32 $0xFFFFE000  }
0x62: {  	s7 =	smov.u32 s22;
	s22 =	smul.u32 $0xCD, s2;
	_ =	swait.ge @!p5 [sflag:s29], $0x500  }
0x63: {  	s9 =	sshrl.u32 @!p6 s19, $0xB;
	s1 =	sand.u32 @!p1 $0xFF, s6;
	[sflag:s29] =	ssyncset.done @!p5 $0x0  }
0x64: {  	s2 =	smul.u32 @!p6 $0xA, s9;
	p0 =	sne.s32 @!p1 s1, $0x0;
	[sflag:s29] =	ssyncadd.s32 @!p5 $0xFFFFFB00  }
0x65: {  	s19 =	sand.u32 $0xFE, s6;
	p4 =	por p0, p1;
	_ =	swait.ge @!p5 [sflag:s29], $0x500  }
0x66: {  	s2 =	ssub.s32 @!p6 s20, s2;
	s6 =	sadd.s32 @!p4 $0x1, s14;
	[sflag:s29] =	ssyncset.done @!p5 $0x0  }
0x67: {  	s1 =	sadd.s32 $0xA00, s26;
	s14 =	sand.u32 @!p4 $0x1, s6;
	[sflag:s29] =	ssyncadd.s32 @!p5 $0xFFFFFB00  }
0x68: {  	s6 =	smul.u32 @!p4 $0x500, s6;
	s20 =	rddreg [dreg:$0x8];
	_ =	swait.ge @!p5 [sflag:s29], $0x500  }
0x69: {  	p2 =	seq.s32 @!p4 s14, $0x1;
	s14 =	simm.s32 @!p4 $0x500;
	[sflag:s29] =	ssyncset.done @!p5 $0x0  }
0x6a: {  	p0 =	por @!p1 !p2, p0;
	[sflag:s29] =	ssyncadd.s32 @!p5 $0xFFFFFB00;
	s29 =	sld [smem:$0x7FB]  }
0x6b: {  	p2 =	por p6, p6;
	s6 =	sadd.s32 @!p4 s20, s6;
	p0 =	por !p0, p1  }
0x6c: {  	s6 =	sshrl.u32 @!p4 s6, $0x3;
	s14 =	simm.s32 @!p0 $0x0;
	s20 =	rddreg [dreg:$0x7]  }
0x6d: {  	s26 =	sadd.s32 @!p4 s20, s6;
	s20 =	sld [smem:$0x7FD];
	p0 =	seq.s32 s29, $0x1  }
0x6e: {  	[tilespmem:s23], [sflag:$0x1] =	stream.indirect.gather @!p0 [hbm4b:s3+s25], $0x40, s17, s25, $0xb8;
	[tilespmem:$0x1F600] =	vst v63  }
0x6f: {  	s29 =	sor.u32 @!p4 $0xA00, s14;
	s23 =	sadd.s32 @!p4 $0x1400, s14;
	s3 =	rddreg [dreg:$0x9]  }
0x70: {  	p0 =	seq.s32 s20, $0x1;
	s20 =	sand.u32 @!p6 $0xFF, s2;
	s2 =	sand.u32 @!p6 $0x1, s9  }
0x71: {  	[spmem:s5] =	stream.indirect.scatter.add.f32 [tilespmem:s31], [sflag:$0x2], $0x40, s1, s28, $0xb8;
	[tilespmem:$0x1F600] =	vst v63  }
0x72: {  	s17 =	sshrl.u32 s22, $0xB;
	s4 =	smov.u32 @p0 s1;
	p0 =	seq.s32 @!p6 s2, $0x1  }
0x73: {  	[spmem:s7] =	stream.indirect.scatter.add.f32 [tilespmem:s21], [sflag:$0x3], $0x10, s4, s28, $0xb8;
	[tilespmem:$0x1F600] =	vst v63  }
0x74: {  	s22 =	smov.u32 s7;
	p5 =	por !p0, p6;
	_ =	swait.ge @!p3 [sflag:s18], $0x2000  }
0x75: {  	p0 =	sne.s32 s12, $0x50;
	s7 =	smul.u32 $0xA, s17;
	[sflag:s18] =	ssyncset.done @!p3 $0x0  }
.Ltmp0:
0x76: {  	s9 =	simm.s32 @!p4 $0x0;
	[sflag:s18] =	ssyncadd.s32 @!p3 $0xFFFFE000;
	(pc) =	sbr.rel @p0 .LBB2_2-.Ltmp0, $4  }
0x77: {  	s25 =	sadd.s32 @!p4 s3, s6;
	s6 =	sadd.s32 @!p4 s8, s6;
	_ =	swait.ge @!p3 [sflag:s16], $0x800  }
0x78: {  	s17 =	sshll.u32 @!p6 s20, $0x7;
	s1 =	ssub.s32 s10, s7;
	[sflag:s16] =	ssyncset.done @!p3 $0x0  }
0x79: {  	s10 =	smov.u32 s15;
	s4 =	sand.u32 $0xFF, s1;
	[sflag:s16] =	ssyncadd.s32 @!p3 $0xFFFFF800  }
0x7a: {  	[tilespmem:s29], [sflag:$0x4] =	stream.linear.gather @!p4 [hbm4b:s26+s9], $0x500, $0x38;
	[tilespmem:$0x1F600] =	vst v63  }
0x7b: {  	[tilespmem:s23], [sflag:$0x4] =	stream.linear.gather @!p4 [hbm4b:s25+s9], $0x500, $0x38;
	[tilespmem:$0x1F600] =	vst v63  }
0x7c: {  	p0 =	seq.s32 s13, $0x1  }
0x7d: {  	[tilespmem:s14], [sflag:$0x4] =	stream.linear.gather @!p4 [hbm4b:s6+s9], $0x500, $0x38;
	[tilespmem:$0x1F600] =	vst v63  }
0x7e: {  	s2 =	sshll.u32 s19, $0x7;
	s29 =	sshll.u32 s4, $0x7;
	_ =	swait.ge [sflag:s30], $0x2000  }
0x7f: {  	s7 =	simm.s32 $0x1E00;
	s1 =	rddreg [dreg:$0x6];
	[sflag:s30] =	ssyncset.done $0x0  }
0x80: {  	s3 =	sld [smem:$0x7FD];
	s1 =	simm.s32 @!p0 $0x0;
	[sflag:s30] =	ssyncadd.s32 $0xFFFFE000  }
0x81: {  	s4 =	sadd.s32 s29, s1;
	s2 =	sadd.s32 s1, s2;
	s15 =	rddreg [dreg:$0x0]  }
0x82: {  	[tilespmem:s31], [sflag:$0x1] =	stream.indirect.gather [hbm4b:s15+s28], $0x40, s4, s28, $0xb8;
	[tilespmem:$0x1F600] =	vst v63  }
0x83: {  	s4 =	sadd.s32 $0xA00, s2;
	s2 =	sadd.s32 $0x1400, s2;
	p6 =	seq.s32 s3, $0x1  }
0x84: {  	[spmem:s5] =	stream.indirect.scatter.add.f32 [tilespmem:s7], [sflag:$0x2], $0x40, s4, s28, $0xb8;
	[tilespmem:$0x1F600] =	vst v63  }
0x85: {  	s2 =	smov.u32 @p6 s4  }
0x86: {  	[spmem:s22] =	stream.indirect.scatter.add.f32 [tilespmem:s21], [sflag:$0x3], $0x10, s2, s28, $0xb8;
	[tilespmem:$0x1F600] =	vst v63  }
0x87: {  	_ =	swait.ge [sflag:s0], $0x2000  }
0x88: {  	[sflag:s0] =	ssyncset.done $0x0  }
0x89: {  	[sflag:s0] =	ssyncadd.s32 $0xFFFFE000  }
0x8a: {  	_ =	swait.ge [sflag:s24], $0x800  }
0x8b: {  	[sflag:s24] =	ssyncset.done $0x0  }
0x8c: {  	[sflag:s24] =	ssyncadd.s32 $0xFFFFF800  }
0x8d: {  	s12 =	sand.u32 $0xFF, s10;
	p0 =	sne.s32 @!p2 s20, $0x0;
	_ =	swait.ge [sflag:s30], $0x2000  }
0x8e: {  	p3 =	por p0, p2;
	s4 =	sshll.u32 s10, $0x1;
	[sflag:s30] =	ssyncset.done $0x0  }
0x8f: {  	s9 =	simm.s32 @!p3 $0x4;
	s3 =	sand.u32 $0xFE, s4;
	[sflag:s30] =	ssyncadd.s32 $0xFFFFE000  }
0x90: {  	s13 =	simm.s32 @!p2 $0x1E00;
	s2 =	smul.u32 $0xCD, s3;
	_ =	swait.ge @!p3 [sflag:s9], $0x500  }
0x91: {  	p1 =	seq.s32 s10, $0x0;
	s12 =	smul.u32 $0xCD, s12;
	[sflag:s9] =	ssyncset.done @!p3 $0x0  }
0x92: {  	s6 =	simm.s32 @!p2 $0x500;
	s2 =	sshrl.u32 s2, $0xB;
	[sflag:s9] =	ssyncadd.s32 @!p3 $0xFFFFFB00  }
0x93: {  	p4 =	sgt.u32 s10, $0x4A;
	s2 =	smul.u32 $0xA, s2;
	_ =	swait.ge @!p3 [sflag:s9], $0x500  }
0x94: {  	s6 =	simm.s32 @p5 $0x0;
	s12 =	sshrl.u32 s12, $0xA;
	[sflag:s9] =	ssyncset.done @!p3 $0x0  }
0x95: {  	s6 =	sadd.s32 @!p2 s17, s6;
	s2 =	ssub.s32 s4, s2;
	[sflag:s9] =	ssyncadd.s32 @!p3 $0xFFFFFB00  }
0x96: {  	s1 =	sadd.s32 s1, s29;
	s14 =	sand.u32 @!p4 $0xFF, s2;
	_ =	swait.ge @!p3 [sflag:s9], $0x500  }
0x97: {  	s11 =	sor.u32 $0x1, s4;
	p0 =	sne.s32 @!p4 s14, $0x0;
	[sflag:s9] =	ssyncset.done @!p3 $0x0  }
0x98: {  	s14 =	simm.s32 @!p2 $0x80;
	[sflag:s9] =	ssyncadd.s32 @!p3 $0xFFFFFB00;
	p3 =	por p0, p4  }
0x99: {  	[tilespmem:s13], [sflag:$0x1] =	stream.indirect.gather @!p2 [hbm4b:s15+s14], $0x40, s6, s14, $0xb8;
	[tilespmem:$0x1F600] =	vst v63  }
0x9a: {  	s6 =	sadd.s32 $0x1400, s1;
	s1 =	sadd.s32 $0xA00, s1;
	s9 =	sadd.s32 @!p3 $0x1, s12  }
0x9b: {  	[spmem:s5] =	stream.indirect.scatter.add.f32 [tilespmem:s31], [sflag:$0x2], $0x40, s1, s28, $0xb8;
	[tilespmem:$0x1F600] =	vst v63  }
0x9c: {  	s13 =	simm.s32 @!p1 $0x2;
	s14 =	sand.u32 @!p3 $0x1, s9;
	s6 =	smov.u32 @p6 s1  }
0x9d: {  	[spmem:s22] =	stream.indirect.scatter.add.f32 [tilespmem:s21], [sflag:$0x3], $0x10, s6, s28, $0xb8;
	[tilespmem:$0x1F600] =	vst v63  }
0x9e: {  	s1 =	smul.u32 @!p3 $0x500, s9;
	p2 =	seq.s32 @!p3 s14, $0x1;
	_ =	swait.ge @!p1 [sflag:s13], $0x2000  }
0x9f: {  	s9 =	simm.s32 @!p3 $0x500;
	p0 =	por @!p4 !p2, p0;
	[sflag:s13] =	ssyncset.done @!p1 $0x0  }
0xa0: {  	s6 =	simm.s32 @!p1 $0x3;
	s3 =	rddreg [dreg:$0x8];
	[sflag:s13] =	ssyncadd.s32 @!p1 $0xFFFFE000  }
0xa1: {  	p0 =	por !p0, p4;
	s1 =	sadd.s32 @!p3 s3, s1;
	_ =	swait.ge @!p1 [sflag:s6], $0x800  }
0xa2: {  	s9 =	simm.s32 @!p0 $0x0;
	s1 =	sshrl.u32 @!p3 s1, $0x3;
	s3 =	rddreg [dreg:$0x7]  }
0xa3: {  	s14 =	sor.u32 @!p3 $0xA00, s9;
	[sflag:s6] =	ssyncset.done @!p1 $0x0;
	s13 =	sadd.s32 @!p3 s3, s1  }
0xa4: {  	[sflag:s6] =	ssyncadd.s32 @!p1 $0xFFFFF800;
	s6 =	simm.s32 @!p3 $0x0;
	s3 =	rddreg [dreg:$0x9]  }
0xa5: {  	[tilespmem:s14], [sflag:$0x4] =	stream.linear.gather @!p3 [hbm4b:s13+s6], $0x500, $0x38;
	[tilespmem:$0x1F600] =	vst v63  }
0xa6: {  	s16 =	sand.u32 $0xFF, s11;
	s13 =	sadd.s32 @!p3 $0x1400, s9;
	s14 =	sadd.s32 @!p3 s3, s1  }
0xa7: {  	[tilespmem:s13], [sflag:$0x4] =	stream.linear.gather @!p3 [hbm4b:s14+s6], $0x500, $0x38;
	[tilespmem:$0x1F600] =	vst v63  }
0xa8: {  	s1 =	sadd.s32 @!p3 s8, s1;
	s14 =	smul.u32 $0xCD, s16  }
0xa9: {  	[tilespmem:s9], [sflag:$0x4] =	stream.linear.gather @!p3 [hbm4b:s1+s6], $0x500, $0x38;
	[tilespmem:$0x1F600] =	vst v63  }
0xaa: {  	s17 =	sshrl.u32 s14, $0xB  }
0xab: {  	s18 =	sand.u32 $0x1, s12;
	s2 =	sand.u32 $0xFE, s2;
	s1 =	smul.u32 $0xA, s17  }
0xac: {  	s2 =	sshll.u32 s2, $0x7;
	p0 =	seq.s32 s18, $0x1  }
0xad: {  	p1 =	seq.s32 s10, $0x4F;
	_ =	swait.ge [sflag:s30], $0x2000;
	s1 =	ssub.s32 s11, s1  }
0xae: {  	s4 =	sadd.s32 @!p1 $0x2, s4;
	s9 =	rddreg [dreg:$0x6];
	s1 =	sand.u32 $0xFF, s1  }
0xaf: {  	[sflag:s30] =	ssyncset.done $0x0;
	s9 =	simm.s32 @!p0 $0x0;
	s1 =	sshll.u32 s1, $0x7  }
0xb0: {  	[sflag:s30] =	ssyncadd.s32 $0xFFFFE000;
	s2 =	sadd.s32 s9, s2;
	s19 =	sadd.s32 s1, s9  }
0xb1: {  	[tilespmem:s31], [sflag:$0x1] =	stream.indirect.gather [hbm4b:s15+s28], $0x40, s19, s28, $0xb8;
	[tilespmem:$0x1F600] =	vst v63  }
0xb2: {  	s6 =	sand.u32 @!p1 $0xFF, s4;
	s10 =	sadd.s32 $0xA00, s2;
	s2 =	sadd.s32 $0x1400, s2  }
0xb3: {  	[spmem:s5] =	stream.indirect.scatter.add.f32 [tilespmem:s7], [sflag:$0x2], $0x40, s10, s28, $0xb8;
	[tilespmem:$0x1F600] =	vst v63  }
0xb4: {  	s6 =	smul.u32 @!p1 $0xCD, s6;
	s2 =	smov.u32 @p6 s10  }
0xb5: {  	[spmem:s22] =	stream.indirect.scatter.add.f32 [tilespmem:s21], [sflag:$0x3], $0x10, s2, s28, $0xb8;
	[tilespmem:$0x1F600] =	vst v63  }
0xb6: {  	_ =	swait.ge [sflag:s0], $0x2000  }
0xb7: {  	s2 =	sshrl.u32 @!p1 s6, $0xB;
	[sflag:s0] =	ssyncset.done $0x0  }
0xb8: {  	s6 =	smul.u32 @!p1 $0xA, s2;
	[sflag:s0] =	ssyncadd.s32 $0xFFFFE000  }
0xb9: {  	_ =	swait.ge [sflag:s24], $0x800  }
0xba: {  	s4 =	ssub.s32 @!p1 s4, s6;
	[sflag:s24] =	ssyncset.done $0x0  }
0xbb: {  	p2 =	por p1, p1;
	s4 =	sand.u32 @!p1 $0xFF, s4;
	[sflag:s24] =	ssyncadd.s32 $0xFFFFF800  }
0xbc: {  	p0 =	sne.s32 @!p2 s4, $0x0;
	_ =	swait.ge [sflag:s30], $0x2000  }
0xbd: {  	p0 =	por p0, p2;
	[sflag:s30] =	ssyncset.done $0x0  }
0xbe: {  	s6 =	simm.s32 @!p0 $0x4;
	[sflag:s30] =	ssyncadd.s32 $0xFFFFE000  }
0xbf: {  	_ =	swait.ge @!p0 [sflag:s6], $0x500  }
0xc0: {  	[sflag:s6] =	ssyncset.done @!p0 $0x0  }
0xc1: {  	[sflag:s6] =	ssyncadd.s32 @!p0 $0xFFFFFB00  }
0xc2: {  	s2 =	sand.u32 @!p1 $0x1, s2;
	_ =	swait.ge @!p0 [sflag:s6], $0x500  }
0xc3: {  	p3 =	seq.s32 @!p1 s2, $0x1;
	[sflag:s6] =	ssyncset.done @!p0 $0x0  }
0xc4: {  	s2 =	simm.s32 @!p2 $0x500;
	p3 =	por !p3, p1;
	[sflag:s6] =	ssyncadd.s32 @!p0 $0xFFFFFB00  }
0xc5: {  	s2 =	simm.s32 @p3 $0x0;
	s4 =	sshll.u32 @!p1 s4, $0x7;
	_ =	swait.ge @!p0 [sflag:s6], $0x500  }
0xc6: {  	s1 =	sadd.s32 s9, s1;
	s2 =	sadd.s32 @!p2 s4, s2;
	[sflag:s6] =	ssyncset.done @!p0 $0x0  }
0xc7: {  	s4 =	simm.s32 @!p2 $0x80;
	[sflag:s6] =	ssyncadd.s32 @!p0 $0xFFFFFB00;
	s6 =	simm.s32 @!p2 $0x1E00  }
0xc8: {  	[tilespmem:s6], [sflag:$0x1] =	stream.indirect.gather @!p2 [hbm4b:s15+s4], $0x40, s2, s4, $0xb8;
	[tilespmem:$0x1F600] =	vst v63  }
0xc9: {  	s2 =	sadd.s32 $0x1400, s1;
	s1 =	sadd.s32 $0xA00, s1  }
0xca: {  	[spmem:s5] =	stream.indirect.scatter.add.f32 [tilespmem:s31], [sflag:$0x2], $0x40, s1, s28, $0xb8;
	[tilespmem:$0x1F600] =	vst v63  }
0xcb: {  	s2 =	smov.u32 @p6 s1  }
0xcc: {  	[spmem:s22] =	stream.indirect.scatter.add.f32 [tilespmem:s21], [sflag:$0x3], $0x10, s2, s28, $0xb8;
	[tilespmem:$0x1F600] =	vst v63  }
0xcd: {  	_ =	swait.ge [sflag:s0], $0x2000  }
0xce: {  	[sflag:s0] =	ssyncset.done $0x0  }
0xcf: {  	[sflag:s0] =	ssyncadd.s32 $0xFFFFE000  }
0xd0: {  	_ =	swait.ge [sflag:s24], $0x800  }
0xd1: {  	[sflag:s24] =	ssyncset.done $0x0  }
0xd2: {  	[sflag:s24] =	ssyncadd.s32 $0xFFFFF800  }
0xd3: {  	[bflag:$0x0] =	sbarrier.arrive $0xFFFF  }
0xd4: {  	s20 =	rddreg [dreg:$0x15]  }
0xd5: {  	s4 =	rddreg [dreg:$0x18]  }
0xd6: {  	s3 =	simm.s32 $0x5;
	s23 =	rddreg [dreg:$0x19]  }
0xd7: {  	[hbm:s20], [sflag:s4] =	dma.local [spmem:s23], $0x2800  }
0xd8: {  	_ =	swait.ge [sflag:s3], $0x2800  }
0xd9: {  	s25 =	sld [smem:$0x7FC];
	_ =	sdelay $0x1  }
0xda: {  	[sflag:s3] =	ssyncset.done $0x0;
	s1 =	rddreg [dreg:$0x11]  }
0xdb: {  	s2 =	rddreg [dreg:$0x16];
	[sflag:s3] =	ssyncadd.s32 $0xFFFFD800;
	p1 =	seq.s32 s25, $0x1  }
0xdc: {  	[hbm:s1], [sflag:s4] =	dma.local @p1 [spmem:s2], $0x500  }
0xdd: {  	s1 =	simm.s32 @p1 $0x5  }
0xde: {  	_ =	swait.ge @p1 [sflag:s1], $0x500  }
0xdf: {  	[sflag:s1] =	ssyncset.done @p1 $0x0;
	s16 =	rddreg [dreg:$0xe]  }
0xe0: {  	s2 =	rddreg [dreg:$0x12];
	[sflag:s1] =	ssyncadd.s32 @p1 $0xFFFFFB00;
	s1 =	sshrl.u32 @!p1 s16, $0x3  }
0xe1: {  	[hbm:s2], [sflag:s4] =	dma.local @!p1 [spmem:s1], $0xA00  }
0xe2: {  	s1 =	simm.s32 @!p1 $0x5  }
0xe3: {  	_ =	swait.ge @!p1 [sflag:s1], $0xA00  }
0xe4: {  	s26 =	rddreg [dreg:$0x17]  }
0xe5: {  	s29 =	rddreg [dreg:$0x13];
	s4 =	sadd.s32 $0x1, s26  }
0xe6: {  	p0 =	sne.s32 s4, s29  }
.Ltmp1:
0xe7: {  	_ = 	snop;
	(pc) =	sbr.rel @p0 .LBB2_1-.Ltmp1, $3  }
0xe8: {  	_ =	sdelay $0x1  }
0xe9: {  	[sflag:s1] =	ssyncset.done @!p1 $0x0  }
0xea: {  	s11 =	simm.s32 $0x1E00;
	[sflag:s1] =	ssyncadd.s32 @!p1 $0xFFFFF600  }
0xeb: {  	_ =	sfence.sel $0x180000  }
0xec: {  	[bflag:$0x0] =	sbarrier.arrive $0xFFFF  }
0xed: {  	_ =	strace $0x90000047  }
0xee: {  	s0 =	stileid.u32;
	[bflag:$0x2] =	sbarrier.arrive $0xFFFF  }
0xef: {  	p0 =	sne.s32 s0, $0x0;
	s0 =	rddreg [dreg:$0x5]  }
0xf0: {  	s0 =	sadd.s32 @!p0 $0x100000, s0  }
0xf1: {  	[sflag:s0] =	ssyncadd.tile.s32 @!p0 $0x1;
	_ =	shalt  }
.Lfunc_end2:
_tile_overlayer_lowered:
.L_overlay_start_2:
0xf2: {  	(tag) =	ssettag $0x2  }
0xf3: {  	s0 =	rddreg [dreg:$0x0];
	s2 =	stileid.u32  }
0xf4: {  	s1 =	rddreg [dreg:$0x1];
	p0 =	sne.s32 s2, $0x0  }
0xf5: {  	s3 =	rddreg [dreg:$0x2];
	[bflag:$0x3] =	sbarrier.arrive $0xFFFF;
	s2 =	simm.s32 @!p0 $0x1C05  }
0xf6: {  	[timem:s3], [sflag:s2] =	dma.local @!p0 [hbm:s0], s1  }
0xf7: {  	s0 =	simm.s32 @!p0 $0x5  }
0xf8: {  	_ =	swait.ge @!p0 [sflag:s0], s1  }
0xf9: {  	s1 =	ssub.s32 @!p0 $0x0, s1;
	[sflag:s0] =	ssyncset.done @!p0 $0x0  }
0xfa: {  	[sflag:s0] =	ssyncadd.s32 @!p0 s1  }
0xfb: {  	[bflag:$0x3] =	sbarrier.arrive $0xFFFF  }
0xfc: {  	_ =	shalt  }

// kernel: kernel.9.cloned.1.call-start
scs
__scs_entry_jumppad:
0x0: {  	(pc) =	sbr.rel $0x88, $3  }
0x1: {  	(tag) =	ssettag $0x0;
	lr =	simm.s32 $0x1  }
0x2: {  	[smem:$0x3F95] =	sst lr;
	_ =	strace $0xD0000000  }
0x3: {  	_ = 	snop  }
0x4: {  	_ = 	snop  }
0x5: {  	_ = 	snop  }
0x6: {  	_ = 	snop  }
0x7: {  	_ = 	snop  }
__scs_overlays_trampoline_lowered:
0x8: {  	[smem:$0x3FA4] =	sst s0  }
0x9: {  	[smem:$0x3FA5] =	sst s1  }
0xa: {  	[smem:$0x3FA6] =	sst s2  }
0xb: {  	[smem:$0x3FA7] =	sst s3  }
0xc: {  	[smem:$0x3FA8] =	sst s4  }
0xd: {  	[smem:$0x3FA9] =	sst s5  }
0xe: {  	[smem:$0x3FAA] =	sst s6  }
0xf: {  	[smem:$0x3FAB] =	sst s7  }
0x10: {  	[smem:$0x3FAC] =	sst s8  }
0x11: {  	[smem:$0x3FAD] =	sst s9;
	s0 =	simm.s32 @!p0 $0x0  }
0x12: {  	s1 =	sld [smem:$0x3F93];
	s0 =	simm.s32 @p0 $0x1  }
0x13: {  	[smem:$0x3FAE] =	sst s0;
	s0 =	simm.s32 @!p1 $0x0  }
0x14: {  	s2 =	sld [smem:$0x3F92];
	s0 =	simm.s32 @p1 $0x1  }
0x15: {  	[smem:$0x3FAF] =	sst s0;
	s0 =	simm.s32 @!p2 $0x0  }
0x16: {  	s3 =	sld [smem:$0x3FDB];
	s0 =	simm.s32 @p2 $0x1  }
0x17: {  	s4 =	simm.s32 $0x1BF5;
	[smem:$0x3FB1] =	sst s0  }
0x18: {  	s0 =	sld [smem:$0x3F94];
	_ =	swait.ge [sflag:s4], $0x0  }
0x19: {  	s7 =	sld [smem:$0x3F95]  }
0x1a: {  	s8 =	sadd.s32 $0xFFFFE003, lr  }
0x1b: {  	s9 =	sadd.s32 $0xFFFFFEF7, lr;
	s5 =	simm.s32 $0xFFFFFFFF;
	p2 =	slt.u32 s8, $0xFFFFF086  }
0x1c: {  	p1 =	slt.u32 s9, $0xF7A;
	s5 =	simm.s32 @!p2 $0x0  }
0x1d: {  	s5 =	simm.s32 @p1 $0x1;
	p0 =	seq.s32 s7, s2  }
0x1e: {  	s7 =	smul.u32 @!p0 $0xF7A, s2;
	p2 =	seq.s32 @!p0 s5, $0x0  }
0x1f: {  	s9 =	smul.u32 $0xF7A, s1;
	s8 =	simm.s32 @!p0 $0x1BF5;
	p2 =	por !p2, p0  }
0x20: {  	[sflag:s8] =	ssyncset.s32 @!p0 $0xFFFFF086;
	s6 =	sadd.s32 @!p0 s3, s7;
	s7 =	simm.s32 @!p0 $0x108  }
0x21: {  	s3 =	sadd.s32 s3, s9;
	s6 =	sadd.s32 @!p0 $0x88, s6;
	s7 =	simm.s32 @p2 $0x1082  }
0x22: {  	[simem:s7], [sflag:s8] =	dma.local @!p0 [hbm:s6], $0xF7A  }
0x23: {  	s9 =	sor.u32 $0xD0000000, s2;
	s6 =	simm.s32 $0x108;
	_ =	swait.ge @!p0 [sflag:s8], $0x0  }
0x24: {  	s3 =	sadd.s32 $0x88, s3;
	s6 =	simm.s32 @!p1 $0x1082;
	[sflag:s4] =	ssyncset.s32 $0xFFFFF086  }
0x25: {  	[simem:s6], [sflag:s4] =	dma.local [hbm:s3], $0xF7A  }
0x26: {  	[smem:$0x3F95] =	sst s1;
	(tag) =	ssettag s2;
	_ =	strace s9  }
0x27: {  	s1 =	sld [smem:$0x3FA5]  }
0x28: {  	s2 =	sld [smem:$0x3FA6]  }
0x29: {  	s4 =	sld [smem:$0x3FA8]  }
0x2a: {  	p0 =	seq.s32 s5, $0x0;
	s5 =	sld [smem:$0x3FA9]  }
0x2b: {  	s6 =	sld [smem:$0x3FAA]  }
0x2c: {  	s7 =	sld [smem:$0x3FAB]  }
0x2d: {  	s3 =	simm.s32 $0x108;
	s8 =	sld [smem:$0x3FAC]  }
0x2e: {  	s3 =	simm.s32 @!p0 $0x1082;
	s9 =	sld [smem:$0x3FAD]  }
0x2f: {  	lr =	sadd.s32 s0, s3;
	s0 =	sld [smem:$0x3FA4]  }
0x30: {  	s3 =	sld [smem:$0x3FA7]  }
0x31: {  	[smem:$0x3FB0] =	sst s10  }
0x32: {  	s10 =	sld [smem:$0x3FAE];
	_ =	sdelay $0x3  }
0x33: {  	p0 =	seq.s32 s10, $0x1;
	s10 =	sld [smem:$0x3FB0];
	_ =	sdelay $0x3  }
0x34: {  	[smem:$0x3FB0] =	sst s10  }
0x35: {  	s10 =	sld [smem:$0x3FAF];
	_ =	sdelay $0x3  }
0x36: {  	p1 =	seq.s32 s10, $0x1;
	s10 =	sld [smem:$0x3FB0];
	_ =	sdelay $0x3  }
0x37: {  	[smem:$0x3FB0] =	sst s10  }
0x38: {  	s10 =	sld [smem:$0x3FB1]  }
0x39: {  	_ = 	snop;
	(pc) =	sbr.ind lr, $3  }
0x3a: {  	_ = 	snop  }
0x3b: {  	_ = 	snop  }
0x3c: {  	p2 =	seq.s32 s10, $0x1;
	s10 =	sld [smem:$0x3FB0]  }
0x3d: {  	_ =	shalt  }
0x3e: {  	_ =	shalt  }
0x3f: {  	_ =	shalt  }
0x40: {  	_ =	shalt  }
0x41: {  	_ =	shalt  }
0x42: {  	_ =	shalt  }
0x43: {  	_ =	shalt  }
0x44: {  	_ =	shalt  }
0x45: {  	_ =	shalt  }
0x46: {  	_ =	shalt  }
0x47: {  	_ =	shalt  }
0x48: {  	_ =	shalt  }
0x49: {  	_ =	shalt  }
0x4a: {  	_ =	shalt  }
0x4b: {  	_ =	shalt  }
0x4c: {  	_ =	shalt  }
0x4d: {  	_ =	shalt  }
0x4e: {  	_ =	shalt  }
0x4f: {  	_ =	shalt  }
0x50: {  	_ =	shalt  }
0x51: {  	_ =	shalt  }
0x52: {  	_ =	shalt  }
0x53: {  	_ =	shalt  }
0x54: {  	_ =	shalt  }
0x55: {  	_ =	shalt  }
0x56: {  	_ =	shalt  }
0x57: {  	_ =	shalt  }
0x58: {  	_ =	shalt  }
0x59: {  	_ =	shalt  }
0x5a: {  	_ =	shalt  }
0x5b: {  	_ =	shalt  }
0x5c: {  	_ =	shalt  }
0x5d: {  	_ =	shalt  }
0x5e: {  	_ =	shalt  }
0x5f: {  	_ =	shalt  }
0x60: {  	_ =	shalt  }
0x61: {  	_ =	shalt  }
0x62: {  	_ =	shalt  }
0x63: {  	_ =	shalt  }
0x64: {  	_ =	shalt  }
0x65: {  	_ =	shalt  }
0x66: {  	_ =	shalt  }
0x67: {  	_ =	shalt  }
0x68: {  	_ =	shalt  }
0x69: {  	_ =	shalt  }
0x6a: {  	_ =	shalt  }
0x6b: {  	_ =	shalt  }
0x6c: {  	_ =	shalt  }
0x6d: {  	_ =	shalt  }
0x6e: {  	_ =	shalt  }
0x6f: {  	_ =	shalt  }
0x70: {  	_ =	shalt  }
0x71: {  	_ =	shalt  }
0x72: {  	_ =	shalt  }
0x73: {  	_ =	shalt  }
0x74: {  	_ =	shalt  }
0x75: {  	_ =	shalt  }
0x76: {  	_ =	shalt  }
0x77: {  	_ =	shalt  }
0x78: {  	_ =	shalt  }
0x79: {  	_ =	shalt  }
0x7a: {  	_ =	shalt  }
0x7b: {  	_ =	shalt  }
0x7c: {  	_ =	shalt  }
0x7d: {  	_ =	shalt  }
0x7e: {  	_ =	shalt  }
0x7f: {  	_ =	shalt  }
0x80: {  	_ =	shalt  }
0x81: {  	_ =	shalt  }
0x82: {  	_ =	shalt  }
0x83: {  	_ =	shalt  }
0x84: {  	_ =	shalt  }
0x85: {  	_ =	shalt  }
0x86: {  	_ =	shalt  }
0x87: {  	_ =	shalt  }
.Lfunc_end0:
.L_simem_size_0:
called_computation.1_lowered:
.L_overlay_start_0:
0x88: {  	s2 =	sld [smem:$0x3FD9]  }
0x89: {  	s3 =	sld [smem:$0x3FFE];
	_ =	sdelay $0x1  }
0x8a: {  	s1 =	srdreg.scid  }
0x8b: {  	s0 =	sand.u32 $0x1, s1  }
0x8c: {  	s16 =	sshll.u32 s0, $0xA;
	s2 =	sadd.s32 s3, s2  }
0x8d: {  	s2 =	sadd.s32 s2, s16  }
0x8e: {  	[smem:$0x3FBC] =	sst s2  }
0x8f: {  	_ = 	snop  }
0x90: {  	(tm) =	ssettm $0x1  }
0x91: {  	s17 =	sld [smem:$0x3FFB];
	_ =	sdelay $0x3  }
0x92: {  	_ =	strace s17  }
0x93: {  	s2 =	sld [smem:$0x3FFC];
	_ =	sdelay $0x3  }
0x94: {  	_ =	strace s2  }
0x95: {  	s2 =	sld [smem:$0x3FFD];
	_ =	sdelay $0x3  }
0x96: {  	_ =	strace s2  }
0x97: {  	_ =	strace $0x8FFFFFFF  }
0x98: {  	s18 =	sld [smem:$0x3FDB];
	_ =	sdelay $0x1  }
0x99: {  	s19 =	simm.s32 $_scs_section_size  }
0x9a: {  	s4 =	simm.s32 $_size__tile_overlayer_lowered;
	s5 =	simm.s32 $_tile_overlayer_lowered  }
0x9b: {  	s22 =	simm.s32 $0x1BFF;
	s21 =	sshll.u32 s5, $0x1;
	s2 =	sadd.s32 s19, s18  }
0x9c: {  	s6 =	simm.s32 $0x0;
	s20 =	sshll.u32 s4, $0x1;
	s4 =	sadd.s32 s21, s2  }
0x9d: {  	[timem:s6], [sflag:s22] =	dma.local [hbm:s4], s20  }
0x9e: {  	_ =	swait.ge [sflag:s22], s20  }
0x9f: {  	s3 =	ssub.s32 $0x0, s20;
	[sflag:s22] =	ssyncset.done $0x0  }
0xa0: {  	[sflag:s22] =	ssyncadd.s32 s3;
	_ =	sdelay $0x1  }
0xa1: {  	s23 =	simm.s32 $0x1B8B  }
0xa2: {  	_ =	swait.ge [sflag:s23], $0x1  }
0xa3: {  	[sflag:s23] =	ssyncset.done $0x0  }
0xa4: {  	s25 =	simm.s32 $0x1B8E;
	s24 =	sld [smem:$0x3FFE];
	[sflag:s23] =	ssyncadd.s32 $0xFFFFFFFF  }
0xa5: {  	s26 =	simm.s32 $execute0_lowered;
	[smem:$0x3FD2] =	sst s25  }
0xa6: {  	s4 =	sshll.u32 s26, $0x1;
	_ =	strace $0x80000049;
	[dreg:$0x1] =	wrdreg $0xFFFFFFFF  }
0xa7: {  	s28 =	simm.s32 $_size_execute0_lowered;
	s2 =	sadd.s32 s2, s4;
	[dreg:$0x0] =	wrdreg $0x0  }
0xa8: {  	s4 =	sshll.u32 s28, $0x1;
	[dreg:$0x2] =	wrdreg s2  }
0xa9: {  	[dreg:$0x3] =	wrdreg s4  }
0xaa: {  	[dreg:$0x4] =	wrdreg $0xC0  }
0xab: {  	_ =	task [dreg:s6], $0x5FFFF  }
0xac: {  	[dreg:$0x1] =	wrdreg $0xFFFFFFFF  }
0xad: {  	[dreg:$0x0] =	wrdreg $0x60  }
0xae: {  	[dreg:$0x2] =	wrdreg s24  }
0xaf: {  	[dreg:$0x3] =	wrdreg $0x54000  }
0xb0: {  	[dreg:$0x4] =	wrdreg $0x9  }
0xb1: {  	_ =	task.clear_ibuf [dreg:s6], $0x5FFFF;
	_ =	strace $0x90000049  }
0xb2: {  	s29 =	simm.s32 $0x9;
	_ =	strace $0x8000004B  }
0xb3: {  	_ =	swait.ge [sflag:s29], $0x1  }
0xb4: {  	[sflag:s29] =	ssyncadd.s32 $0xFFFFFFFF  }
0xb5: {  	_ =	strace $0x9000004B  }
0xb6: {  	_ =	sfence  }
0xb7: {  	s30 =	sld [smem:$0x0];
	_ =	sdelay $0x2  }
0xb8: {  	s31 =	sshll.u32 s1, $0xD;
	s1 =	sshrl.u32 s1, $0x2  }
0xb9: {  	s3 =	sand.u32 $0x4000, s31;
	s1 =	sadd.s32 s1, s30  }
0xba: {  	s0 =	sor.u32 s3, s0;
	s1 =	sshll.u32 s1, $0x11  }
0xbb: {  	s0 =	sor.u32 s1, s0  }
0xbc: {  	s0 =	sadd.s32 $0x8F2B, s0  }
0xbd: {  	[sflag:s0] =	ssyncadd.remote.s32 $0x1  }
0xbe: {  	_ =	sfence.sel $0xFFFF  }
0xbf: {  	[dreg:$0x0] =	wrdreg $0xFFFFFFFF;
	(pc) =	sbr.abs _section_cstart, $3  }
0xc0: {  	[dreg:$0x1] =	wrdreg $0xFFFFFFFF  }
0xc1: {  	_ =	task.clear_ibuf [dreg:s6], $0x2FFFF;
	_ =	strace $0x9FFFFFFF  }
0xc2: {  	(tm) =	ssettm $0x7FFFFFFF  }
0xc3: {  	_ =	shalt  }
tec
execute0_lowered:
.L_overlay_start_1:
0x0: {  	(tag) =	ssettag $0x1  }
0x1: {  	s10 =	rddreg [dreg:$0x0]  }
0x2: {  	s1 =	rddreg [dreg:$0x1]  }
0x3: {  	s2 =	simm.s32 $0x0;
	s3 =	srdreg.scid;
	s0 =	stileid.u32  }
0x4: {  	s16 =	simm.s32 $0x8E800;
	s17 =	simm.s32 $0x1400;
	s18 =	simm.s32 $0x1  }
0x5: {  	s19 =	simm.s32 $0x3400;
	s20 =	simm.s32 $0x2;
	[smem:$0x7FF] =	sst s2  }
0x6: {  	s4 =	sadd.s32 $0x24C00, s10;
	s8 =	sand.u32 $0x1, s3;
	s5 =	sadd.s32 $0x98800, s10  }
0x7: {  	s6 =	sadd.s32 $0x22400, s10;
	s11 =	smul.u32 $0xA000, s0;
	s31 =	sshll.u32 s0, $0x6  }
0x8: {  	_ =	strace $0x8000004A;
	s7 =	smul.u32 $0x14000, s8;
	s9 =	ssub.s32 $0x2, s8  }
0x9: {  	p0 =	seq.s32 s8, $0x0;
	s8 =	sor.u32 $0x1C04, s31;
	s13 =	sshrl.u32 s9, $0x1  }
0xa: {  	s14 =	sadd.s32 s11, s1;
	s12 =	sadd.s32 s7, s10;
	s7 =	smul.u32 $0x5000, s0  }
.Ltmp0:
0xb: {  	s16 =	simm.s32 @!p0 $0x84800;
	s22 =	sshrl.u32 s11, $0x3;
	(pc) =	sbr.rel .LBB2_1-.Ltmp0, $4  }
0xc: {  	s13 =	ssub.s32 s9, s13;
	s10 =	sadd.s32 s16, s10;
	s16 =	simm.s32 $0x80  }
0xd: {  	s21 =	sadd.s32 $0xA2800, s12;
	s11 =	smax.u32 s13, $0x1;
	s13 =	sshrl.u32 s14, $0x3  }
0xe: {  	s14 =	simm.s32 $0x4;
	s15 =	sshrl.u32 s7, $0x3;
	s21 =	sadd.s32 s22, s21  }
0xf: {  	s22 =	simm.s32 $0x0;
	s9 =	sadd.s32 s5, s15;
	s12 =	sadd.s32 s10, s15  }
.LBB2_4:
0x10: {  	[spmem:s1] =	stream.indirect.scatter.add.f32 [tilespmem:s19], [sflag:$0x2], $0x40, s25, s16, $0xb8;
	[tilespmem:$0xF400] =	vst v63  }
0x11: {  	_ =	swait.ge [sflag:s20], $0x2000  }
0x12: {  	s22 =	sadd.s32 $0x1, s22;
	[sflag:s20] =	ssyncset.done $0x0  }
0x13: {  	p0 =	sne.s32 s22, s11;
	[sflag:s20] =	ssyncadd.s32 $0xFFFFE000  }
.Ltmp1:
0x14: {  	[bflag:$0x0] =	sbarrier.arrive $0xFFFF;
	(pc) =	sbr.rel @!p0 .LBB2_5-.Ltmp1, $4  }
0x15: {  	[hbm:s21], [sflag:s8] =	dma.local [spmem:s13], $0x1400  }
0x16: {  	_ =	swait.ge [sflag:s14], $0x1400  }
0x17: {  	[sflag:s14] =	ssyncset.done $0x0  }
0x18: {  	[sflag:s14] =	ssyncadd.s32 $0xFFFFEC00  }
.LBB2_1:
0x19: {  	[spmem:s13], [sflag:s8] =	dma.local [hbm:s6], $0x1400  }
0x1a: {  	_ =	swait.ge [sflag:s14], $0x1400  }
0x1b: {  	[sflag:s14] =	ssyncset.done $0x0  }
0x1c: {  	s0 =	simm.s32 $0xA00;
	[sflag:s14] =	ssyncadd.s32 $0xFFFFEC00  }
0x1d: {  	[tilespmem:s0], [sflag:$0x4] =	stream.linear.gather [hbm4b:s9+s2], $0x500, $0x38;
	[tilespmem:$0xF400] =	vst v63  }
0x1e: {  	_ =	swait.ge [sflag:s14], $0x500  }
0x1f: {  	[sflag:s14] =	ssyncset.done $0x0  }
0x20: {  	[sflag:s14] =	ssyncadd.s32 $0xFFFFFB00  }
0x21: {  	[tilespmem:s2], [sflag:$0x4] =	stream.linear.gather [hbm4b:s12+s2], $0x500, $0x38;
	[tilespmem:$0xF400] =	vst v63  }
0x22: {  	_ =	swait.ge [sflag:s14], $0x500  }
0x23: {  	[sflag:s14] =	ssyncset.done $0x0  }
0x24: {  	[sflag:s14] =	ssyncadd.s32 $0xFFFFFB00  }
0x25: {  	s23 =	simm.s32 $0x0;
	[bflag:$0x0] =	sbarrier.arrive $0xFFFF  }
0x26: {  	[tilespmem:s17], [sflag:$0x1] =	stream.indirect.gather [hbm4b:s4+s16], $0x40, s2, s16, $0xb8;
	[tilespmem:$0xF400] =	vst v63  }
.LBB2_2:
0x27: {  	s24 =	sshll.u32 s23, $0x1  }
0x28: {  	s25 =	sand.u32 $0xFE, s24  }
0x29: {  	s25 =	smul.u32 $0xCD, s25;
	_ =	sdelay $0x1  }
0x2a: {  	s25 =	sshrl.u32 s25, $0xB  }
0x2b: {  	s25 =	smul.u32 $0xA, s25;
	_ =	sdelay $0x1  }
0x2c: {  	s26 =	sand.u32 $0xFF, s23;
	p1 =	sgt.u32 s23, $0x4A;
	s25 =	ssub.s32 s24, s25  }
0x2d: {  	p3 =	seq.s32 s23, $0x0;
	s26 =	smul.u32 $0xCD, s26;
	s28 =	sand.u32 @!p1 $0xFF, s25  }
0x2e: {  	s29 =	simm.s32 @!p3 $0x2;
	p2 =	sne.s32 @!p1 s28, $0x0  }
0x2f: {  	_ =	swait.ge @!p3 [sflag:s29], $0x2000;
	s26 =	sshrl.u32 s26, $0xA;
	p0 =	por p2, p1  }
0x30: {  	[sflag:s29] =	ssyncset.done @!p3 $0x0;
	s28 =	sadd.s32 @!p0 $0x1, s26  }
0x31: {  	[sflag:s29] =	ssyncadd.s32 @!p3 $0xFFFFE000;
	s30 =	sand.u32 @!p0 $0x1, s28  }
0x32: {  	s28 =	smul.u32 @!p0 $0x500, s28;
	p4 =	seq.s32 @!p0 s30, $0x1;
	s30 =	sor.u32 $0x1, s24  }
0x33: {  	s29 =	simm.s32 @!p0 $0x500;
	p2 =	por @!p1 !p4, p2;
	s0 =	sand.u32 $0xFF, s30  }
0x34: {  	s28 =	sadd.s32 @!p0 s7, s28;
	p1 =	por !p2, p1;
	s0 =	smul.u32 $0xCD, s0  }
0x35: {  	s15 =	simm.s32 @!p0 $0x0;
	s28 =	sshrl.u32 @!p0 s28, $0x3;
	s29 =	simm.s32 @!p1 $0x0  }
0x36: {  	s3 =	sadd.s32 @!p0 s5, s28;
	s31 =	sor.u32 @!p0 $0xA00, s29;
	s0 =	sshrl.u32 s0, $0xB  }
0x37: {  	[tilespmem:s31], [sflag:$0x3] =	stream.linear.gather @!p0 [hbm4b:s3+s15], $0x500, $0x38;
	[tilespmem:$0xF400] =	vst v63  }
0x38: {  	s3 =	sadd.s32 @!p0 s10, s28;
	s0 =	smul.u32 $0xA, s0  }
0x39: {  	[tilespmem:s29], [sflag:$0x3] =	stream.linear.gather @!p0 [hbm4b:s3+s15], $0x500, $0x38;
	[tilespmem:$0xF400] =	vst v63  }
0x3a: {  	s0 =	ssub.s32 s30, s0;
	s29 =	sand.u32 $0x1, s26;
	s3 =	simm.s32 $0x500  }
0x3b: {  	s30 =	sand.u32 $0xFE, s25;
	_ =	swait.ge [sflag:s18], $0x2000;
	s0 =	sand.u32 $0xFF, s0  }
0x3c: {  	p0 =	seq.s32 s29, $0x1;
	s15 =	sshll.u32 s30, $0x7;
	s0 =	sshll.u32 s0, $0x9  }
0x3d: {  	[sflag:s18] =	ssyncset.done $0x0;
	s3 =	simm.s32 @!p0 $0x0;
	s0 =	sshrl.u32 s0, $0x2  }
0x3e: {  	[sflag:s18] =	ssyncadd.s32 $0xFFFFE000;
	s31 =	sadd.s32 s0, s3;
	s3 =	sor.u32 $0xA00, s3  }
0x3f: {  	[tilespmem:s19], [sflag:$0x1] =	stream.indirect.gather [hbm4b:s4+s16], $0x40, s31, s16, $0xb8;
	[tilespmem:$0xF400] =	vst v63  }
0x40: {  	s15 =	sadd.s32 s15, s3  }
0x41: {  	[spmem:s1] =	stream.indirect.scatter.add.f32 [tilespmem:s17], [sflag:$0x2], $0x40, s15, s16, $0xb8;
	[tilespmem:$0xF400] =	vst v63  }
0x42: {  	p0 =	seq.s32 s23, $0x4F;
	_ =	swait.ge [sflag:s20], $0x2000  }
.Ltmp2:
0x43: {  	[sflag:s20] =	ssyncset.done $0x0;
	(pc) =	sbr.rel @p0 .LBB2_4-.Ltmp2, $4  }
0x44: {  	[sflag:s20] =	ssyncadd.s32 $0xFFFFE000  }
0x45: {  	_ =	swait.ge [sflag:s18], $0x2000  }
0x46: {  	[sflag:s18] =	ssyncset.done $0x0  }
0x47: {  	s25 =	sadd.s32 s0, s3;
	[sflag:s18] =	ssyncadd.s32 $0xFFFFE000  }
0x48: {  	s0 =	sadd.s32 $0x2, s24  }
0x49: {  	s3 =	sand.u32 $0xFF, s0  }
0x4a: {  	s3 =	smul.u32 $0xCD, s3;
	_ =	sdelay $0x1  }
0x4b: {  	s3 =	sshrl.u32 s3, $0xB  }
0x4c: {  	s15 =	smul.u32 $0xA, s3;
	_ =	sdelay $0x1  }
0x4d: {  	s0 =	ssub.s32 s0, s15  }
0x4e: {  	s0 =	sand.u32 $0xFF, s0  }
0x4f: {  	p0 =	sne.s32 s0, $0x0  }
0x50: {  	s15 =	simm.s32 @!p0 $0x3  }
0x51: {  	_ =	swait.ge @!p0 [sflag:s15], $0x500  }
0x52: {  	s3 =	sand.u32 $0x1, s3;
	[sflag:s15] =	ssyncset.done @!p0 $0x0  }
0x53: {  	p1 =	seq.s32 s3, $0x1;
	s3 =	simm.s32 $0x500;
	[sflag:s15] =	ssyncadd.s32 @!p0 $0xFFFFFB00  }
0x54: {  	s3 =	simm.s32 @!p1 $0x0;
	_ =	swait.ge @!p0 [sflag:s15], $0x500  }
.Ltmp3:
0x55: {  	s0 =	sshll.u32 s0, $0x7;
	[sflag:s15] =	ssyncset.done @!p0 $0x0;
	(pc) =	sbr.rel .LBB2_2-.Ltmp3, $4  }
0x56: {  	s0 =	sadd.s32 s0, s3;
	[sflag:s15] =	ssyncadd.s32 @!p0 $0xFFFFFB00  }
0x57: {  	[tilespmem:s17], [sflag:$0x1] =	stream.indirect.gather [hbm4b:s4+s16], $0x40, s0, s16, $0xb8;
	[tilespmem:$0xF400] =	vst v63  }
0x58: {  	s23 =	sadd.s32 $0x1, s23  }
0x59: {  	[spmem:s1] =	stream.indirect.scatter.add.f32 [tilespmem:s19], [sflag:$0x2], $0x40, s25, s16, $0xb8;
	[tilespmem:$0xF400] =	vst v63  }
.LBB2_5:
0x5a: {  	_ =	sfence.sel $0x180000  }
0x5b: {  	[bflag:$0x0] =	sbarrier.arrive $0xFFFF  }
0x5c: {  	_ =	strace $0x9000004A  }
0x5d: {  	s0 =	stileid.u32;
	[bflag:$0x2] =	sbarrier.arrive $0xFFFF  }
0x5e: {  	p0 =	sne.s32 s0, $0x0;
	s0 =	rddreg [dreg:$0x2]  }
0x5f: {  	s0 =	sadd.s32 @!p0 $0x100000, s0  }
0x60: {  	[sflag:s0] =	ssyncadd.tile.s32 @!p0 $0x1;
	_ =	shalt  }
.Lfunc_end2:
_tile_overlayer_lowered:
.L_overlay_start_2:
0x61: {  	(tag) =	ssettag $0x2  }
0x62: {  	s0 =	rddreg [dreg:$0x0];
	s2 =	stileid.u32  }
0x63: {  	s1 =	rddreg [dreg:$0x1];
	p0 =	sne.s32 s2, $0x0  }
0x64: {  	s3 =	rddreg [dreg:$0x2];
	[bflag:$0x3] =	sbarrier.arrive $0xFFFF;
	s2 =	simm.s32 @!p0 $0x1C04  }
0x65: {  	[timem:s3], [sflag:s2] =	dma.local @!p0 [hbm:s0], s1  }
0x66: {  	s0 =	simm.s32 @!p0 $0x4  }
0x67: {  	_ =	swait.ge @!p0 [sflag:s0], s1  }
0x68: {  	s1 =	ssub.s32 @!p0 $0x0, s1;
	[sflag:s0] =	ssyncset.done @!p0 $0x0  }
0x69: {  	[sflag:s0] =	ssyncadd.s32 @!p0 s1  }
0x6a: {  	[bflag:$0x3] =	sbarrier.arrive $0xFFFF  }
0x6b: {  	_ =	shalt  }

</sc_bundles>
